<compile_context>
chip_gen: v7x
topology: tpu7x:2x2x1
jax: 0.10.2.dev20260603
libtpu: 0.0.44.dev20260713+nightly
codegen_flags: <defaults>
</compile_context>

<pallas_src>
import functools

import jax
import jax.numpy as jnp
from jax import lax
from jax.experimental import pallas as pl
from jax.experimental.pallas import tpu as pltpu
from jax.experimental.pallas import tpu_sc as plsc

_NB = 64


@functools.partial(jax.jit, static_argnames=("b", "t"))
def _lookup_t(xq, w2, *, b, t):
    mesh = plsc.VectorSubcoreMesh(core_axis_name="c", subcore_axis_name="s")
    info = plsc.get_sparse_core_info()
    nc = info.num_cores
    nw = nc * info.num_subcores
    n = b * t
    bt = b // 128
    chunks_per_j = bt // _NB
    sub_o = _NB * 512

    @functools.partial(
        pl.kernel,
        mesh=mesh,
        out_type=jax.ShapeDtypeStruct((4 * n,), jnp.float32),
        scratch_types=[
            pltpu.VMEM((_NB, 128), jnp.int32),
            pltpu.VMEM((_NB, 128), jnp.int32),
            pltpu.VMEM((sub_o,), jnp.float32),
            pltpu.VMEM((sub_o,), jnp.float32),
            pltpu.VMEM((16, 16), jnp.float32),
            pltpu.SemaphoreType.DMA,
            pltpu.SemaphoreType.DMA,
            pltpu.SemaphoreType.DMA,
        ],
        compiler_params=pltpu.CompilerParams(needs_layout_passes=False),
    )
    def k(
        x_hbm,
        w_hbm,
        out_hbm,
        x_v0,
        x_v1,
        out_v0,
        out_v1,
        tbl_v,
        in_sem,
        out_sem0,
        out_sem1,
    ):
        wid = lax.axis_index("s") * nc + lax.axis_index("c")
        n_chunks = t * chunks_per_j
        q_lo = (wid * n_chunks) // nw
        q_hi = ((wid + 1) * n_chunks) // nw
        steps = q_hi - q_lo

        pltpu.sync_copy(w_hbm, tbl_v)
        io = lax.iota(jnp.int32, 16)
        x_vs = (x_v0, x_v1)
        out_vs = (out_v0, out_v1)
        out_sems = (out_sem0, out_sem1)

        def step_coords(step):
            q = q_lo + step
            j = q // chunks_per_j
            b0 = (q % chunks_per_j) * _NB
            return j, b0

        def start_in(step, slot):
            j, b0 = step_coords(step)
            pltpu.async_copy(
                x_hbm.at[j // 8, pl.ds(pl.multiple_of(b0, 8), _NB), j % 8],
                x_vs[slot],
                in_sem,
            )

        def wait_in(slot):
            pltpu.make_async_copy(
                x_hbm.at[0, pl.ds(0, _NB), 0], x_vs[slot], in_sem
            ).wait()

        def wait_out(slot):
            pltpu.make_async_copy(
                out_vs[slot], out_hbm.at[pl.ds(0, sub_o)], out_sems[slot]
            ).wait()

        start_in(0, 0)

        def pair_body(it2, _):
            for slot in (0, 1):
                step = 2 * it2 + slot
                x_v = x_vs[slot]
                out_v = out_vs[slot]

                @pl.when(step < steps)
                def _():
                    wait_in(slot)

                    @pl.when(step + 1 < steps)
                    def _():
                        start_in(step + 1, 1 - slot)

                    @pl.when(it2 >= 1)
                    def _():
                        wait_out(slot)

                    @plsc.parallel_loop(0, _NB, unroll=1)
                    def blk_body(blk):
                        ob = blk * 512
                        tix = [
                            lax.shift_left(x_v[blk, pl.ds(16 * v, 16)], 2)
                            for v in range(8)
                        ]
                        for kk in range(4):
                            os = [
                                plsc.load_gather(tbl_v, [tix[v] + kk, io])
                                for v in range(8)
                            ]
                            for v in range(8):
                                out_v[pl.ds(ob + 128 * kk + 16 * v, 16)] = (
                                    os[v]
                                )

                    j, b0 = step_coords(step)
                    off = pl.multiple_of((j * bt + b0) * 512, 8)
                    pltpu.async_copy(
                        out_v, out_hbm.at[pl.ds(off, sub_o)], out_sems[slot]
                    )
            return 0

        lax.fori_loop(0, (steps + 1) // 2, pair_body, 0)
        wait_out(0)
        wait_out(1)

    return k(xq, w2)


def kernel(x, emb_weight):
    b, t = x.shape
    assert b % 128 == 0 and t % 8 == 0
    xq = (
        x.astype(jnp.int32)
        .reshape(b // 128, 128, t // 8, 8)
        .transpose(2, 0, 3, 1)
    )
    w_flat = emb_weight.reshape(16).astype(jnp.float32)
    w2 = jnp.tile(w_flat[:, None], (1, 16))

    y_flat = _lookup_t(xq, w2, b=b, t=t)
    z = y_flat.reshape(t, b // 128, 4, 128)
    return z.transpose(1, 3, 0, 2).reshape(b, t, 4)

# --- scband reference (transcript-rebuilt; emitter-appended) ---
"""Pipeline reference for scband-a-54511724921016 (READ-ONLY COPY).

The authoritative reference and input builder live on the scoring server;
editing this copy changes nothing except your own understanding.
"""

import jax, jax.numpy as jnp
import numpy as np


def setup_inputs(seed: int = 0) -> dict:
    key = jax.random.key(seed)
    k_x, k_w = jax.random.split(key)
    x = jax.random.randint(k_x, (16384, 200), 0, 4, dtype=jnp.int64) if jax.config.jax_enable_x64 else jax.random.randint(k_x, (16384, 200), 0, 4, dtype=jnp.int32)
    emb_weight = jax.random.normal(k_w, (4, 4), dtype=jnp.float32)
    return {"x": x, "emb_weight": emb_weight}


def reference(x, emb_weight):
    # Faithful translation of nn.Embedding lookup: y = emb.weight[x]
    y = jnp.take(emb_weight, x, axis=0)
    return y

if __name__ == "__main__":
    import jax
    _d = setup_inputs()
    print(jax.jit(kernel)(*tuple(_d.values())))

</pallas_src>

<mosaic_0001>
#map = affine_map<(d0, d1) -> (0, 0, 0, 0)>
#map1 = affine_map<(d0, d1) -> (0, 0)>
#map2 = affine_map<(d0, d1) -> (0)>
module attributes {stable_mosaic.version = 14 : i64} {
  func.func @k(%arg0: i32, %arg1: i32, %arg2: memref<25x128x8x128xi32, #tpu.memory_space<hbm>>, %arg3: memref<16x16xf32, #tpu.memory_space<hbm>>, %arg4: memref<13107200xf32, #tpu.memory_space<hbm>>, %arg5: memref<64x128xi32, #tpu.memory_space<vmem>>, %arg6: memref<64x128xi32, #tpu.memory_space<vmem>>, %arg7: memref<32768xf32, #tpu.memory_space<vmem>>, %arg8: memref<32768xf32, #tpu.memory_space<vmem>>, %arg9: memref<16x16xf32, #tpu.memory_space<vmem>>, %arg10: memref<!tpu.dma_semaphore, #tpu.memory_space<semaphore_mem>>, %arg11: memref<!tpu.dma_semaphore, #tpu.memory_space<semaphore_mem>>, %arg12: memref<!tpu.dma_semaphore, #tpu.memory_space<semaphore_mem>>) attributes {dimension_semantics = [#tpu.dimension_semantics<core_parallel>, #tpu.dimension_semantics<subcore_parallel>], iteration_bounds = array<i64: 2, 16>, scalar_prefetch = 0 : i64, scratch_operands = 8 : i64, tpu.core_type = #tpu.core_type<sc_vector_subcore>, window_params = [{transform_indices = #map}, {transform_indices = #map1}, {transform_indices = #map2}]} {
    %mul3A = arith.constant 2 : i32
    %mul3A_0 = arith.muli %arg1, %mul3A : i32
    %add3A = arith.addi %mul3A_0, %arg0 : i32
    %mul3A_1 = arith.constant 400 : i32
    %mul3A_2 = arith.muli %add3A, %mul3A_1 : i32
    %jit3A = arith.constant 32 : i32
    %div3A = arith.divsi %mul3A_2, %jit3A : i32
    %sign3A = arith.constant 0 : i32
    %sign3A_3 = arith.cmpi sgt, %mul3A_2, %sign3A : i32
    %sign3A_4 = arith.extui %sign3A_3 : i1 to i32
    %sign3A_5 = arith.constant 0 : i32
    %sign3A_6 = arith.cmpi slt, %mul3A_2, %sign3A_5 : i32
    %sign3A_7 = arith.extui %sign3A_6 : i1 to i32
    %sign3A_8 = arith.subi %sign3A_4, %sign3A_7 : i32
    %sign3A_9 = arith.constant 0 : i32
    %sign3A_10 = arith.cmpi sgt, %jit3A, %sign3A_9 : i32
    %sign3A_11 = arith.extui %sign3A_10 : i1 to i32
    %sign3A_12 = arith.constant 0 : i32
    %sign3A_13 = arith.cmpi slt, %jit3A, %sign3A_12 : i32
    %sign3A_14 = arith.extui %sign3A_13 : i1 to i32
    %sign3A_15 = arith.subi %sign3A_11, %sign3A_14 : i32
    %ne3A = arith.cmpi ne, %sign3A_8, %sign3A_15 : i32
    %rem3A = arith.remsi %mul3A_2, %jit3A : i32
    %ne3A_16 = arith.constant 0 : i32
    %ne3A_17 = arith.cmpi ne, %rem3A, %ne3A_16 : i32
    %and3A = arith.andi %ne3A, %ne3A_17 : i1
    %sub3A = arith.constant 1 : i32
    %sub3A_18 = arith.subi %div3A, %sub3A : i32
    %select_n3A = arith.select %and3A, %sub3A_18, %div3A : i32
    %add3A_19 = arith.constant 1 : i32
    %add3A_20 = arith.addi %add3A, %add3A_19 : i32
    %mul3A_21 = arith.constant 400 : i32
    %mul3A_22 = arith.muli %add3A_20, %mul3A_21 : i32
    %jit3A_23 = arith.constant 32 : i32
    %div3A_24 = arith.divsi %mul3A_22, %jit3A_23 : i32
    %sign3A_25 = arith.constant 0 : i32
    %sign3A_26 = arith.cmpi sgt, %mul3A_22, %sign3A_25 : i32
    %sign3A_27 = arith.extui %sign3A_26 : i1 to i32
    %sign3A_28 = arith.constant 0 : i32
    %sign3A_29 = arith.cmpi slt, %mul3A_22, %sign3A_28 : i32
    %sign3A_30 = arith.extui %sign3A_29 : i1 to i32
    %sign3A_31 = arith.subi %sign3A_27, %sign3A_30 : i32
    %sign3A_32 = arith.constant 0 : i32
    %sign3A_33 = arith.cmpi sgt, %jit3A_23, %sign3A_32 : i32
    %sign3A_34 = arith.extui %sign3A_33 : i1 to i32
    %sign3A_35 = arith.constant 0 : i32
    %sign3A_36 = arith.cmpi slt, %jit3A_23, %sign3A_35 : i32
    %sign3A_37 = arith.extui %sign3A_36 : i1 to i32
    %sign3A_38 = arith.subi %sign3A_34, %sign3A_37 : i32
    %ne3A_39 = arith.cmpi ne, %sign3A_31, %sign3A_38 : i32
    %rem3A_40 = arith.remsi %mul3A_22, %jit3A_23 : i32
    %ne3A_41 = arith.constant 0 : i32
    %ne3A_42 = arith.cmpi ne, %rem3A_40, %ne3A_41 : i32
    %and3A_43 = arith.andi %ne3A_39, %ne3A_42 : i1
    %sub3A_44 = arith.constant 1 : i32
    %sub3A_45 = arith.subi %div3A_24, %sub3A_44 : i32
    %select_n3A_46 = arith.select %and3A_43, %sub3A_45, %div3A_24 : i32
    %sub3A_47 = arith.subi %select_n3A_46, %select_n3A : i32
    "tpu.region"() ({
      %run_scoped3A = tpu.sem_alloc : memref<!tpu.dma_semaphore, #tpu.memory_space<semaphore_mem>>
      tpu.enqueue_dma source(%arg3 : memref<16x16xf32, #tpu.memory_space<hbm>>) target(%arg9 : memref<16x16xf32, #tpu.memory_space<vmem>>) target_semaphore(%run_scoped3A : memref<!tpu.dma_semaphore, #tpu.memory_space<semaphore_mem>>)
      tpu.wait_dma2 semaphore(%run_scoped3A : memref<!tpu.dma_semaphore, #tpu.memory_space<semaphore_mem>>) src(%arg3 : memref<16x16xf32, #tpu.memory_space<hbm>>) dst(%arg9 : memref<16x16xf32, #tpu.memory_space<vmem>>)
      tpu.yield
    }) : () -> ()
    %iota3A = tpu.iota {dimensions = array<i32: 0>} : vector<16xi32>
    %add3A_48 = arith.constant 0 : i32
    %add3A_49 = arith.addi %select_n3A, %add3A_48 : i32
    %jit3A_50 = arith.constant 2 : i32
    %div3A_51 = arith.divsi %add3A_49, %jit3A_50 : i32
    %sign3A_52 = arith.constant 0 : i32
    %sign3A_53 = arith.cmpi sgt, %add3A_49, %sign3A_52 : i32
    %sign3A_54 = arith.extui %sign3A_53 : i1 to i32
    %sign3A_55 = arith.constant 0 : i32
    %sign3A_56 = arith.cmpi slt, %add3A_49, %sign3A_55 : i32
    %sign3A_57 = arith.extui %sign3A_56 : i1 to i32
    %sign3A_58 = arith.subi %sign3A_54, %sign3A_57 : i32
    %sign3A_59 = arith.constant 0 : i32
    %sign3A_60 = arith.cmpi sgt, %jit3A_50, %sign3A_59 : i32
    %sign3A_61 = arith.extui %sign3A_60 : i1 to i32
    %sign3A_62 = arith.constant 0 : i32
    %sign3A_63 = arith.cmpi slt, %jit3A_50, %sign3A_62 : i32
    %sign3A_64 = arith.extui %sign3A_63 : i1 to i32
    %sign3A_65 = arith.subi %sign3A_61, %sign3A_64 : i32
    %ne3A_66 = arith.cmpi ne, %sign3A_58, %sign3A_65 : i32
    %rem3A_67 = arith.remsi %add3A_49, %jit3A_50 : i32
    %ne3A_68 = arith.constant 0 : i32
    %ne3A_69 = arith.cmpi ne, %rem3A_67, %ne3A_68 : i32
    %and3A_70 = arith.andi %ne3A_66, %ne3A_69 : i1
    %sub3A_71 = arith.constant 1 : i32
    %sub3A_72 = arith.subi %div3A_51, %sub3A_71 : i32
    %select_n3A_73 = arith.select %and3A_70, %sub3A_72, %div3A_51 : i32
    %jit3A_74 = arith.constant 2 : i32
    %eq3A = arith.constant 0 : i32
    %eq3A_75 = arith.cmpi eq, %jit3A_74, %eq3A : i32
    %jit3A_76 = arith.constant 1 : i32
    %select_n3A_77 = arith.select %eq3A_75, %jit3A_76, %jit3A_74 : i32
    %rem3A_78 = arith.remsi %add3A_49, %select_n3A_77 : i32
    %ne3A_79 = arith.constant 0 : i32
    %ne3A_80 = arith.cmpi ne, %rem3A_78, %ne3A_79 : i32
    %lt3A = arith.constant 0 : i32
    %lt3A_81 = arith.cmpi slt, %rem3A_78, %lt3A : i32
    %lt3A_82 = arith.constant 0 : i32
    %lt3A_83 = arith.cmpi slt, %select_n3A_77, %lt3A_82 : i32
    %ne3A_84 = arith.xori %lt3A_81, %lt3A_83 : i1
    %and3A_85 = arith.andi %ne3A_84, %ne3A_80 : i1
    %add3A_86 = arith.addi %rem3A_78, %select_n3A_77 : i32
    %select_n3A_87 = arith.select %and3A_85, %add3A_86, %rem3A_78 : i32
    %mul3A_88 = arith.constant 64 : i32
    %mul3A_89 = arith.muli %select_n3A_87, %mul3A_88 : i32
    %jit3A_90 = arith.constant 8 : i32
    %div3A_91 = arith.divsi %select_n3A_73, %jit3A_90 : i32
    %sign3A_92 = arith.constant 0 : i32
    %sign3A_93 = arith.cmpi sgt, %select_n3A_73, %sign3A_92 : i32
    %sign3A_94 = arith.extui %sign3A_93 : i1 to i32
    %sign3A_95 = arith.constant 0 : i32
    %sign3A_96 = arith.cmpi slt, %select_n3A_73, %sign3A_95 : i32
    %sign3A_97 = arith.extui %sign3A_96 : i1 to i32
    %sign3A_98 = arith.subi %sign3A_94, %sign3A_97 : i32
    %sign3A_99 = arith.constant 0 : i32
    %sign3A_100 = arith.cmpi sgt, %jit3A_90, %sign3A_99 : i32
    %sign3A_101 = arith.extui %sign3A_100 : i1 to i32
    %sign3A_102 = arith.constant 0 : i32
    %sign3A_103 = arith.cmpi slt, %jit3A_90, %sign3A_102 : i32
    %sign3A_104 = arith.extui %sign3A_103 : i1 to i32
    %sign3A_105 = arith.subi %sign3A_101, %sign3A_104 : i32
    %ne3A_106 = arith.cmpi ne, %sign3A_98, %sign3A_105 : i32
    %rem3A_107 = arith.remsi %select_n3A_73, %jit3A_90 : i32
    %ne3A_108 = arith.constant 0 : i32
    %ne3A_109 = arith.cmpi ne, %rem3A_107, %ne3A_108 : i32
    %and3A_110 = arith.andi %ne3A_106, %ne3A_109 : i1
    %sub3A_111 = arith.constant 1 : i32
    %sub3A_112 = arith.subi %div3A_91, %sub3A_111 : i32
    %select_n3A_113 = arith.select %and3A_110, %sub3A_112, %div3A_91 : i32
    %multiple_of3A = tpu.assume_multiple %mul3A_89, 8 : i32
    %jit3A_114 = arith.constant 8 : i32
    %eq3A_115 = arith.constant 0 : i32
    %eq3A_116 = arith.cmpi eq, %jit3A_114, %eq3A_115 : i32
    %jit3A_117 = arith.constant 1 : i32
    %select_n3A_118 = arith.select %eq3A_116, %jit3A_117, %jit3A_114 : i32
    %rem3A_119 = arith.remsi %select_n3A_73, %select_n3A_118 : i32
    %ne3A_120 = arith.constant 0 : i32
    %ne3A_121 = arith.cmpi ne, %rem3A_119, %ne3A_120 : i32
    %lt3A_122 = arith.constant 0 : i32
    %lt3A_123 = arith.cmpi slt, %rem3A_119, %lt3A_122 : i32
    %lt3A_124 = arith.constant 0 : i32
    %lt3A_125 = arith.cmpi slt, %select_n3A_118, %lt3A_124 : i32
    %ne3A_126 = arith.xori %lt3A_123, %lt3A_125 : i1
    %and3A_127 = arith.andi %ne3A_126, %ne3A_121 : i1
    %add3A_128 = arith.addi %rem3A_119, %select_n3A_118 : i32
    %select_n3A_129 = arith.select %and3A_127, %add3A_128, %rem3A_119 : i32
    %dma_start3A = arith.constant 0 : i32
    %dma_start3A_130 = tpu.memref_slice %arg2[%select_n3A_113, %multiple_of3A, %select_n3A_129, %dma_start3A] : memref<25x128x8x128xi32, #tpu.memory_space<hbm>> -> memref<1x64x1x128xi32, #tpu.memory_space<hbm>>
    %dma_start3A_131 = tpu.memref_squeeze %dma_start3A_130 : memref<1x64x1x128xi32, #tpu.memory_space<hbm>> -> memref<64x128xi32, #tpu.memory_space<hbm>>
    %dma_start3A_132 = arith.constant 0 : i32
    %dma_start3A_133 = tpu.memref_slice %arg2[%select_n3A_113, %multiple_of3A, %select_n3A_129, %dma_start3A_132] : memref<25x128x8x128xi32, #tpu.memory_space<hbm>> -> memref<1x64x1x128xi32, #tpu.memory_space<hbm>>
    %dma_start3A_134 = tpu.memref_squeeze %dma_start3A_133 : memref<1x64x1x128xi32, #tpu.memory_space<hbm>> -> memref<64x128xi32, #tpu.memory_space<hbm>>
    tpu.enqueue_dma source(%dma_start3A_134 : memref<64x128xi32, #tpu.memory_space<hbm>>) target(%arg5 : memref<64x128xi32, #tpu.memory_space<vmem>>) target_semaphore(%arg10 : memref<!tpu.dma_semaphore, #tpu.memory_space<semaphore_mem>>)
    %add3A_135 = arith.constant 1 : i32
    %add3A_136 = arith.addi %sub3A_47, %add3A_135 : i32
    %jit3A_137 = arith.constant 2 : i32
    %div3A_138 = arith.divsi %add3A_136, %jit3A_137 : i32
    %sign3A_139 = arith.constant 0 : i32
    %sign3A_140 = arith.cmpi sgt, %add3A_136, %sign3A_139 : i32
    %sign3A_141 = arith.extui %sign3A_140 : i1 to i32
    %sign3A_142 = arith.constant 0 : i32
    %sign3A_143 = arith.cmpi slt, %add3A_136, %sign3A_142 : i32
    %sign3A_144 = arith.extui %sign3A_143 : i1 to i32
    %sign3A_145 = arith.subi %sign3A_141, %sign3A_144 : i32
    %sign3A_146 = arith.constant 0 : i32
    %sign3A_147 = arith.cmpi sgt, %jit3A_137, %sign3A_146 : i32
    %sign3A_148 = arith.extui %sign3A_147 : i1 to i32
    %sign3A_149 = arith.constant 0 : i32
    %sign3A_150 = arith.cmpi slt, %jit3A_137, %sign3A_149 : i32
    %sign3A_151 = arith.extui %sign3A_150 : i1 to i32
    %sign3A_152 = arith.subi %sign3A_148, %sign3A_151 : i32
    %ne3A_153 = arith.cmpi ne, %sign3A_145, %sign3A_152 : i32
    %rem3A_154 = arith.remsi %add3A_136, %jit3A_137 : i32
    %ne3A_155 = arith.constant 0 : i32
    %ne3A_156 = arith.cmpi ne, %rem3A_154, %ne3A_155 : i32
    %and3A_157 = arith.andi %ne3A_153, %ne3A_156 : i1
    %sub3A_158 = arith.constant 1 : i32
    %sub3A_159 = arith.subi %div3A_138, %sub3A_158 : i32
    %select_n3A_160 = arith.select %and3A_157, %sub3A_159, %div3A_138 : i32
    %while3A = arith.constant 0 : i32
    %while3A_161 = arith.constant 0 : i32
    %while3A_162 = arith.subi %select_n3A_160, %while3A : i32
    %while3A_163 = arith.addi %while3A, %while3A_162 : i32
    %while3A_164 = arith.constant 1 : i32
    %while3A_165 = arith.divsi %while3A_162, %while3A_164 : i32
    %while3A_166 = arith.muli %while3A_165, %while3A_164 : i32
    %while3A_167 = arith.addi %while3A, %while3A_166 : i32
    %while3A_168 = arith.constant 1 : i32
    %while3A_169 = scf.for %while3A_179 = %while3A to %while3A_167 step %while3A_168 iter_args(%while3A_180 = %while3A_161) -> (i32)  : i32 {
      %mul3A_181 = arith.constant 2 : i32
      %mul3A_182 = arith.muli %mul3A_181, %while3A_179 : i32
      %add3A_183 = arith.constant 0 : i32
      %add3A_184 = arith.addi %mul3A_182, %add3A_183 : i32
      %lt3A_185 = arith.cmpi slt, %add3A_184, %sub3A_47 : i32
      %convert_element_type3A = arith.extui %lt3A_185 : i1 to i32
      %cond3A = arith.constant 0 : i32
      %cond3A_186 = arith.cmpi ne, %convert_element_type3A, %cond3A : i32
      scf.if %cond3A_186 {
        %dma_wait3A_196 = arith.constant 0 : i32
        %dma_wait3A_197 = arith.constant 0 : i32
        %dma_wait3A_198 = arith.constant 0 : i32
        %dma_wait3A_199 = arith.constant 0 : i32
        %dma_wait3A_200 = tpu.memref_slice %arg2[%dma_wait3A_196, %dma_wait3A_198, %dma_wait3A_197, %dma_wait3A_199] : memref<25x128x8x128xi32, #tpu.memory_space<hbm>> -> memref<1x64x1x128xi32, #tpu.memory_space<hbm>>
        %dma_wait3A_201 = tpu.memref_squeeze %dma_wait3A_200 : memref<1x64x1x128xi32, #tpu.memory_space<hbm>> -> memref<64x128xi32, #tpu.memory_space<hbm>>
        %dma_wait3A_202 = arith.constant 0 : i32
        %dma_wait3A_203 = arith.constant 0 : i32
        %dma_wait3A_204 = tpu.memref_slice %arg2[%dma_wait3A_196, %dma_wait3A_202, %dma_wait3A_197, %dma_wait3A_203] : memref<25x128x8x128xi32, #tpu.memory_space<hbm>> -> memref<1x64x1x128xi32, #tpu.memory_space<hbm>>
        %dma_wait3A_205 = tpu.memref_squeeze %dma_wait3A_204 : memref<1x64x1x128xi32, #tpu.memory_space<hbm>> -> memref<64x128xi32, #tpu.memory_space<hbm>>
        tpu.wait_dma2 semaphore(%arg10 : memref<!tpu.dma_semaphore, #tpu.memory_space<semaphore_mem>>) src(%dma_wait3A_205 : memref<64x128xi32, #tpu.memory_space<hbm>>) dst(%arg5 : memref<64x128xi32, #tpu.memory_space<vmem>>)
        %add3A_206 = arith.constant 1 : i32
        %add3A_207 = arith.addi %add3A_184, %add3A_206 : i32
        %lt3A_208 = arith.cmpi slt, %add3A_207, %sub3A_47 : i32
        %convert_element_type3A_209 = arith.extui %lt3A_208 : i1 to i32
        %cond3A_210 = arith.constant 0 : i32
        %cond3A_211 = arith.cmpi ne, %convert_element_type3A_209, %cond3A_210 : i32
        scf.if %cond3A_211 {
          %add3A_269 = arith.constant 1 : i32
          %add3A_270 = arith.addi %add3A_184, %add3A_269 : i32
          %add3A_271 = arith.addi %select_n3A, %add3A_270 : i32
          %jit3A_272 = arith.constant 2 : i32
          %div3A_273 = arith.divsi %add3A_271, %jit3A_272 : i32
          %sign3A_274 = arith.constant 0 : i32
          %sign3A_275 = arith.cmpi sgt, %add3A_271, %sign3A_274 : i32
          %sign3A_276 = arith.extui %sign3A_275 : i1 to i32
          %sign3A_277 = arith.constant 0 : i32
          %sign3A_278 = arith.cmpi slt, %add3A_271, %sign3A_277 : i32
          %sign3A_279 = arith.extui %sign3A_278 : i1 to i32
          %sign3A_280 = arith.subi %sign3A_276, %sign3A_279 : i32
          %sign3A_281 = arith.constant 0 : i32
          %sign3A_282 = arith.cmpi sgt, %jit3A_272, %sign3A_281 : i32
          %sign3A_283 = arith.extui %sign3A_282 : i1 to i32
          %sign3A_284 = arith.constant 0 : i32
          %sign3A_285 = arith.cmpi slt, %jit3A_272, %sign3A_284 : i32
          %sign3A_286 = arith.extui %sign3A_285 : i1 to i32
          %sign3A_287 = arith.subi %sign3A_283, %sign3A_286 : i32
          %ne3A_288 = arith.cmpi ne, %sign3A_280, %sign3A_287 : i32
          %rem3A_289 = arith.remsi %add3A_271, %jit3A_272 : i32
          %ne3A_290 = arith.constant 0 : i32
          %ne3A_291 = arith.cmpi ne, %rem3A_289, %ne3A_290 : i32
          %and3A_292 = arith.andi %ne3A_288, %ne3A_291 : i1
          %sub3A_293 = arith.constant 1 : i32
          %sub3A_294 = arith.subi %div3A_273, %sub3A_293 : i32
          %select_n3A_295 = arith.select %and3A_292, %sub3A_294, %div3A_273 : i32
          %jit3A_296 = arith.constant 2 : i32
          %eq3A_297 = arith.constant 0 : i32
          %eq3A_298 = arith.cmpi eq, %jit3A_296, %eq3A_297 : i32
          %jit3A_299 = arith.constant 1 : i32
          %select_n3A_300 = arith.select %eq3A_298, %jit3A_299, %jit3A_296 : i32
          %rem3A_301 = arith.remsi %add3A_271, %select_n3A_300 : i32
          %ne3A_302 = arith.constant 0 : i32
          %ne3A_303 = arith.cmpi ne, %rem3A_301, %ne3A_302 : i32
          %lt3A_304 = arith.constant 0 : i32
          %lt3A_305 = arith.cmpi slt, %rem3A_301, %lt3A_304 : i32
          %lt3A_306 = arith.constant 0 : i32
          %lt3A_307 = arith.cmpi slt, %select_n3A_300, %lt3A_306 : i32
          %ne3A_308 = arith.xori %lt3A_305, %lt3A_307 : i1
          %and3A_309 = arith.andi %ne3A_308, %ne3A_303 : i1
          %add3A_310 = arith.addi %rem3A_301, %select_n3A_300 : i32
          %select_n3A_311 = arith.select %and3A_309, %add3A_310, %rem3A_301 : i32
          %mul3A_312 = arith.constant 64 : i32
          %mul3A_313 = arith.muli %select_n3A_311, %mul3A_312 : i32
          %jit3A_314 = arith.constant 8 : i32
          %div3A_315 = arith.divsi %select_n3A_295, %jit3A_314 : i32
          %sign3A_316 = arith.constant 0 : i32
          %sign3A_317 = arith.cmpi sgt, %select_n3A_295, %sign3A_316 : i32
          %sign3A_318 = arith.extui %sign3A_317 : i1 to i32
          %sign3A_319 = arith.constant 0 : i32
          %sign3A_320 = arith.cmpi slt, %select_n3A_295, %sign3A_319 : i32
          %sign3A_321 = arith.extui %sign3A_320 : i1 to i32
          %sign3A_322 = arith.subi %sign3A_318, %sign3A_321 : i32
          %sign3A_323 = arith.constant 0 : i32
          %sign3A_324 = arith.cmpi sgt, %jit3A_314, %sign3A_323 : i32
          %sign3A_325 = arith.extui %sign3A_324 : i1 to i32
          %sign3A_326 = arith.constant 0 : i32
          %sign3A_327 = arith.cmpi slt, %jit3A_314, %sign3A_326 : i32
          %sign3A_328 = arith.extui %sign3A_327 : i1 to i32
          %sign3A_329 = arith.subi %sign3A_325, %sign3A_328 : i32
          %ne3A_330 = arith.cmpi ne, %sign3A_322, %sign3A_329 : i32
          %rem3A_331 = arith.remsi %select_n3A_295, %jit3A_314 : i32
          %ne3A_332 = arith.constant 0 : i32
          %ne3A_333 = arith.cmpi ne, %rem3A_331, %ne3A_332 : i32
          %and3A_334 = arith.andi %ne3A_330, %ne3A_333 : i1
          %sub3A_335 = arith.constant 1 : i32
          %sub3A_336 = arith.subi %div3A_315, %sub3A_335 : i32
          %select_n3A_337 = arith.select %and3A_334, %sub3A_336, %div3A_315 : i32
          %multiple_of3A_338 = tpu.assume_multiple %mul3A_313, 8 : i32
          %jit3A_339 = arith.constant 8 : i32
          %eq3A_340 = arith.constant 0 : i32
          %eq3A_341 = arith.cmpi eq, %jit3A_339, %eq3A_340 : i32
          %jit3A_342 = arith.constant 1 : i32
          %select_n3A_343 = arith.select %eq3A_341, %jit3A_342, %jit3A_339 : i32
          %rem3A_344 = arith.remsi %select_n3A_295, %select_n3A_343 : i32
          %ne3A_345 = arith.constant 0 : i32
          %ne3A_346 = arith.cmpi ne, %rem3A_344, %ne3A_345 : i32
          %lt3A_347 = arith.constant 0 : i32
          %lt3A_348 = arith.cmpi slt, %rem3A_344, %lt3A_347 : i32
          %lt3A_349 = arith.constant 0 : i32
          %lt3A_350 = arith.cmpi slt, %select_n3A_343, %lt3A_349 : i32
          %ne3A_351 = arith.xori %lt3A_348, %lt3A_350 : i1
          %and3A_352 = arith.andi %ne3A_351, %ne3A_346 : i1
          %add3A_353 = arith.addi %rem3A_344, %select_n3A_343 : i32
          %select_n3A_354 = arith.select %and3A_352, %add3A_353, %rem3A_344 : i32
          %dma_start3A_355 = arith.constant 0 : i32
          %dma_start3A_356 = tpu.memref_slice %arg2[%select_n3A_337, %multiple_of3A_338, %select_n3A_354, %dma_start3A_355] : memref<25x128x8x128xi32, #tpu.memory_space<hbm>> -> memref<1x64x1x128xi32, #tpu.memory_space<hbm>>
          %dma_start3A_357 = tpu.memref_squeeze %dma_start3A_356 : memref<1x64x1x128xi32, #tpu.memory_space<hbm>> -> memref<64x128xi32, #tpu.memory_space<hbm>>
          %dma_start3A_358 = arith.constant 0 : i32
          %dma_start3A_359 = tpu.memref_slice %arg2[%select_n3A_337, %multiple_of3A_338, %select_n3A_354, %dma_start3A_358] : memref<25x128x8x128xi32, #tpu.memory_space<hbm>> -> memref<1x64x1x128xi32, #tpu.memory_space<hbm>>
          %dma_start3A_360 = tpu.memref_squeeze %dma_start3A_359 : memref<1x64x1x128xi32, #tpu.memory_space<hbm>> -> memref<64x128xi32, #tpu.memory_space<hbm>>
          tpu.enqueue_dma source(%dma_start3A_360 : memref<64x128xi32, #tpu.memory_space<hbm>>) target(%arg6 : memref<64x128xi32, #tpu.memory_space<vmem>>) target_semaphore(%arg10 : memref<!tpu.dma_semaphore, #tpu.memory_space<semaphore_mem>>)
        } else {
        }
        %ge3A = arith.constant 1 : i32
        %ge3A_212 = arith.cmpi sge, %while3A_179, %ge3A : i32
        %convert_element_type3A_213 = arith.extui %ge3A_212 : i1 to i32
        %cond3A_214 = arith.constant 0 : i32
        %cond3A_215 = arith.cmpi ne, %convert_element_type3A_213, %cond3A_214 : i32
        scf.if %cond3A_215 {
          %dma_wait3A_269 = arith.constant 0 : i32
          %dma_wait3A_270 = tpu.memref_slice %arg4[%dma_wait3A_269] : memref<13107200xf32, #tpu.memory_space<hbm>> -> memref<32768xf32, #tpu.memory_space<hbm>>
          %dma_wait3A_271 = arith.constant 0 : i32
          %dma_wait3A_272 = tpu.memref_slice %arg4[%dma_wait3A_271] : memref<13107200xf32, #tpu.memory_space<hbm>> -> memref<32768xf32, #tpu.memory_space<hbm>>
          tpu.wait_dma2 semaphore(%arg11 : memref<!tpu.dma_semaphore, #tpu.memory_space<semaphore_mem>>) src(%arg7 : memref<32768xf32, #tpu.memory_space<vmem>>) dst(%dma_wait3A_272 : memref<32768xf32, #tpu.memory_space<hbm>>)
        } else {
        }
        %parallel_loop3A = arith.constant 0 : i32
        %parallel_loop3A_216 = arith.constant 64 : i32
        %parallel_loop3A_217 = arith.constant 1 : i32
        scf.for %parallel_loop3A_269 = %parallel_loop3A to %parallel_loop3A_216 step %parallel_loop3A_217  : i32 {
          %parallel_loop3A_270 = arith.constant 512 : i32
          %parallel_loop3A_271 = arith.muli %parallel_loop3A_269, %parallel_loop3A_270 : i32
          %parallel_loop3A_272 = arith.index_cast %parallel_loop3A_269 : i32 to index
          %parallel_loop3A_273 = arith.constant 0 : index
          %parallel_loop3A_274 = tpu.vector_load %arg5[%parallel_loop3A_272, %parallel_loop3A_273] {strides = array<i32>} : memref<64x128xi32, #tpu.memory_space<vmem>>, vector<16xi32>,
          %parallel_loop3A_275 = arith.constant 2 : i32
          %parallel_loop3A_276 = vector.broadcast %parallel_loop3A_275 : i32 to vector<16xi32>
          %parallel_loop3A_277 = arith.shli %parallel_loop3A_274, %parallel_loop3A_276 : vector<16xi32>
          %parallel_loop3A_278 = arith.index_cast %parallel_loop3A_269 : i32 to index
          %parallel_loop3A_279 = arith.constant 16 : index
          %parallel_loop3A_280 = tpu.vector_load %arg5[%parallel_loop3A_278, %parallel_loop3A_279] {strides = array<i32>} : memref<64x128xi32, #tpu.memory_space<vmem>>, vector<16xi32>,
          %parallel_loop3A_281 = arith.constant 2 : i32
          %parallel_loop3A_282 = vector.broadcast %parallel_loop3A_281 : i32 to vector<16xi32>
          %parallel_loop3A_283 = arith.shli %parallel_loop3A_280, %parallel_loop3A_282 : vector<16xi32>
          %parallel_loop3A_284 = arith.index_cast %parallel_loop3A_269 : i32 to index
          %parallel_loop3A_285 = arith.constant 32 : index
          %parallel_loop3A_286 = tpu.vector_load %arg5[%parallel_loop3A_284, %parallel_loop3A_285] {strides = array<i32>} : memref<64x128xi32, #tpu.memory_space<vmem>>, vector<16xi32>,
          %parallel_loop3A_287 = arith.constant 2 : i32
          %parallel_loop3A_288 = vector.broadcast %parallel_loop3A_287 : i32 to vector<16xi32>
          %parallel_loop3A_289 = arith.shli %parallel_loop3A_286, %parallel_loop3A_288 : vector<16xi32>
          %parallel_loop3A_290 = arith.index_cast %parallel_loop3A_269 : i32 to index
          %parallel_loop3A_291 = arith.constant 48 : index
          %parallel_loop3A_292 = tpu.vector_load %arg5[%parallel_loop3A_290, %parallel_loop3A_291] {strides = array<i32>} : memref<64x128xi32, #tpu.memory_space<vmem>>, vector<16xi32>,
          %parallel_loop3A_293 = arith.constant 2 : i32
          %parallel_loop3A_294 = vector.broadcast %parallel_loop3A_293 : i32 to vector<16xi32>
          %parallel_loop3A_295 = arith.shli %parallel_loop3A_292, %parallel_loop3A_294 : vector<16xi32>
          %parallel_loop3A_296 = arith.index_cast %parallel_loop3A_269 : i32 to index
          %parallel_loop3A_297 = arith.constant 64 : index
          %parallel_loop3A_298 = tpu.vector_load %arg5[%parallel_loop3A_296, %parallel_loop3A_297] {strides = array<i32>} : memref<64x128xi32, #tpu.memory_space<vmem>>, vector<16xi32>,
          %parallel_loop3A_299 = arith.constant 2 : i32
          %parallel_loop3A_300 = vector.broadcast %parallel_loop3A_299 : i32 to vector<16xi32>
          %parallel_loop3A_301 = arith.shli %parallel_loop3A_298, %parallel_loop3A_300 : vector<16xi32>
          %parallel_loop3A_302 = arith.index_cast %parallel_loop3A_269 : i32 to index
          %parallel_loop3A_303 = arith.constant 80 : index
          %parallel_loop3A_304 = tpu.vector_load %arg5[%parallel_loop3A_302, %parallel_loop3A_303] {strides = array<i32>} : memref<64x128xi32, #tpu.memory_space<vmem>>, vector<16xi32>,
          %parallel_loop3A_305 = arith.constant 2 : i32
          %parallel_loop3A_306 = vector.broadcast %parallel_loop3A_305 : i32 to vector<16xi32>
          %parallel_loop3A_307 = arith.shli %parallel_loop3A_304, %parallel_loop3A_306 : vector<16xi32>
          %parallel_loop3A_308 = arith.index_cast %parallel_loop3A_269 : i32 to index
          %parallel_loop3A_309 = arith.constant 96 : index
          %parallel_loop3A_310 = tpu.vector_load %arg5[%parallel_loop3A_308, %parallel_loop3A_309] {strides = array<i32>} : memref<64x128xi32, #tpu.memory_space<vmem>>, vector<16xi32>,
          %parallel_loop3A_311 = arith.constant 2 : i32
          %parallel_loop3A_312 = vector.broadcast %parallel_loop3A_311 : i32 to vector<16xi32>
          %parallel_loop3A_313 = arith.shli %parallel_loop3A_310, %parallel_loop3A_312 : vector<16xi32>
          %parallel_loop3A_314 = arith.index_cast %parallel_loop3A_269 : i32 to index
          %parallel_loop3A_315 = arith.constant 112 : index
          %parallel_loop3A_316 = tpu.vector_load %arg5[%parallel_loop3A_314, %parallel_loop3A_315] {strides = array<i32>} : memref<64x128xi32, #tpu.memory_space<vmem>>, vector<16xi32>,
          %parallel_loop3A_317 = arith.constant 2 : i32
          %parallel_loop3A_318 = vector.broadcast %parallel_loop3A_317 : i32 to vector<16xi32>
          %parallel_loop3A_319 = arith.shli %parallel_loop3A_316, %parallel_loop3A_318 : vector<16xi32>
          %parallel_loop3A_320 = arith.constant 0 : i32
          %parallel_loop3A_321 = vector.broadcast %parallel_loop3A_320 : i32 to vector<16xi32>
          %parallel_loop3A_322 = arith.addi %parallel_loop3A_277, %parallel_loop3A_321 : vector<16xi32>
          %parallel_loop3A_323 = tpu.vector_load_idx %arg9[%parallel_loop3A_322, %iota3A] : memref<16x16xf32, #tpu.memory_space<vmem>>[vector<16xi32>, vector<16xi32>], vector<16xf32>,
          %parallel_loop3A_324 = arith.constant 0 : i32
          %parallel_loop3A_325 = vector.broadcast %parallel_loop3A_324 : i32 to vector<16xi32>
          %parallel_loop3A_326 = arith.addi %parallel_loop3A_283, %parallel_loop3A_325 : vector<16xi32>
          %parallel_loop3A_327 = tpu.vector_load_idx %arg9[%parallel_loop3A_326, %iota3A] : memref<16x16xf32, #tpu.memory_space<vmem>>[vector<16xi32>, vector<16xi32>], vector<16xf32>,
          %parallel_loop3A_328 = arith.constant 0 : i32
          %parallel_loop3A_329 = vector.broadcast %parallel_loop3A_328 : i32 to vector<16xi32>
          %parallel_loop3A_330 = arith.addi %parallel_loop3A_289, %parallel_loop3A_329 : vector<16xi32>
          %parallel_loop3A_331 = tpu.vector_load_idx %arg9[%parallel_loop3A_330, %iota3A] : memref<16x16xf32, #tpu.memory_space<vmem>>[vector<16xi32>, vector<16xi32>], vector<16xf32>,
          %parallel_loop3A_332 = arith.constant 0 : i32
          %parallel_loop3A_333 = vector.broadcast %parallel_loop3A_332 : i32 to vector<16xi32>
          %parallel_loop3A_334 = arith.addi %parallel_loop3A_295, %parallel_loop3A_333 : vector<16xi32>
          %parallel_loop3A_335 = tpu.vector_load_idx %arg9[%parallel_loop3A_334, %iota3A] : memref<16x16xf32, #tpu.memory_space<vmem>>[vector<16xi32>, vector<16xi32>], vector<16xf32>,
          %parallel_loop3A_336 = arith.constant 0 : i32
          %parallel_loop3A_337 = vector.broadcast %parallel_loop3A_336 : i32 to vector<16xi32>
          %parallel_loop3A_338 = arith.addi %parallel_loop3A_301, %parallel_loop3A_337 : vector<16xi32>
          %parallel_loop3A_339 = tpu.vector_load_idx %arg9[%parallel_loop3A_338, %iota3A] : memref<16x16xf32, #tpu.memory_space<vmem>>[vector<16xi32>, vector<16xi32>], vector<16xf32>,
          %parallel_loop3A_340 = arith.constant 0 : i32
          %parallel_loop3A_341 = vector.broadcast %parallel_loop3A_340 : i32 to vector<16xi32>
          %parallel_loop3A_342 = arith.addi %parallel_loop3A_307, %parallel_loop3A_341 : vector<16xi32>
          %parallel_loop3A_343 = tpu.vector_load_idx %arg9[%parallel_loop3A_342, %iota3A] : memref<16x16xf32, #tpu.memory_space<vmem>>[vector<16xi32>, vector<16xi32>], vector<16xf32>,
          %parallel_loop3A_344 = arith.constant 0 : i32
          %parallel_loop3A_345 = vector.broadcast %parallel_loop3A_344 : i32 to vector<16xi32>
          %parallel_loop3A_346 = arith.addi %parallel_loop3A_313, %parallel_loop3A_345 : vector<16xi32>
          %parallel_loop3A_347 = tpu.vector_load_idx %arg9[%parallel_loop3A_346, %iota3A] : memref<16x16xf32, #tpu.memory_space<vmem>>[vector<16xi32>, vector<16xi32>], vector<16xf32>,
          %parallel_loop3A_348 = arith.constant 0 : i32
          %parallel_loop3A_349 = vector.broadcast %parallel_loop3A_348 : i32 to vector<16xi32>
          %parallel_loop3A_350 = arith.addi %parallel_loop3A_319, %parallel_loop3A_349 : vector<16xi32>
          %parallel_loop3A_351 = tpu.vector_load_idx %arg9[%parallel_loop3A_350, %iota3A] : memref<16x16xf32, #tpu.memory_space<vmem>>[vector<16xi32>, vector<16xi32>], vector<16xf32>,
          %parallel_loop3A_352 = arith.constant 0 : i32
          %parallel_loop3A_353 = arith.addi %parallel_loop3A_271, %parallel_loop3A_352 : i32
          %parallel_loop3A_354 = arith.constant 0 : i32
          %parallel_loop3A_355 = arith.addi %parallel_loop3A_353, %parallel_loop3A_354 : i32
          %parallel_loop3A_356 = arith.index_cast %parallel_loop3A_355 : i32 to index
          %parallel_loop3A_357 = tpu.vector_load %arg7[%parallel_loop3A_356] {strides = array<i32>} : memref<32768xf32, #tpu.memory_space<vmem>>, vector<16xf32>,
          tpu.vector_store %arg7[%parallel_loop3A_356], %parallel_loop3A_323 {strides = array<i32>} : memref<32768xf32, #tpu.memory_space<vmem>>, vector<16xf32>,
          %parallel_loop3A_358 = arith.constant 0 : i32
          %parallel_loop3A_359 = arith.addi %parallel_loop3A_271, %parallel_loop3A_358 : i32
          %parallel_loop3A_360 = arith.constant 16 : i32
          %parallel_loop3A_361 = arith.addi %parallel_loop3A_359, %parallel_loop3A_360 : i32
          %parallel_loop3A_362 = arith.index_cast %parallel_loop3A_361 : i32 to index
          %parallel_loop3A_363 = tpu.vector_load %arg7[%parallel_loop3A_362] {strides = array<i32>} : memref<32768xf32, #tpu.memory_space<vmem>>, vector<16xf32>,
          tpu.vector_store %arg7[%parallel_loop3A_362], %parallel_loop3A_327 {strides = array<i32>} : memref<32768xf32, #tpu.memory_space<vmem>>, vector<16xf32>,
          %parallel_loop3A_364 = arith.constant 0 : i32
          %parallel_loop3A_365 = arith.addi %parallel_loop3A_271, %parallel_loop3A_364 : i32
          %parallel_loop3A_366 = arith.constant 32 : i32
          %parallel_loop3A_367 = arith.addi %parallel_loop3A_365, %parallel_loop3A_366 : i32
          %parallel_loop3A_368 = arith.index_cast %parallel_loop3A_367 : i32 to index
          %parallel_loop3A_369 = tpu.vector_load %arg7[%parallel_loop3A_368] {strides = array<i32>} : memref<32768xf32, #tpu.memory_space<vmem>>, vector<16xf32>,
          tpu.vector_store %arg7[%parallel_loop3A_368], %parallel_loop3A_331 {strides = array<i32>} : memref<32768xf32, #tpu.memory_space<vmem>>, vector<16xf32>,
          %parallel_loop3A_370 = arith.constant 0 : i32
          %parallel_loop3A_371 = arith.addi %parallel_loop3A_271, %parallel_loop3A_370 : i32
          %parallel_loop3A_372 = arith.constant 48 : i32
          %parallel_loop3A_373 = arith.addi %parallel_loop3A_371, %parallel_loop3A_372 : i32
          %parallel_loop3A_374 = arith.index_cast %parallel_loop3A_373 : i32 to index
          %parallel_loop3A_375 = tpu.vector_load %arg7[%parallel_loop3A_374] {strides = array<i32>} : memref<32768xf32, #tpu.memory_space<vmem>>, vector<16xf32>,
          tpu.vector_store %arg7[%parallel_loop3A_374], %parallel_loop3A_335 {strides = array<i32>} : memref<32768xf32, #tpu.memory_space<vmem>>, vector<16xf32>,
          %parallel_loop3A_376 = arith.constant 0 : i32
          %parallel_loop3A_377 = arith.addi %parallel_loop3A_271, %parallel_loop3A_376 : i32
          %parallel_loop3A_378 = arith.constant 64 : i32
          %parallel_loop3A_379 = arith.addi %parallel_loop3A_377, %parallel_loop3A_378 : i32
          %parallel_loop3A_380 = arith.index_cast %parallel_loop3A_379 : i32 to index
          %parallel_loop3A_381 = tpu.vector_load %arg7[%parallel_loop3A_380] {strides = array<i32>} : memref<32768xf32, #tpu.memory_space<vmem>>, vector<16xf32>,
          tpu.vector_store %arg7[%parallel_loop3A_380], %parallel_loop3A_339 {strides = array<i32>} : memref<32768xf32, #tpu.memory_space<vmem>>, vector<16xf32>,
          %parallel_loop3A_382 = arith.constant 0 : i32
          %parallel_loop3A_383 = arith.addi %parallel_loop3A_271, %parallel_loop3A_382 : i32
          %parallel_loop3A_384 = arith.constant 80 : i32
          %parallel_loop3A_385 = arith.addi %parallel_loop3A_383, %parallel_loop3A_384 : i32
          %parallel_loop3A_386 = arith.index_cast %parallel_loop3A_385 : i32 to index
          %parallel_loop3A_387 = tpu.vector_load %arg7[%parallel_loop3A_386] {strides = array<i32>} : memref<32768xf32, #tpu.memory_space<vmem>>, vector<16xf32>,
          tpu.vector_store %arg7[%parallel_loop3A_386], %parallel_loop3A_343 {strides = array<i32>} : memref<32768xf32, #tpu.memory_space<vmem>>, vector<16xf32>,
          %parallel_loop3A_388 = arith.constant 0 : i32
          %parallel_loop3A_389 = arith.addi %parallel_loop3A_271, %parallel_loop3A_388 : i32
          %parallel_loop3A_390 = arith.constant 96 : i32
          %parallel_loop3A_391 = arith.addi %parallel_loop3A_389, %parallel_loop3A_390 : i32
          %parallel_loop3A_392 = arith.index_cast %parallel_loop3A_391 : i32 to index
          %parallel_loop3A_393 = tpu.vector_load %arg7[%parallel_loop3A_392] {strides = array<i32>} : memref<32768xf32, #tpu.memory_space<vmem>>, vector<16xf32>,
          tpu.vector_store %arg7[%parallel_loop3A_392], %parallel_loop3A_347 {strides = array<i32>} : memref<32768xf32, #tpu.memory_space<vmem>>, vector<16xf32>,
          %parallel_loop3A_394 = arith.constant 0 : i32
          %parallel_loop3A_395 = arith.addi %parallel_loop3A_271, %parallel_loop3A_394 : i32
          %parallel_loop3A_396 = arith.constant 112 : i32
          %parallel_loop3A_397 = arith.addi %parallel_loop3A_395, %parallel_loop3A_396 : i32
          %parallel_loop3A_398 = arith.index_cast %parallel_loop3A_397 : i32 to index
          %parallel_loop3A_399 = tpu.vector_load %arg7[%parallel_loop3A_398] {strides = array<i32>} : memref<32768xf32, #tpu.memory_space<vmem>>, vector<16xf32>,
          tpu.vector_store %arg7[%parallel_loop3A_398], %parallel_loop3A_351 {strides = array<i32>} : memref<32768xf32, #tpu.memory_space<vmem>>, vector<16xf32>,
          %parallel_loop3A_400 = arith.constant 1 : i32
          %parallel_loop3A_401 = vector.broadcast %parallel_loop3A_400 : i32 to vector<16xi32>
          %parallel_loop3A_402 = arith.addi %parallel_loop3A_277, %parallel_loop3A_401 : vector<16xi32>
          %parallel_loop3A_403 = tpu.vector_load_idx %arg9[%parallel_loop3A_402, %iota3A] : memref<16x16xf32, #tpu.memory_space<vmem>>[vector<16xi32>, vector<16xi32>], vector<16xf32>,
          %parallel_loop3A_404 = arith.constant 1 : i32
          %parallel_loop3A_405 = vector.broadcast %parallel_loop3A_404 : i32 to vector<16xi32>
          %parallel_loop3A_406 = arith.addi %parallel_loop3A_283, %parallel_loop3A_405 : vector<16xi32>
          %parallel_loop3A_407 = tpu.vector_load_idx %arg9[%parallel_loop3A_406, %iota3A] : memref<16x16xf32, #tpu.memory_space<vmem>>[vector<16xi32>, vector<16xi32>], vector<16xf32>,
          %parallel_loop3A_408 = arith.constant 1 : i32
          %parallel_loop3A_409 = vector.broadcast %parallel_loop3A_408 : i32 to vector<16xi32>
          %parallel_loop3A_410 = arith.addi %parallel_loop3A_289, %parallel_loop3A_409 : vector<16xi32>
          %parallel_loop3A_411 = tpu.vector_load_idx %arg9[%parallel_loop3A_410, %iota3A] : memref<16x16xf32, #tpu.memory_space<vmem>>[vector<16xi32>, vector<16xi32>], vector<16xf32>,
          %parallel_loop3A_412 = arith.constant 1 : i32
          %parallel_loop3A_413 = vector.broadcast %parallel_loop3A_412 : i32 to vector<16xi32>
          %parallel_loop3A_414 = arith.addi %parallel_loop3A_295, %parallel_loop3A_413 : vector<16xi32>
          %parallel_loop3A_415 = tpu.vector_load_idx %arg9[%parallel_loop3A_414, %iota3A] : memref<16x16xf32, #tpu.memory_space<vmem>>[vector<16xi32>, vector<16xi32>], vector<16xf32>,
          %parallel_loop3A_416 = arith.constant 1 : i32
          %parallel_loop3A_417 = vector.broadcast %parallel_loop3A_416 : i32 to vector<16xi32>
          %parallel_loop3A_418 = arith.addi %parallel_loop3A_301, %parallel_loop3A_417 : vector<16xi32>
          %parallel_loop3A_419 = tpu.vector_load_idx %arg9[%parallel_loop3A_418, %iota3A] : memref<16x16xf32, #tpu.memory_space<vmem>>[vector<16xi32>, vector<16xi32>], vector<16xf32>,
          %parallel_loop3A_420 = arith.constant 1 : i32
          %parallel_loop3A_421 = vector.broadcast %parallel_loop3A_420 : i32 to vector<16xi32>
          %parallel_loop3A_422 = arith.addi %parallel_loop3A_307, %parallel_loop3A_421 : vector<16xi32>
          %parallel_loop3A_423 = tpu.vector_load_idx %arg9[%parallel_loop3A_422, %iota3A] : memref<16x16xf32, #tpu.memory_space<vmem>>[vector<16xi32>, vector<16xi32>], vector<16xf32>,
          %parallel_loop3A_424 = arith.constant 1 : i32
          %parallel_loop3A_425 = vector.broadcast %parallel_loop3A_424 : i32 to vector<16xi32>
          %parallel_loop3A_426 = arith.addi %parallel_loop3A_313, %parallel_loop3A_425 : vector<16xi32>
          %parallel_loop3A_427 = tpu.vector_load_idx %arg9[%parallel_loop3A_426, %iota3A] : memref<16x16xf32, #tpu.memory_space<vmem>>[vector<16xi32>, vector<16xi32>], vector<16xf32>,
          %parallel_loop3A_428 = arith.constant 1 : i32
          %parallel_loop3A_429 = vector.broadcast %parallel_loop3A_428 : i32 to vector<16xi32>
          %parallel_loop3A_430 = arith.addi %parallel_loop3A_319, %parallel_loop3A_429 : vector<16xi32>
          %parallel_loop3A_431 = tpu.vector_load_idx %arg9[%parallel_loop3A_430, %iota3A] : memref<16x16xf32, #tpu.memory_space<vmem>>[vector<16xi32>, vector<16xi32>], vector<16xf32>,
          %parallel_loop3A_432 = arith.constant 128 : i32
          %parallel_loop3A_433 = arith.addi %parallel_loop3A_271, %parallel_loop3A_432 : i32
          %parallel_loop3A_434 = arith.constant 0 : i32
          %parallel_loop3A_435 = arith.addi %parallel_loop3A_433, %parallel_loop3A_434 : i32
          %parallel_loop3A_436 = arith.index_cast %parallel_loop3A_435 : i32 to index
          %parallel_loop3A_437 = tpu.vector_load %arg7[%parallel_loop3A_436] {strides = array<i32>} : memref<32768xf32, #tpu.memory_space<vmem>>, vector<16xf32>,
          tpu.vector_store %arg7[%parallel_loop3A_436], %parallel_loop3A_403 {strides = array<i32>} : memref<32768xf32, #tpu.memory_space<vmem>>, vector<16xf32>,
          %parallel_loop3A_438 = arith.constant 128 : i32
          %parallel_loop3A_439 = arith.addi %parallel_loop3A_271, %parallel_loop3A_438 : i32
          %parallel_loop3A_440 = arith.constant 16 : i32
          %parallel_loop3A_441 = arith.addi %parallel_loop3A_439, %parallel_loop3A_440 : i32
          %parallel_loop3A_442 = arith.index_cast %parallel_loop3A_441 : i32 to index
          %parallel_loop3A_443 = tpu.vector_load %arg7[%parallel_loop3A_442] {strides = array<i32>} : memref<32768xf32, #tpu.memory_space<vmem>>, vector<16xf32>,
          tpu.vector_store %arg7[%parallel_loop3A_442], %parallel_loop3A_407 {strides = array<i32>} : memref<32768xf32, #tpu.memory_space<vmem>>, vector<16xf32>,
          %parallel_loop3A_444 = arith.constant 128 : i32
          %parallel_loop3A_445 = arith.addi %parallel_loop3A_271, %parallel_loop3A_444 : i32
          %parallel_loop3A_446 = arith.constant 32 : i32
          %parallel_loop3A_447 = arith.addi %parallel_loop3A_445, %parallel_loop3A_446 : i32
          %parallel_loop3A_448 = arith.index_cast %parallel_loop3A_447 : i32 to index
          %parallel_loop3A_449 = tpu.vector_load %arg7[%parallel_loop3A_448] {strides = array<i32>} : memref<32768xf32, #tpu.memory_space<vmem>>, vector<16xf32>,
          tpu.vector_store %arg7[%parallel_loop3A_448], %parallel_loop3A_411 {strides = array<i32>} : memref<32768xf32, #tpu.memory_space<vmem>>, vector<16xf32>,
          %parallel_loop3A_450 = arith.constant 128 : i32
          %parallel_loop3A_451 = arith.addi %parallel_loop3A_271, %parallel_loop3A_450 : i32
          %parallel_loop3A_452 = arith.constant 48 : i32
          %parallel_loop3A_453 = arith.addi %parallel_loop3A_451, %parallel_loop3A_452 : i32
          %parallel_loop3A_454 = arith.index_cast %parallel_loop3A_453 : i32 to index
          %parallel_loop3A_455 = tpu.vector_load %arg7[%parallel_loop3A_454] {strides = array<i32>} : memref<32768xf32, #tpu.memory_space<vmem>>, vector<16xf32>,
          tpu.vector_store %arg7[%parallel_loop3A_454], %parallel_loop3A_415 {strides = array<i32>} : memref<32768xf32, #tpu.memory_space<vmem>>, vector<16xf32>,
          %parallel_loop3A_456 = arith.constant 128 : i32
          %parallel_loop3A_457 = arith.addi %parallel_loop3A_271, %parallel_loop3A_456 : i32
          %parallel_loop3A_458 = arith.constant 64 : i32
          %parallel_loop3A_459 = arith.addi %parallel_loop3A_457, %parallel_loop3A_458 : i32
          %parallel_loop3A_460 = arith.index_cast %parallel_loop3A_459 : i32 to index
          %parallel_loop3A_461 = tpu.vector_load %arg7[%parallel_loop3A_460] {strides = array<i32>} : memref<32768xf32, #tpu.memory_space<vmem>>, vector<16xf32>,
          tpu.vector_store %arg7[%parallel_loop3A_460], %parallel_loop3A_419 {strides = array<i32>} : memref<32768xf32, #tpu.memory_space<vmem>>, vector<16xf32>,
          %parallel_loop3A_462 = arith.constant 128 : i32
          %parallel_loop3A_463 = arith.addi %parallel_loop3A_271, %parallel_loop3A_462 : i32
          %parallel_loop3A_464 = arith.constant 80 : i32
          %parallel_loop3A_465 = arith.addi %parallel_loop3A_463, %parallel_loop3A_464 : i32
          %parallel_loop3A_466 = arith.index_cast %parallel_loop3A_465 : i32 to index
          %parallel_loop3A_467 = tpu.vector_load %arg7[%parallel_loop3A_466] {strides = array<i32>} : memref<32768xf32, #tpu.memory_space<vmem>>, vector<16xf32>,
          tpu.vector_store %arg7[%parallel_loop3A_466], %parallel_loop3A_423 {strides = array<i32>} : memref<32768xf32, #tpu.memory_space<vmem>>, vector<16xf32>,
          %parallel_loop3A_468 = arith.constant 128 : i32
          %parallel_loop3A_469 = arith.addi %parallel_loop3A_271, %parallel_loop3A_468 : i32
          %parallel_loop3A_470 = arith.constant 96 : i32
          %parallel_loop3A_471 = arith.addi %parallel_loop3A_469, %parallel_loop3A_470 : i32
          %parallel_loop3A_472 = arith.index_cast %parallel_loop3A_471 : i32 to index
          %parallel_loop3A_473 = tpu.vector_load %arg7[%parallel_loop3A_472] {strides = array<i32>} : memref<32768xf32, #tpu.memory_space<vmem>>, vector<16xf32>,
          tpu.vector_store %arg7[%parallel_loop3A_472], %parallel_loop3A_427 {strides = array<i32>} : memref<32768xf32, #tpu.memory_space<vmem>>, vector<16xf32>,
          %parallel_loop3A_474 = arith.constant 128 : i32
          %parallel_loop3A_475 = arith.addi %parallel_loop3A_271, %parallel_loop3A_474 : i32
          %parallel_loop3A_476 = arith.constant 112 : i32
          %parallel_loop3A_477 = arith.addi %parallel_loop3A_475, %parallel_loop3A_476 : i32
          %parallel_loop3A_478 = arith.index_cast %parallel_loop3A_477 : i32 to index
          %parallel_loop3A_479 = tpu.vector_load %arg7[%parallel_loop3A_478] {strides = array<i32>} : memref<32768xf32, #tpu.memory_space<vmem>>, vector<16xf32>,
          tpu.vector_store %arg7[%parallel_loop3A_478], %parallel_loop3A_431 {strides = array<i32>} : memref<32768xf32, #tpu.memory_space<vmem>>, vector<16xf32>,
          %parallel_loop3A_480 = arith.constant 2 : i32
          %parallel_loop3A_481 = vector.broadcast %parallel_loop3A_480 : i32 to vector<16xi32>
          %parallel_loop3A_482 = arith.addi %parallel_loop3A_277, %parallel_loop3A_481 : vector<16xi32>
          %parallel_loop3A_483 = tpu.vector_load_idx %arg9[%parallel_loop3A_482, %iota3A] : memref<16x16xf32, #tpu.memory_space<vmem>>[vector<16xi32>, vector<16xi32>], vector<16xf32>,
          %parallel_loop3A_484 = arith.constant 2 : i32
          %parallel_loop3A_485 = vector.broadcast %parallel_loop3A_484 : i32 to vector<16xi32>
          %parallel_loop3A_486 = arith.addi %parallel_loop3A_283, %parallel_loop3A_485 : vector<16xi32>
          %parallel_loop3A_487 = tpu.vector_load_idx %arg9[%parallel_loop3A_486, %iota3A] : memref<16x16xf32, #tpu.memory_space<vmem>>[vector<16xi32>, vector<16xi32>], vector<16xf32>,
          %parallel_loop3A_488 = arith.constant 2 : i32
          %parallel_loop3A_489 = vector.broadcast %parallel_loop3A_488 : i32 to vector<16xi32>
          %parallel_loop3A_490 = arith.addi %parallel_loop3A_289, %parallel_loop3A_489 : vector<16xi32>
          %parallel_loop3A_491 = tpu.vector_load_idx %arg9[%parallel_loop3A_490, %iota3A] : memref<16x16xf32, #tpu.memory_space<vmem>>[vector<16xi32>, vector<16xi32>], vector<16xf32>,
          %parallel_loop3A_492 = arith.constant 2 : i32
          %parallel_loop3A_493 = vector.broadcast %parallel_loop3A_492 : i32 to vector<16xi32>
          %parallel_loop3A_494 = arith.addi %parallel_loop3A_295, %parallel_loop3A_493 : vector<16xi32>
          %parallel_loop3A_495 = tpu.vector_load_idx %arg9[%parallel_loop3A_494, %iota3A] : memref<16x16xf32, #tpu.memory_space<vmem>>[vector<16xi32>, vector<16xi32>], vector<16xf32>,
          %parallel_loop3A_496 = arith.constant 2 : i32
          %parallel_loop3A_497 = vector.broadcast %parallel_loop3A_496 : i32 to vector<16xi32>
          %parallel_loop3A_498 = arith.addi %parallel_loop3A_301, %parallel_loop3A_497 : vector<16xi32>
          %parallel_loop3A_499 = tpu.vector_load_idx %arg9[%parallel_loop3A_498, %iota3A] : memref<16x16xf32, #tpu.memory_space<vmem>>[vector<16xi32>, vector<16xi32>], vector<16xf32>,
          %parallel_loop3A_500 = arith.constant 2 : i32
          %parallel_loop3A_501 = vector.broadcast %parallel_loop3A_500 : i32 to vector<16xi32>
          %parallel_loop3A_502 = arith.addi %parallel_loop3A_307, %parallel_loop3A_501 : vector<16xi32>
          %parallel_loop3A_503 = tpu.vector_load_idx %arg9[%parallel_loop3A_502, %iota3A] : memref<16x16xf32, #tpu.memory_space<vmem>>[vector<16xi32>, vector<16xi32>], vector<16xf32>,
          %parallel_loop3A_504 = arith.constant 2 : i32
          %parallel_loop3A_505 = vector.broadcast %parallel_loop3A_504 : i32 to vector<16xi32>
          %parallel_loop3A_506 = arith.addi %parallel_loop3A_313, %parallel_loop3A_505 : vector<16xi32>
          %parallel_loop3A_507 = tpu.vector_load_idx %arg9[%parallel_loop3A_506, %iota3A] : memref<16x16xf32, #tpu.memory_space<vmem>>[vector<16xi32>, vector<16xi32>], vector<16xf32>,
          %parallel_loop3A_508 = arith.constant 2 : i32
          %parallel_loop3A_509 = vector.broadcast %parallel_loop3A_508 : i32 to vector<16xi32>
          %parallel_loop3A_510 = arith.addi %parallel_loop3A_319, %parallel_loop3A_509 : vector<16xi32>
          %parallel_loop3A_511 = tpu.vector_load_idx %arg9[%parallel_loop3A_510, %iota3A] : memref<16x16xf32, #tpu.memory_space<vmem>>[vector<16xi32>, vector<16xi32>], vector<16xf32>,
          %parallel_loop3A_512 = arith.constant 256 : i32
          %parallel_loop3A_513 = arith.addi %parallel_loop3A_271, %parallel_loop3A_512 : i32
          %parallel_loop3A_514 = arith.constant 0 : i32
          %parallel_loop3A_515 = arith.addi %parallel_loop3A_513, %parallel_loop3A_514 : i32
          %parallel_loop3A_516 = arith.index_cast %parallel_loop3A_515 : i32 to index
          %parallel_loop3A_517 = tpu.vector_load %arg7[%parallel_loop3A_516] {strides = array<i32>} : memref<32768xf32, #tpu.memory_space<vmem>>, vector<16xf32>,
          tpu.vector_store %arg7[%parallel_loop3A_516], %parallel_loop3A_483 {strides = array<i32>} : memref<32768xf32, #tpu.memory_space<vmem>>, vector<16xf32>,
          %parallel_loop3A_518 = arith.constant 256 : i32
          %parallel_loop3A_519 = arith.addi %parallel_loop3A_271, %parallel_loop3A_518 : i32
          %parallel_loop3A_520 = arith.constant 16 : i32
          %parallel_loop3A_521 = arith.addi %parallel_loop3A_519, %parallel_loop3A_520 : i32
          %parallel_loop3A_522 = arith.index_cast %parallel_loop3A_521 : i32 to index
          %parallel_loop3A_523 = tpu.vector_load %arg7[%parallel_loop3A_522] {strides = array<i32>} : memref<32768xf32, #tpu.memory_space<vmem>>, vector<16xf32>,
          tpu.vector_store %arg7[%parallel_loop3A_522], %parallel_loop3A_487 {strides = array<i32>} : memref<32768xf32, #tpu.memory_space<vmem>>, vector<16xf32>,
          %parallel_loop3A_524 = arith.constant 256 : i32
          %parallel_loop3A_525 = arith.addi %parallel_loop3A_271, %parallel_loop3A_524 : i32
          %parallel_loop3A_526 = arith.constant 32 : i32
          %parallel_loop3A_527 = arith.addi %parallel_loop3A_525, %parallel_loop3A_526 : i32
          %parallel_loop3A_528 = arith.index_cast %parallel_loop3A_527 : i32 to index
          %parallel_loop3A_529 = tpu.vector_load %arg7[%parallel_loop3A_528] {strides = array<i32>} : memref<32768xf32, #tpu.memory_space<vmem>>, vector<16xf32>,
          tpu.vector_store %arg7[%parallel_loop3A_528], %parallel_loop3A_491 {strides = array<i32>} : memref<32768xf32, #tpu.memory_space<vmem>>, vector<16xf32>,
          %parallel_loop3A_530 = arith.constant 256 : i32
          %parallel_loop3A_531 = arith.addi %parallel_loop3A_271, %parallel_loop3A_530 : i32
          %parallel_loop3A_532 = arith.constant 48 : i32
          %parallel_loop3A_533 = arith.addi %parallel_loop3A_531, %parallel_loop3A_532 : i32
          %parallel_loop3A_534 = arith.index_cast %parallel_loop3A_533 : i32 to index
          %parallel_loop3A_535 = tpu.vector_load %arg7[%parallel_loop3A_534] {strides = array<i32>} : memref<32768xf32, #tpu.memory_space<vmem>>, vector<16xf32>,
          tpu.vector_store %arg7[%parallel_loop3A_534], %parallel_loop3A_495 {strides = array<i32>} : memref<32768xf32, #tpu.memory_space<vmem>>, vector<16xf32>,
          %parallel_loop3A_536 = arith.constant 256 : i32
          %parallel_loop3A_537 = arith.addi %parallel_loop3A_271, %parallel_loop3A_536 : i32
          %parallel_loop3A_538 = arith.constant 64 : i32
          %parallel_loop3A_539 = arith.addi %parallel_loop3A_537, %parallel_loop3A_538 : i32
          %parallel_loop3A_540 = arith.index_cast %parallel_loop3A_539 : i32 to index
          %parallel_loop3A_541 = tpu.vector_load %arg7[%parallel_loop3A_540] {strides = array<i32>} : memref<32768xf32, #tpu.memory_space<vmem>>, vector<16xf32>,
          tpu.vector_store %arg7[%parallel_loop3A_540], %parallel_loop3A_499 {strides = array<i32>} : memref<32768xf32, #tpu.memory_space<vmem>>, vector<16xf32>,
          %parallel_loop3A_542 = arith.constant 256 : i32
          %parallel_loop3A_543 = arith.addi %parallel_loop3A_271, %parallel_loop3A_542 : i32
          %parallel_loop3A_544 = arith.constant 80 : i32
          %parallel_loop3A_545 = arith.addi %parallel_loop3A_543, %parallel_loop3A_544 : i32
          %parallel_loop3A_546 = arith.index_cast %parallel_loop3A_545 : i32 to index
          %parallel_loop3A_547 = tpu.vector_load %arg7[%parallel_loop3A_546] {strides = array<i32>} : memref<32768xf32, #tpu.memory_space<vmem>>, vector<16xf32>,
          tpu.vector_store %arg7[%parallel_loop3A_546], %parallel_loop3A_503 {strides = array<i32>} : memref<32768xf32, #tpu.memory_space<vmem>>, vector<16xf32>,
          %parallel_loop3A_548 = arith.constant 256 : i32
          %parallel_loop3A_549 = arith.addi %parallel_loop3A_271, %parallel_loop3A_548 : i32
          %parallel_loop3A_550 = arith.constant 96 : i32
          %parallel_loop3A_551 = arith.addi %parallel_loop3A_549, %parallel_loop3A_550 : i32
          %parallel_loop3A_552 = arith.index_cast %parallel_loop3A_551 : i32 to index
          %parallel_loop3A_553 = tpu.vector_load %arg7[%parallel_loop3A_552] {strides = array<i32>} : memref<32768xf32, #tpu.memory_space<vmem>>, vector<16xf32>,
          tpu.vector_store %arg7[%parallel_loop3A_552], %parallel_loop3A_507 {strides = array<i32>} : memref<32768xf32, #tpu.memory_space<vmem>>, vector<16xf32>,
          %parallel_loop3A_554 = arith.constant 256 : i32
          %parallel_loop3A_555 = arith.addi %parallel_loop3A_271, %parallel_loop3A_554 : i32
          %parallel_loop3A_556 = arith.constant 112 : i32
          %parallel_loop3A_557 = arith.addi %parallel_loop3A_555, %parallel_loop3A_556 : i32
          %parallel_loop3A_558 = arith.index_cast %parallel_loop3A_557 : i32 to index
          %parallel_loop3A_559 = tpu.vector_load %arg7[%parallel_loop3A_558] {strides = array<i32>} : memref<32768xf32, #tpu.memory_space<vmem>>, vector<16xf32>,
          tpu.vector_store %arg7[%parallel_loop3A_558], %parallel_loop3A_511 {strides = array<i32>} : memref<32768xf32, #tpu.memory_space<vmem>>, vector<16xf32>,
          %parallel_loop3A_560 = arith.constant 3 : i32
          %parallel_loop3A_561 = vector.broadcast %parallel_loop3A_560 : i32 to vector<16xi32>
          %parallel_loop3A_562 = arith.addi %parallel_loop3A_277, %parallel_loop3A_561 : vector<16xi32>
          %parallel_loop3A_563 = tpu.vector_load_idx %arg9[%parallel_loop3A_562, %iota3A] : memref<16x16xf32, #tpu.memory_space<vmem>>[vector<16xi32>, vector<16xi32>], vector<16xf32>,
          %parallel_loop3A_564 = arith.constant 3 : i32
          %parallel_loop3A_565 = vector.broadcast %parallel_loop3A_564 : i32 to vector<16xi32>
          %parallel_loop3A_566 = arith.addi %parallel_loop3A_283, %parallel_loop3A_565 : vector<16xi32>
          %parallel_loop3A_567 = tpu.vector_load_idx %arg9[%parallel_loop3A_566, %iota3A] : memref<16x16xf32, #tpu.memory_space<vmem>>[vector<16xi32>, vector<16xi32>], vector<16xf32>,
          %parallel_loop3A_568 = arith.constant 3 : i32
          %parallel_loop3A_569 = vector.broadcast %parallel_loop3A_568 : i32 to vector<16xi32>
          %parallel_loop3A_570 = arith.addi %parallel_loop3A_289, %parallel_loop3A_569 : vector<16xi32>
          %parallel_loop3A_571 = tpu.vector_load_idx %arg9[%parallel_loop3A_570, %iota3A] : memref<16x16xf32, #tpu.memory_space<vmem>>[vector<16xi32>, vector<16xi32>], vector<16xf32>,
          %parallel_loop3A_572 = arith.constant 3 : i32
          %parallel_loop3A_573 = vector.broadcast %parallel_loop3A_572 : i32 to vector<16xi32>
          %parallel_loop3A_574 = arith.addi %parallel_loop3A_295, %parallel_loop3A_573 : vector<16xi32>
          %parallel_loop3A_575 = tpu.vector_load_idx %arg9[%parallel_loop3A_574, %iota3A] : memref<16x16xf32, #tpu.memory_space<vmem>>[vector<16xi32>, vector<16xi32>], vector<16xf32>,
          %parallel_loop3A_576 = arith.constant 3 : i32
          %parallel_loop3A_577 = vector.broadcast %parallel_loop3A_576 : i32 to vector<16xi32>
          %parallel_loop3A_578 = arith.addi %parallel_loop3A_301, %parallel_loop3A_577 : vector<16xi32>
          %parallel_loop3A_579 = tpu.vector_load_idx %arg9[%parallel_loop3A_578, %iota3A] : memref<16x16xf32, #tpu.memory_space<vmem>>[vector<16xi32>, vector<16xi32>], vector<16xf32>,
          %parallel_loop3A_580 = arith.constant 3 : i32
          %parallel_loop3A_581 = vector.broadcast %parallel_loop3A_580 : i32 to vector<16xi32>
          %parallel_loop3A_582 = arith.addi %parallel_loop3A_307, %parallel_loop3A_581 : vector<16xi32>
          %parallel_loop3A_583 = tpu.vector_load_idx %arg9[%parallel_loop3A_582, %iota3A] : memref<16x16xf32, #tpu.memory_space<vmem>>[vector<16xi32>, vector<16xi32>], vector<16xf32>,
          %parallel_loop3A_584 = arith.constant 3 : i32
          %parallel_loop3A_585 = vector.broadcast %parallel_loop3A_584 : i32 to vector<16xi32>
          %parallel_loop3A_586 = arith.addi %parallel_loop3A_313, %parallel_loop3A_585 : vector<16xi32>
          %parallel_loop3A_587 = tpu.vector_load_idx %arg9[%parallel_loop3A_586, %iota3A] : memref<16x16xf32, #tpu.memory_space<vmem>>[vector<16xi32>, vector<16xi32>], vector<16xf32>,
          %parallel_loop3A_588 = arith.constant 3 : i32
          %parallel_loop3A_589 = vector.broadcast %parallel_loop3A_588 : i32 to vector<16xi32>
          %parallel_loop3A_590 = arith.addi %parallel_loop3A_319, %parallel_loop3A_589 : vector<16xi32>
          %parallel_loop3A_591 = tpu.vector_load_idx %arg9[%parallel_loop3A_590, %iota3A] : memref<16x16xf32, #tpu.memory_space<vmem>>[vector<16xi32>, vector<16xi32>], vector<16xf32>,
          %parallel_loop3A_592 = arith.constant 384 : i32
          %parallel_loop3A_593 = arith.addi %parallel_loop3A_271, %parallel_loop3A_592 : i32
          %parallel_loop3A_594 = arith.constant 0 : i32
          %parallel_loop3A_595 = arith.addi %parallel_loop3A_593, %parallel_loop3A_594 : i32
          %parallel_loop3A_596 = arith.index_cast %parallel_loop3A_595 : i32 to index
          %parallel_loop3A_597 = tpu.vector_load %arg7[%parallel_loop3A_596] {strides = array<i32>} : memref<32768xf32, #tpu.memory_space<vmem>>, vector<16xf32>,
          tpu.vector_store %arg7[%parallel_loop3A_596], %parallel_loop3A_563 {strides = array<i32>} : memref<32768xf32, #tpu.memory_space<vmem>>, vector<16xf32>,
          %parallel_loop3A_598 = arith.constant 384 : i32
          %parallel_loop3A_599 = arith.addi %parallel_loop3A_271, %parallel_loop3A_598 : i32
          %parallel_loop3A_600 = arith.constant 16 : i32
          %parallel_loop3A_601 = arith.addi %parallel_loop3A_599, %parallel_loop3A_600 : i32
          %parallel_loop3A_602 = arith.index_cast %parallel_loop3A_601 : i32 to index
          %parallel_loop3A_603 = tpu.vector_load %arg7[%parallel_loop3A_602] {strides = array<i32>} : memref<32768xf32, #tpu.memory_space<vmem>>, vector<16xf32>,
          tpu.vector_store %arg7[%parallel_loop3A_602], %parallel_loop3A_567 {strides = array<i32>} : memref<32768xf32, #tpu.memory_space<vmem>>, vector<16xf32>,
          %parallel_loop3A_604 = arith.constant 384 : i32
          %parallel_loop3A_605 = arith.addi %parallel_loop3A_271, %parallel_loop3A_604 : i32
          %parallel_loop3A_606 = arith.constant 32 : i32
          %parallel_loop3A_607 = arith.addi %parallel_loop3A_605, %parallel_loop3A_606 : i32
          %parallel_loop3A_608 = arith.index_cast %parallel_loop3A_607 : i32 to index
          %parallel_loop3A_609 = tpu.vector_load %arg7[%parallel_loop3A_608] {strides = array<i32>} : memref<32768xf32, #tpu.memory_space<vmem>>, vector<16xf32>,
          tpu.vector_store %arg7[%parallel_loop3A_608], %parallel_loop3A_571 {strides = array<i32>} : memref<32768xf32, #tpu.memory_space<vmem>>, vector<16xf32>,
          %parallel_loop3A_610 = arith.constant 384 : i32
          %parallel_loop3A_611 = arith.addi %parallel_loop3A_271, %parallel_loop3A_610 : i32
          %parallel_loop3A_612 = arith.constant 48 : i32
          %parallel_loop3A_613 = arith.addi %parallel_loop3A_611, %parallel_loop3A_612 : i32
          %parallel_loop3A_614 = arith.index_cast %parallel_loop3A_613 : i32 to index
          %parallel_loop3A_615 = tpu.vector_load %arg7[%parallel_loop3A_614] {strides = array<i32>} : memref<32768xf32, #tpu.memory_space<vmem>>, vector<16xf32>,
          tpu.vector_store %arg7[%parallel_loop3A_614], %parallel_loop3A_575 {strides = array<i32>} : memref<32768xf32, #tpu.memory_space<vmem>>, vector<16xf32>,
          %parallel_loop3A_616 = arith.constant 384 : i32
          %parallel_loop3A_617 = arith.addi %parallel_loop3A_271, %parallel_loop3A_616 : i32
          %parallel_loop3A_618 = arith.constant 64 : i32
          %parallel_loop3A_619 = arith.addi %parallel_loop3A_617, %parallel_loop3A_618 : i32
          %parallel_loop3A_620 = arith.index_cast %parallel_loop3A_619 : i32 to index
          %parallel_loop3A_621 = tpu.vector_load %arg7[%parallel_loop3A_620] {strides = array<i32>} : memref<32768xf32, #tpu.memory_space<vmem>>, vector<16xf32>,
          tpu.vector_store %arg7[%parallel_loop3A_620], %parallel_loop3A_579 {strides = array<i32>} : memref<32768xf32, #tpu.memory_space<vmem>>, vector<16xf32>,
          %parallel_loop3A_622 = arith.constant 384 : i32
          %parallel_loop3A_623 = arith.addi %parallel_loop3A_271, %parallel_loop3A_622 : i32
          %parallel_loop3A_624 = arith.constant 80 : i32
          %parallel_loop3A_625 = arith.addi %parallel_loop3A_623, %parallel_loop3A_624 : i32
          %parallel_loop3A_626 = arith.index_cast %parallel_loop3A_625 : i32 to index
          %parallel_loop3A_627 = tpu.vector_load %arg7[%parallel_loop3A_626] {strides = array<i32>} : memref<32768xf32, #tpu.memory_space<vmem>>, vector<16xf32>,
          tpu.vector_store %arg7[%parallel_loop3A_626], %parallel_loop3A_583 {strides = array<i32>} : memref<32768xf32, #tpu.memory_space<vmem>>, vector<16xf32>,
          %parallel_loop3A_628 = arith.constant 384 : i32
          %parallel_loop3A_629 = arith.addi %parallel_loop3A_271, %parallel_loop3A_628 : i32
          %parallel_loop3A_630 = arith.constant 96 : i32
          %parallel_loop3A_631 = arith.addi %parallel_loop3A_629, %parallel_loop3A_630 : i32
          %parallel_loop3A_632 = arith.index_cast %parallel_loop3A_631 : i32 to index
          %parallel_loop3A_633 = tpu.vector_load %arg7[%parallel_loop3A_632] {strides = array<i32>} : memref<32768xf32, #tpu.memory_space<vmem>>, vector<16xf32>,
          tpu.vector_store %arg7[%parallel_loop3A_632], %parallel_loop3A_587 {strides = array<i32>} : memref<32768xf32, #tpu.memory_space<vmem>>, vector<16xf32>,
          %parallel_loop3A_634 = arith.constant 384 : i32
          %parallel_loop3A_635 = arith.addi %parallel_loop3A_271, %parallel_loop3A_634 : i32
          %parallel_loop3A_636 = arith.constant 112 : i32
          %parallel_loop3A_637 = arith.addi %parallel_loop3A_635, %parallel_loop3A_636 : i32
          %parallel_loop3A_638 = arith.index_cast %parallel_loop3A_637 : i32 to index
          %parallel_loop3A_639 = tpu.vector_load %arg7[%parallel_loop3A_638] {strides = array<i32>} : memref<32768xf32, #tpu.memory_space<vmem>>, vector<16xf32>,
          tpu.vector_store %arg7[%parallel_loop3A_638], %parallel_loop3A_591 {strides = array<i32>} : memref<32768xf32, #tpu.memory_space<vmem>>, vector<16xf32>,
        } {sc.loop_unroll_factor = 1 : i64, sc.parallel_access}
        %add3A_218 = arith.addi %select_n3A, %add3A_184 : i32
        %jit3A_219 = arith.constant 2 : i32
        %div3A_220 = arith.divsi %add3A_218, %jit3A_219 : i32
        %sign3A_221 = arith.constant 0 : i32
        %sign3A_222 = arith.cmpi sgt, %add3A_218, %sign3A_221 : i32
        %sign3A_223 = arith.extui %sign3A_222 : i1 to i32
        %sign3A_224 = arith.constant 0 : i32
        %sign3A_225 = arith.cmpi slt, %add3A_218, %sign3A_224 : i32
        %sign3A_226 = arith.extui %sign3A_225 : i1 to i32
        %sign3A_227 = arith.subi %sign3A_223, %sign3A_226 : i32
        %sign3A_228 = arith.constant 0 : i32
        %sign3A_229 = arith.cmpi sgt, %jit3A_219, %sign3A_228 : i32
        %sign3A_230 = arith.extui %sign3A_229 : i1 to i32
        %sign3A_231 = arith.constant 0 : i32
        %sign3A_232 = arith.cmpi slt, %jit3A_219, %sign3A_231 : i32
        %sign3A_233 = arith.extui %sign3A_232 : i1 to i32
        %sign3A_234 = arith.subi %sign3A_230, %sign3A_233 : i32
        %ne3A_235 = arith.cmpi ne, %sign3A_227, %sign3A_234 : i32
        %rem3A_236 = arith.remsi %add3A_218, %jit3A_219 : i32
        %ne3A_237 = arith.constant 0 : i32
        %ne3A_238 = arith.cmpi ne, %rem3A_236, %ne3A_237 : i32
        %and3A_239 = arith.andi %ne3A_235, %ne3A_238 : i1
        %sub3A_240 = arith.constant 1 : i32
        %sub3A_241 = arith.subi %div3A_220, %sub3A_240 : i32
        %select_n3A_242 = arith.select %and3A_239, %sub3A_241, %div3A_220 : i32
        %jit3A_243 = arith.constant 2 : i32
        %eq3A_244 = arith.constant 0 : i32
        %eq3A_245 = arith.cmpi eq, %jit3A_243, %eq3A_244 : i32
        %jit3A_246 = arith.constant 1 : i32
        %select_n3A_247 = arith.select %eq3A_245, %jit3A_246, %jit3A_243 : i32
        %rem3A_248 = arith.remsi %add3A_218, %select_n3A_247 : i32
        %ne3A_249 = arith.constant 0 : i32
        %ne3A_250 = arith.cmpi ne, %rem3A_248, %ne3A_249 : i32
        %lt3A_251 = arith.constant 0 : i32
        %lt3A_252 = arith.cmpi slt, %rem3A_248, %lt3A_251 : i32
        %lt3A_253 = arith.constant 0 : i32
        %lt3A_254 = arith.cmpi slt, %select_n3A_247, %lt3A_253 : i32
        %ne3A_255 = arith.xori %lt3A_252, %lt3A_254 : i1
        %and3A_256 = arith.andi %ne3A_255, %ne3A_250 : i1
        %add3A_257 = arith.addi %rem3A_248, %select_n3A_247 : i32
        %select_n3A_258 = arith.select %and3A_256, %add3A_257, %rem3A_248 : i32
        %mul3A_259 = arith.constant 64 : i32
        %mul3A_260 = arith.muli %select_n3A_258, %mul3A_259 : i32
        %mul3A_261 = arith.constant 128 : i32
        %mul3A_262 = arith.muli %select_n3A_242, %mul3A_261 : i32
        %add3A_263 = arith.addi %mul3A_262, %mul3A_260 : i32
        %mul3A_264 = arith.constant 512 : i32
        %mul3A_265 = arith.muli %add3A_263, %mul3A_264 : i32
        %multiple_of3A_266 = tpu.assume_multiple %mul3A_265, 8 : i32
        %dma_start3A_267 = tpu.memref_slice %arg4[%multiple_of3A_266] : memref<13107200xf32, #tpu.memory_space<hbm>> -> memref<32768xf32, #tpu.memory_space<hbm>>
        %dma_start3A_268 = tpu.memref_slice %arg4[%multiple_of3A_266] : memref<13107200xf32, #tpu.memory_space<hbm>> -> memref<32768xf32, #tpu.memory_space<hbm>>
        tpu.enqueue_dma source(%arg7 : memref<32768xf32, #tpu.memory_space<vmem>>) target(%dma_start3A_268 : memref<32768xf32, #tpu.memory_space<hbm>>) target_semaphore(%arg11 : memref<!tpu.dma_semaphore, #tpu.memory_space<semaphore_mem>>)
      } else {
      }
      %mul3A_187 = arith.constant 2 : i32
      %mul3A_188 = arith.muli %mul3A_187, %while3A_179 : i32
      %add3A_189 = arith.constant 1 : i32
      %add3A_190 = arith.addi %mul3A_188, %add3A_189 : i32
      %lt3A_191 = arith.cmpi slt, %add3A_190, %sub3A_47 : i32
      %convert_element_type3A_192 = arith.extui %lt3A_191 : i1 to i32
      %cond3A_193 = arith.constant 0 : i32
      %cond3A_194 = arith.cmpi ne, %convert_element_type3A_192, %cond3A_193 : i32
      scf.if %cond3A_194 {
        %dma_wait3A_196 = arith.constant 0 : i32
        %dma_wait3A_197 = arith.constant 0 : i32
        %dma_wait3A_198 = arith.constant 0 : i32
        %dma_wait3A_199 = arith.constant 0 : i32
        %dma_wait3A_200 = tpu.memref_slice %arg2[%dma_wait3A_196, %dma_wait3A_198, %dma_wait3A_197, %dma_wait3A_199] : memref<25x128x8x128xi32, #tpu.memory_space<hbm>> -> memref<1x64x1x128xi32, #tpu.memory_space<hbm>>
        %dma_wait3A_201 = tpu.memref_squeeze %dma_wait3A_200 : memref<1x64x1x128xi32, #tpu.memory_space<hbm>> -> memref<64x128xi32, #tpu.memory_space<hbm>>
        %dma_wait3A_202 = arith.constant 0 : i32
        %dma_wait3A_203 = arith.constant 0 : i32
        %dma_wait3A_204 = tpu.memref_slice %arg2[%dma_wait3A_196, %dma_wait3A_202, %dma_wait3A_197, %dma_wait3A_203] : memref<25x128x8x128xi32, #tpu.memory_space<hbm>> -> memref<1x64x1x128xi32, #tpu.memory_space<hbm>>
        %dma_wait3A_205 = tpu.memref_squeeze %dma_wait3A_204 : memref<1x64x1x128xi32, #tpu.memory_space<hbm>> -> memref<64x128xi32, #tpu.memory_space<hbm>>
        tpu.wait_dma2 semaphore(%arg10 : memref<!tpu.dma_semaphore, #tpu.memory_space<semaphore_mem>>) src(%dma_wait3A_205 : memref<64x128xi32, #tpu.memory_space<hbm>>) dst(%arg6 : memref<64x128xi32, #tpu.memory_space<vmem>>)
        %add3A_206 = arith.constant 1 : i32
        %add3A_207 = arith.addi %add3A_190, %add3A_206 : i32
        %lt3A_208 = arith.cmpi slt, %add3A_207, %sub3A_47 : i32
        %convert_element_type3A_209 = arith.extui %lt3A_208 : i1 to i32
        %cond3A_210 = arith.constant 0 : i32
        %cond3A_211 = arith.cmpi ne, %convert_element_type3A_209, %cond3A_210 : i32
        scf.if %cond3A_211 {
          %add3A_269 = arith.constant 1 : i32
          %add3A_270 = arith.addi %add3A_190, %add3A_269 : i32
          %add3A_271 = arith.addi %select_n3A, %add3A_270 : i32
          %jit3A_272 = arith.constant 2 : i32
          %div3A_273 = arith.divsi %add3A_271, %jit3A_272 : i32
          %sign3A_274 = arith.constant 0 : i32
          %sign3A_275 = arith.cmpi sgt, %add3A_271, %sign3A_274 : i32
          %sign3A_276 = arith.extui %sign3A_275 : i1 to i32
          %sign3A_277 = arith.constant 0 : i32
          %sign3A_278 = arith.cmpi slt, %add3A_271, %sign3A_277 : i32
          %sign3A_279 = arith.extui %sign3A_278 : i1 to i32
          %sign3A_280 = arith.subi %sign3A_276, %sign3A_279 : i32
          %sign3A_281 = arith.constant 0 : i32
          %sign3A_282 = arith.cmpi sgt, %jit3A_272, %sign3A_281 : i32
          %sign3A_283 = arith.extui %sign3A_282 : i1 to i32
          %sign3A_284 = arith.constant 0 : i32
          %sign3A_285 = arith.cmpi slt, %jit3A_272, %sign3A_284 : i32
          %sign3A_286 = arith.extui %sign3A_285 : i1 to i32
          %sign3A_287 = arith.subi %sign3A_283, %sign3A_286 : i32
          %ne3A_288 = arith.cmpi ne, %sign3A_280, %sign3A_287 : i32
          %rem3A_289 = arith.remsi %add3A_271, %jit3A_272 : i32
          %ne3A_290 = arith.constant 0 : i32
          %ne3A_291 = arith.cmpi ne, %rem3A_289, %ne3A_290 : i32
          %and3A_292 = arith.andi %ne3A_288, %ne3A_291 : i1
          %sub3A_293 = arith.constant 1 : i32
          %sub3A_294 = arith.subi %div3A_273, %sub3A_293 : i32
          %select_n3A_295 = arith.select %and3A_292, %sub3A_294, %div3A_273 : i32
          %jit3A_296 = arith.constant 2 : i32
          %eq3A_297 = arith.constant 0 : i32
          %eq3A_298 = arith.cmpi eq, %jit3A_296, %eq3A_297 : i32
          %jit3A_299 = arith.constant 1 : i32
          %select_n3A_300 = arith.select %eq3A_298, %jit3A_299, %jit3A_296 : i32
          %rem3A_301 = arith.remsi %add3A_271, %select_n3A_300 : i32
          %ne3A_302 = arith.constant 0 : i32
          %ne3A_303 = arith.cmpi ne, %rem3A_301, %ne3A_302 : i32
          %lt3A_304 = arith.constant 0 : i32
          %lt3A_305 = arith.cmpi slt, %rem3A_301, %lt3A_304 : i32
          %lt3A_306 = arith.constant 0 : i32
          %lt3A_307 = arith.cmpi slt, %select_n3A_300, %lt3A_306 : i32
          %ne3A_308 = arith.xori %lt3A_305, %lt3A_307 : i1
          %and3A_309 = arith.andi %ne3A_308, %ne3A_303 : i1
          %add3A_310 = arith.addi %rem3A_301, %select_n3A_300 : i32
          %select_n3A_311 = arith.select %and3A_309, %add3A_310, %rem3A_301 : i32
          %mul3A_312 = arith.constant 64 : i32
          %mul3A_313 = arith.muli %select_n3A_311, %mul3A_312 : i32
          %jit3A_314 = arith.constant 8 : i32
          %div3A_315 = arith.divsi %select_n3A_295, %jit3A_314 : i32
          %sign3A_316 = arith.constant 0 : i32
          %sign3A_317 = arith.cmpi sgt, %select_n3A_295, %sign3A_316 : i32
          %sign3A_318 = arith.extui %sign3A_317 : i1 to i32
          %sign3A_319 = arith.constant 0 : i32
          %sign3A_320 = arith.cmpi slt, %select_n3A_295, %sign3A_319 : i32
          %sign3A_321 = arith.extui %sign3A_320 : i1 to i32
          %sign3A_322 = arith.subi %sign3A_318, %sign3A_321 : i32
          %sign3A_323 = arith.constant 0 : i32
          %sign3A_324 = arith.cmpi sgt, %jit3A_314, %sign3A_323 : i32
          %sign3A_325 = arith.extui %sign3A_324 : i1 to i32
          %sign3A_326 = arith.constant 0 : i32
          %sign3A_327 = arith.cmpi slt, %jit3A_314, %sign3A_326 : i32
          %sign3A_328 = arith.extui %sign3A_327 : i1 to i32
          %sign3A_329 = arith.subi %sign3A_325, %sign3A_328 : i32
          %ne3A_330 = arith.cmpi ne, %sign3A_322, %sign3A_329 : i32
          %rem3A_331 = arith.remsi %select_n3A_295, %jit3A_314 : i32
          %ne3A_332 = arith.constant 0 : i32
          %ne3A_333 = arith.cmpi ne, %rem3A_331, %ne3A_332 : i32
          %and3A_334 = arith.andi %ne3A_330, %ne3A_333 : i1
          %sub3A_335 = arith.constant 1 : i32
          %sub3A_336 = arith.subi %div3A_315, %sub3A_335 : i32
          %select_n3A_337 = arith.select %and3A_334, %sub3A_336, %div3A_315 : i32
          %multiple_of3A_338 = tpu.assume_multiple %mul3A_313, 8 : i32
          %jit3A_339 = arith.constant 8 : i32
          %eq3A_340 = arith.constant 0 : i32
          %eq3A_341 = arith.cmpi eq, %jit3A_339, %eq3A_340 : i32
          %jit3A_342 = arith.constant 1 : i32
          %select_n3A_343 = arith.select %eq3A_341, %jit3A_342, %jit3A_339 : i32
          %rem3A_344 = arith.remsi %select_n3A_295, %select_n3A_343 : i32
          %ne3A_345 = arith.constant 0 : i32
          %ne3A_346 = arith.cmpi ne, %rem3A_344, %ne3A_345 : i32
          %lt3A_347 = arith.constant 0 : i32
          %lt3A_348 = arith.cmpi slt, %rem3A_344, %lt3A_347 : i32
          %lt3A_349 = arith.constant 0 : i32
          %lt3A_350 = arith.cmpi slt, %select_n3A_343, %lt3A_349 : i32
          %ne3A_351 = arith.xori %lt3A_348, %lt3A_350 : i1
          %and3A_352 = arith.andi %ne3A_351, %ne3A_346 : i1
          %add3A_353 = arith.addi %rem3A_344, %select_n3A_343 : i32
          %select_n3A_354 = arith.select %and3A_352, %add3A_353, %rem3A_344 : i32
          %dma_start3A_355 = arith.constant 0 : i32
          %dma_start3A_356 = tpu.memref_slice %arg2[%select_n3A_337, %multiple_of3A_338, %select_n3A_354, %dma_start3A_355] : memref<25x128x8x128xi32, #tpu.memory_space<hbm>> -> memref<1x64x1x128xi32, #tpu.memory_space<hbm>>
          %dma_start3A_357 = tpu.memref_squeeze %dma_start3A_356 : memref<1x64x1x128xi32, #tpu.memory_space<hbm>> -> memref<64x128xi32, #tpu.memory_space<hbm>>
          %dma_start3A_358 = arith.constant 0 : i32
          %dma_start3A_359 = tpu.memref_slice %arg2[%select_n3A_337, %multiple_of3A_338, %select_n3A_354, %dma_start3A_358] : memref<25x128x8x128xi32, #tpu.memory_space<hbm>> -> memref<1x64x1x128xi32, #tpu.memory_space<hbm>>
          %dma_start3A_360 = tpu.memref_squeeze %dma_start3A_359 : memref<1x64x1x128xi32, #tpu.memory_space<hbm>> -> memref<64x128xi32, #tpu.memory_space<hbm>>
          tpu.enqueue_dma source(%dma_start3A_360 : memref<64x128xi32, #tpu.memory_space<hbm>>) target(%arg5 : memref<64x128xi32, #tpu.memory_space<vmem>>) target_semaphore(%arg10 : memref<!tpu.dma_semaphore, #tpu.memory_space<semaphore_mem>>)
        } else {
        }
        %ge3A = arith.constant 1 : i32
        %ge3A_212 = arith.cmpi sge, %while3A_179, %ge3A : i32
        %convert_element_type3A_213 = arith.extui %ge3A_212 : i1 to i32
        %cond3A_214 = arith.constant 0 : i32
        %cond3A_215 = arith.cmpi ne, %convert_element_type3A_213, %cond3A_214 : i32
        scf.if %cond3A_215 {
          %dma_wait3A_269 = arith.constant 0 : i32
          %dma_wait3A_270 = tpu.memref_slice %arg4[%dma_wait3A_269] : memref<13107200xf32, #tpu.memory_space<hbm>> -> memref<32768xf32, #tpu.memory_space<hbm>>
          %dma_wait3A_271 = arith.constant 0 : i32
          %dma_wait3A_272 = tpu.memref_slice %arg4[%dma_wait3A_271] : memref<13107200xf32, #tpu.memory_space<hbm>> -> memref<32768xf32, #tpu.memory_space<hbm>>
          tpu.wait_dma2 semaphore(%arg12 : memref<!tpu.dma_semaphore, #tpu.memory_space<semaphore_mem>>) src(%arg8 : memref<32768xf32, #tpu.memory_space<vmem>>) dst(%dma_wait3A_272 : memref<32768xf32, #tpu.memory_space<hbm>>)
        } else {
        }
        %parallel_loop3A = arith.constant 0 : i32
        %parallel_loop3A_216 = arith.constant 64 : i32
        %parallel_loop3A_217 = arith.constant 1 : i32
        scf.for %parallel_loop3A_269 = %parallel_loop3A to %parallel_loop3A_216 step %parallel_loop3A_217  : i32 {
          %parallel_loop3A_270 = arith.constant 512 : i32
          %parallel_loop3A_271 = arith.muli %parallel_loop3A_269, %parallel_loop3A_270 : i32
          %parallel_loop3A_272 = arith.index_cast %parallel_loop3A_269 : i32 to index
          %parallel_loop3A_273 = arith.constant 0 : index
          %parallel_loop3A_274 = tpu.vector_load %arg6[%parallel_loop3A_272, %parallel_loop3A_273] {strides = array<i32>} : memref<64x128xi32, #tpu.memory_space<vmem>>, vector<16xi32>,
          %parallel_loop3A_275 = arith.constant 2 : i32
          %parallel_loop3A_276 = vector.broadcast %parallel_loop3A_275 : i32 to vector<16xi32>
          %parallel_loop3A_277 = arith.shli %parallel_loop3A_274, %parallel_loop3A_276 : vector<16xi32>
          %parallel_loop3A_278 = arith.index_cast %parallel_loop3A_269 : i32 to index
          %parallel_loop3A_279 = arith.constant 16 : index
          %parallel_loop3A_280 = tpu.vector_load %arg6[%parallel_loop3A_278, %parallel_loop3A_279] {strides = array<i32>} : memref<64x128xi32, #tpu.memory_space<vmem>>, vector<16xi32>,
          %parallel_loop3A_281 = arith.constant 2 : i32
          %parallel_loop3A_282 = vector.broadcast %parallel_loop3A_281 : i32 to vector<16xi32>
          %parallel_loop3A_283 = arith.shli %parallel_loop3A_280, %parallel_loop3A_282 : vector<16xi32>
          %parallel_loop3A_284 = arith.index_cast %parallel_loop3A_269 : i32 to index
          %parallel_loop3A_285 = arith.constant 32 : index
          %parallel_loop3A_286 = tpu.vector_load %arg6[%parallel_loop3A_284, %parallel_loop3A_285] {strides = array<i32>} : memref<64x128xi32, #tpu.memory_space<vmem>>, vector<16xi32>,
          %parallel_loop3A_287 = arith.constant 2 : i32
          %parallel_loop3A_288 = vector.broadcast %parallel_loop3A_287 : i32 to vector<16xi32>
          %parallel_loop3A_289 = arith.shli %parallel_loop3A_286, %parallel_loop3A_288 : vector<16xi32>
          %parallel_loop3A_290 = arith.index_cast %parallel_loop3A_269 : i32 to index
          %parallel_loop3A_291 = arith.constant 48 : index
          %parallel_loop3A_292 = tpu.vector_load %arg6[%parallel_loop3A_290, %parallel_loop3A_291] {strides = array<i32>} : memref<64x128xi32, #tpu.memory_space<vmem>>, vector<16xi32>,
          %parallel_loop3A_293 = arith.constant 2 : i32
          %parallel_loop3A_294 = vector.broadcast %parallel_loop3A_293 : i32 to vector<16xi32>
          %parallel_loop3A_295 = arith.shli %parallel_loop3A_292, %parallel_loop3A_294 : vector<16xi32>
          %parallel_loop3A_296 = arith.index_cast %parallel_loop3A_269 : i32 to index
          %parallel_loop3A_297 = arith.constant 64 : index
          %parallel_loop3A_298 = tpu.vector_load %arg6[%parallel_loop3A_296, %parallel_loop3A_297] {strides = array<i32>} : memref<64x128xi32, #tpu.memory_space<vmem>>, vector<16xi32>,
          %parallel_loop3A_299 = arith.constant 2 : i32
          %parallel_loop3A_300 = vector.broadcast %parallel_loop3A_299 : i32 to vector<16xi32>
          %parallel_loop3A_301 = arith.shli %parallel_loop3A_298, %parallel_loop3A_300 : vector<16xi32>
          %parallel_loop3A_302 = arith.index_cast %parallel_loop3A_269 : i32 to index
          %parallel_loop3A_303 = arith.constant 80 : index
          %parallel_loop3A_304 = tpu.vector_load %arg6[%parallel_loop3A_302, %parallel_loop3A_303] {strides = array<i32>} : memref<64x128xi32, #tpu.memory_space<vmem>>, vector<16xi32>,
          %parallel_loop3A_305 = arith.constant 2 : i32
          %parallel_loop3A_306 = vector.broadcast %parallel_loop3A_305 : i32 to vector<16xi32>
          %parallel_loop3A_307 = arith.shli %parallel_loop3A_304, %parallel_loop3A_306 : vector<16xi32>
          %parallel_loop3A_308 = arith.index_cast %parallel_loop3A_269 : i32 to index
          %parallel_loop3A_309 = arith.constant 96 : index
          %parallel_loop3A_310 = tpu.vector_load %arg6[%parallel_loop3A_308, %parallel_loop3A_309] {strides = array<i32>} : memref<64x128xi32, #tpu.memory_space<vmem>>, vector<16xi32>,
          %parallel_loop3A_311 = arith.constant 2 : i32
          %parallel_loop3A_312 = vector.broadcast %parallel_loop3A_311 : i32 to vector<16xi32>
          %parallel_loop3A_313 = arith.shli %parallel_loop3A_310, %parallel_loop3A_312 : vector<16xi32>
          %parallel_loop3A_314 = arith.index_cast %parallel_loop3A_269 : i32 to index
          %parallel_loop3A_315 = arith.constant 112 : index
          %parallel_loop3A_316 = tpu.vector_load %arg6[%parallel_loop3A_314, %parallel_loop3A_315] {strides = array<i32>} : memref<64x128xi32, #tpu.memory_space<vmem>>, vector<16xi32>,
          %parallel_loop3A_317 = arith.constant 2 : i32
          %parallel_loop3A_318 = vector.broadcast %parallel_loop3A_317 : i32 to vector<16xi32>
          %parallel_loop3A_319 = arith.shli %parallel_loop3A_316, %parallel_loop3A_318 : vector<16xi32>
          %parallel_loop3A_320 = arith.constant 0 : i32
          %parallel_loop3A_321 = vector.broadcast %parallel_loop3A_320 : i32 to vector<16xi32>
          %parallel_loop3A_322 = arith.addi %parallel_loop3A_277, %parallel_loop3A_321 : vector<16xi32>
          %parallel_loop3A_323 = tpu.vector_load_idx %arg9[%parallel_loop3A_322, %iota3A] : memref<16x16xf32, #tpu.memory_space<vmem>>[vector<16xi32>, vector<16xi32>], vector<16xf32>,
          %parallel_loop3A_324 = arith.constant 0 : i32
          %parallel_loop3A_325 = vector.broadcast %parallel_loop3A_324 : i32 to vector<16xi32>
          %parallel_loop3A_326 = arith.addi %parallel_loop3A_283, %parallel_loop3A_325 : vector<16xi32>
          %parallel_loop3A_327 = tpu.vector_load_idx %arg9[%parallel_loop3A_326, %iota3A] : memref<16x16xf32, #tpu.memory_space<vmem>>[vector<16xi32>, vector<16xi32>], vector<16xf32>,
          %parallel_loop3A_328 = arith.constant 0 : i32
          %parallel_loop3A_329 = vector.broadcast %parallel_loop3A_328 : i32 to vector<16xi32>
          %parallel_loop3A_330 = arith.addi %parallel_loop3A_289, %parallel_loop3A_329 : vector<16xi32>
          %parallel_loop3A_331 = tpu.vector_load_idx %arg9[%parallel_loop3A_330, %iota3A] : memref<16x16xf32, #tpu.memory_space<vmem>>[vector<16xi32>, vector<16xi32>], vector<16xf32>,
          %parallel_loop3A_332 = arith.constant 0 : i32
          %parallel_loop3A_333 = vector.broadcast %parallel_loop3A_332 : i32 to vector<16xi32>
          %parallel_loop3A_334 = arith.addi %parallel_loop3A_295, %parallel_loop3A_333 : vector<16xi32>
          %parallel_loop3A_335 = tpu.vector_load_idx %arg9[%parallel_loop3A_334, %iota3A] : memref<16x16xf32, #tpu.memory_space<vmem>>[vector<16xi32>, vector<16xi32>], vector<16xf32>,
          %parallel_loop3A_336 = arith.constant 0 : i32
          %parallel_loop3A_337 = vector.broadcast %parallel_loop3A_336 : i32 to vector<16xi32>
          %parallel_loop3A_338 = arith.addi %parallel_loop3A_301, %parallel_loop3A_337 : vector<16xi32>
          %parallel_loop3A_339 = tpu.vector_load_idx %arg9[%parallel_loop3A_338, %iota3A] : memref<16x16xf32, #tpu.memory_space<vmem>>[vector<16xi32>, vector<16xi32>], vector<16xf32>,
          %parallel_loop3A_340 = arith.constant 0 : i32
          %parallel_loop3A_341 = vector.broadcast %parallel_loop3A_340 : i32 to vector<16xi32>
          %parallel_loop3A_342 = arith.addi %parallel_loop3A_307, %parallel_loop3A_341 : vector<16xi32>
          %parallel_loop3A_343 = tpu.vector_load_idx %arg9[%parallel_loop3A_342, %iota3A] : memref<16x16xf32, #tpu.memory_space<vmem>>[vector<16xi32>, vector<16xi32>], vector<16xf32>,
          %parallel_loop3A_344 = arith.constant 0 : i32
          %parallel_loop3A_345 = vector.broadcast %parallel_loop3A_344 : i32 to vector<16xi32>
          %parallel_loop3A_346 = arith.addi %parallel_loop3A_313, %parallel_loop3A_345 : vector<16xi32>
          %parallel_loop3A_347 = tpu.vector_load_idx %arg9[%parallel_loop3A_346, %iota3A] : memref<16x16xf32, #tpu.memory_space<vmem>>[vector<16xi32>, vector<16xi32>], vector<16xf32>,
          %parallel_loop3A_348 = arith.constant 0 : i32
          %parallel_loop3A_349 = vector.broadcast %parallel_loop3A_348 : i32 to vector<16xi32>
          %parallel_loop3A_350 = arith.addi %parallel_loop3A_319, %parallel_loop3A_349 : vector<16xi32>
          %parallel_loop3A_351 = tpu.vector_load_idx %arg9[%parallel_loop3A_350, %iota3A] : memref<16x16xf32, #tpu.memory_space<vmem>>[vector<16xi32>, vector<16xi32>], vector<16xf32>,
          %parallel_loop3A_352 = arith.constant 0 : i32
          %parallel_loop3A_353 = arith.addi %parallel_loop3A_271, %parallel_loop3A_352 : i32
          %parallel_loop3A_354 = arith.constant 0 : i32
          %parallel_loop3A_355 = arith.addi %parallel_loop3A_353, %parallel_loop3A_354 : i32
          %parallel_loop3A_356 = arith.index_cast %parallel_loop3A_355 : i32 to index
          %parallel_loop3A_357 = tpu.vector_load %arg8[%parallel_loop3A_356] {strides = array<i32>} : memref<32768xf32, #tpu.memory_space<vmem>>, vector<16xf32>,
          tpu.vector_store %arg8[%parallel_loop3A_356], %parallel_loop3A_323 {strides = array<i32>} : memref<32768xf32, #tpu.memory_space<vmem>>, vector<16xf32>,
          %parallel_loop3A_358 = arith.constant 0 : i32
          %parallel_loop3A_359 = arith.addi %parallel_loop3A_271, %parallel_loop3A_358 : i32
          %parallel_loop3A_360 = arith.constant 16 : i32
          %parallel_loop3A_361 = arith.addi %parallel_loop3A_359, %parallel_loop3A_360 : i32
          %parallel_loop3A_362 = arith.index_cast %parallel_loop3A_361 : i32 to index
          %parallel_loop3A_363 = tpu.vector_load %arg8[%parallel_loop3A_362] {strides = array<i32>} : memref<32768xf32, #tpu.memory_space<vmem>>, vector<16xf32>,
          tpu.vector_store %arg8[%parallel_loop3A_362], %parallel_loop3A_327 {strides = array<i32>} : memref<32768xf32, #tpu.memory_space<vmem>>, vector<16xf32>,
          %parallel_loop3A_364 = arith.constant 0 : i32
          %parallel_loop3A_365 = arith.addi %parallel_loop3A_271, %parallel_loop3A_364 : i32
          %parallel_loop3A_366 = arith.constant 32 : i32
          %parallel_loop3A_367 = arith.addi %parallel_loop3A_365, %parallel_loop3A_366 : i32
          %parallel_loop3A_368 = arith.index_cast %parallel_loop3A_367 : i32 to index
          %parallel_loop3A_369 = tpu.vector_load %arg8[%parallel_loop3A_368] {strides = array<i32>} : memref<32768xf32, #tpu.memory_space<vmem>>, vector<16xf32>,
          tpu.vector_store %arg8[%parallel_loop3A_368], %parallel_loop3A_331 {strides = array<i32>} : memref<32768xf32, #tpu.memory_space<vmem>>, vector<16xf32>,
          %parallel_loop3A_370 = arith.constant 0 : i32
          %parallel_loop3A_371 = arith.addi %parallel_loop3A_271, %parallel_loop3A_370 : i32
          %parallel_loop3A_372 = arith.constant 48 : i32
          %parallel_loop3A_373 = arith.addi %parallel_loop3A_371, %parallel_loop3A_372 : i32
          %parallel_loop3A_374 = arith.index_cast %parallel_loop3A_373 : i32 to index
          %parallel_loop3A_375 = tpu.vector_load %arg8[%parallel_loop3A_374] {strides = array<i32>} : memref<32768xf32, #tpu.memory_space<vmem>>, vector<16xf32>,
          tpu.vector_store %arg8[%parallel_loop3A_374], %parallel_loop3A_335 {strides = array<i32>} : memref<32768xf32, #tpu.memory_space<vmem>>, vector<16xf32>,
          %parallel_loop3A_376 = arith.constant 0 : i32
          %parallel_loop3A_377 = arith.addi %parallel_loop3A_271, %parallel_loop3A_376 : i32
          %parallel_loop3A_378 = arith.constant 64 : i32
          %parallel_loop3A_379 = arith.addi %parallel_loop3A_377, %parallel_loop3A_378 : i32
          %parallel_loop3A_380 = arith.index_cast %parallel_loop3A_379 : i32 to index
          %parallel_loop3A_381 = tpu.vector_load %arg8[%parallel_loop3A_380] {strides = array<i32>} : memref<32768xf32, #tpu.memory_space<vmem>>, vector<16xf32>,
          tpu.vector_store %arg8[%parallel_loop3A_380], %parallel_loop3A_339 {strides = array<i32>} : memref<32768xf32, #tpu.memory_space<vmem>>, vector<16xf32>,
          %parallel_loop3A_382 = arith.constant 0 : i32
          %parallel_loop3A_383 = arith.addi %parallel_loop3A_271, %parallel_loop3A_382 : i32
          %parallel_loop3A_384 = arith.constant 80 : i32
          %parallel_loop3A_385 = arith.addi %parallel_loop3A_383, %parallel_loop3A_384 : i32
          %parallel_loop3A_386 = arith.index_cast %parallel_loop3A_385 : i32 to index
          %parallel_loop3A_387 = tpu.vector_load %arg8[%parallel_loop3A_386] {strides = array<i32>} : memref<32768xf32, #tpu.memory_space<vmem>>, vector<16xf32>,
          tpu.vector_store %arg8[%parallel_loop3A_386], %parallel_loop3A_343 {strides = array<i32>} : memref<32768xf32, #tpu.memory_space<vmem>>, vector<16xf32>,
          %parallel_loop3A_388 = arith.constant 0 : i32
          %parallel_loop3A_389 = arith.addi %parallel_loop3A_271, %parallel_loop3A_388 : i32
          %parallel_loop3A_390 = arith.constant 96 : i32
          %parallel_loop3A_391 = arith.addi %parallel_loop3A_389, %parallel_loop3A_390 : i32
          %parallel_loop3A_392 = arith.index_cast %parallel_loop3A_391 : i32 to index
          %parallel_loop3A_393 = tpu.vector_load %arg8[%parallel_loop3A_392] {strides = array<i32>} : memref<32768xf32, #tpu.memory_space<vmem>>, vector<16xf32>,
          tpu.vector_store %arg8[%parallel_loop3A_392], %parallel_loop3A_347 {strides = array<i32>} : memref<32768xf32, #tpu.memory_space<vmem>>, vector<16xf32>,
          %parallel_loop3A_394 = arith.constant 0 : i32
          %parallel_loop3A_395 = arith.addi %parallel_loop3A_271, %parallel_loop3A_394 : i32
          %parallel_loop3A_396 = arith.constant 112 : i32
          %parallel_loop3A_397 = arith.addi %parallel_loop3A_395, %parallel_loop3A_396 : i32
          %parallel_loop3A_398 = arith.index_cast %parallel_loop3A_397 : i32 to index
          %parallel_loop3A_399 = tpu.vector_load %arg8[%parallel_loop3A_398] {strides = array<i32>} : memref<32768xf32, #tpu.memory_space<vmem>>, vector<16xf32>,
          tpu.vector_store %arg8[%parallel_loop3A_398], %parallel_loop3A_351 {strides = array<i32>} : memref<32768xf32, #tpu.memory_space<vmem>>, vector<16xf32>,
          %parallel_loop3A_400 = arith.constant 1 : i32
          %parallel_loop3A_401 = vector.broadcast %parallel_loop3A_400 : i32 to vector<16xi32>
          %parallel_loop3A_402 = arith.addi %parallel_loop3A_277, %parallel_loop3A_401 : vector<16xi32>
          %parallel_loop3A_403 = tpu.vector_load_idx %arg9[%parallel_loop3A_402, %iota3A] : memref<16x16xf32, #tpu.memory_space<vmem>>[vector<16xi32>, vector<16xi32>], vector<16xf32>,
          %parallel_loop3A_404 = arith.constant 1 : i32
          %parallel_loop3A_405 = vector.broadcast %parallel_loop3A_404 : i32 to vector<16xi32>
          %parallel_loop3A_406 = arith.addi %parallel_loop3A_283, %parallel_loop3A_405 : vector<16xi32>
          %parallel_loop3A_407 = tpu.vector_load_idx %arg9[%parallel_loop3A_406, %iota3A] : memref<16x16xf32, #tpu.memory_space<vmem>>[vector<16xi32>, vector<16xi32>], vector<16xf32>,
          %parallel_loop3A_408 = arith.constant 1 : i32
          %parallel_loop3A_409 = vector.broadcast %parallel_loop3A_408 : i32 to vector<16xi32>
          %parallel_loop3A_410 = arith.addi %parallel_loop3A_289, %parallel_loop3A_409 : vector<16xi32>
          %parallel_loop3A_411 = tpu.vector_load_idx %arg9[%parallel_loop3A_410, %iota3A] : memref<16x16xf32, #tpu.memory_space<vmem>>[vector<16xi32>, vector<16xi32>], vector<16xf32>,
          %parallel_loop3A_412 = arith.constant 1 : i32
          %parallel_loop3A_413 = vector.broadcast %parallel_loop3A_412 : i32 to vector<16xi32>
          %parallel_loop3A_414 = arith.addi %parallel_loop3A_295, %parallel_loop3A_413 : vector<16xi32>
          %parallel_loop3A_415 = tpu.vector_load_idx %arg9[%parallel_loop3A_414, %iota3A] : memref<16x16xf32, #tpu.memory_space<vmem>>[vector<16xi32>, vector<16xi32>], vector<16xf32>,
          %parallel_loop3A_416 = arith.constant 1 : i32
          %parallel_loop3A_417 = vector.broadcast %parallel_loop3A_416 : i32 to vector<16xi32>
          %parallel_loop3A_418 = arith.addi %parallel_loop3A_301, %parallel_loop3A_417 : vector<16xi32>
          %parallel_loop3A_419 = tpu.vector_load_idx %arg9[%parallel_loop3A_418, %iota3A] : memref<16x16xf32, #tpu.memory_space<vmem>>[vector<16xi32>, vector<16xi32>], vector<16xf32>,
          %parallel_loop3A_420 = arith.constant 1 : i32
          %parallel_loop3A_421 = vector.broadcast %parallel_loop3A_420 : i32 to vector<16xi32>
          %parallel_loop3A_422 = arith.addi %parallel_loop3A_307, %parallel_loop3A_421 : vector<16xi32>
          %parallel_loop3A_423 = tpu.vector_load_idx %arg9[%parallel_loop3A_422, %iota3A] : memref<16x16xf32, #tpu.memory_space<vmem>>[vector<16xi32>, vector<16xi32>], vector<16xf32>,
          %parallel_loop3A_424 = arith.constant 1 : i32
          %parallel_loop3A_425 = vector.broadcast %parallel_loop3A_424 : i32 to vector<16xi32>
          %parallel_loop3A_426 = arith.addi %parallel_loop3A_313, %parallel_loop3A_425 : vector<16xi32>
          %parallel_loop3A_427 = tpu.vector_load_idx %arg9[%parallel_loop3A_426, %iota3A] : memref<16x16xf32, #tpu.memory_space<vmem>>[vector<16xi32>, vector<16xi32>], vector<16xf32>,
          %parallel_loop3A_428 = arith.constant 1 : i32
          %parallel_loop3A_429 = vector.broadcast %parallel_loop3A_428 : i32 to vector<16xi32>
          %parallel_loop3A_430 = arith.addi %parallel_loop3A_319, %parallel_loop3A_429 : vector<16xi32>
          %parallel_loop3A_431 = tpu.vector_load_idx %arg9[%parallel_loop3A_430, %iota3A] : memref<16x16xf32, #tpu.memory_space<vmem>>[vector<16xi32>, vector<16xi32>], vector<16xf32>,
          %parallel_loop3A_432 = arith.constant 128 : i32
          %parallel_loop3A_433 = arith.addi %parallel_loop3A_271, %parallel_loop3A_432 : i32
          %parallel_loop3A_434 = arith.constant 0 : i32
          %parallel_loop3A_435 = arith.addi %parallel_loop3A_433, %parallel_loop3A_434 : i32
          %parallel_loop3A_436 = arith.index_cast %parallel_loop3A_435 : i32 to index
          %parallel_loop3A_437 = tpu.vector_load %arg8[%parallel_loop3A_436] {strides = array<i32>} : memref<32768xf32, #tpu.memory_space<vmem>>, vector<16xf32>,
          tpu.vector_store %arg8[%parallel_loop3A_436], %parallel_loop3A_403 {strides = array<i32>} : memref<32768xf32, #tpu.memory_space<vmem>>, vector<16xf32>,
          %parallel_loop3A_438 = arith.constant 128 : i32
          %parallel_loop3A_439 = arith.addi %parallel_loop3A_271, %parallel_loop3A_438 : i32
          %parallel_loop3A_440 = arith.constant 16 : i32
          %parallel_loop3A_441 = arith.addi %parallel_loop3A_439, %parallel_loop3A_440 : i32
          %parallel_loop3A_442 = arith.index_cast %parallel_loop3A_441 : i32 to index
          %parallel_loop3A_443 = tpu.vector_load %arg8[%parallel_loop3A_442] {strides = array<i32>} : memref<32768xf32, #tpu.memory_space<vmem>>, vector<16xf32>,
          tpu.vector_store %arg8[%parallel_loop3A_442], %parallel_loop3A_407 {strides = array<i32>} : memref<32768xf32, #tpu.memory_space<vmem>>, vector<16xf32>,
          %parallel_loop3A_444 = arith.constant 128 : i32
          %parallel_loop3A_445 = arith.addi %parallel_loop3A_271, %parallel_loop3A_444 : i32
          %parallel_loop3A_446 = arith.constant 32 : i32
          %parallel_loop3A_447 = arith.addi %parallel_loop3A_445, %parallel_loop3A_446 : i32
          %parallel_loop3A_448 = arith.index_cast %parallel_loop3A_447 : i32 to index
          %parallel_loop3A_449 = tpu.vector_load %arg8[%parallel_loop3A_448] {strides = array<i32>} : memref<32768xf32, #tpu.memory_space<vmem>>, vector<16xf32>,
          tpu.vector_store %arg8[%parallel_loop3A_448], %parallel_loop3A_411 {strides = array<i32>} : memref<32768xf32, #tpu.memory_space<vmem>>, vector<16xf32>,
          %parallel_loop3A_450 = arith.constant 128 : i32
          %parallel_loop3A_451 = arith.addi %parallel_loop3A_271, %parallel_loop3A_450 : i32
          %parallel_loop3A_452 = arith.constant 48 : i32
          %parallel_loop3A_453 = arith.addi %parallel_loop3A_451, %parallel_loop3A_452 : i32
          %parallel_loop3A_454 = arith.index_cast %parallel_loop3A_453 : i32 to index
          %parallel_loop3A_455 = tpu.vector_load %arg8[%parallel_loop3A_454] {strides = array<i32>} : memref<32768xf32, #tpu.memory_space<vmem>>, vector<16xf32>,
          tpu.vector_store %arg8[%parallel_loop3A_454], %parallel_loop3A_415 {strides = array<i32>} : memref<32768xf32, #tpu.memory_space<vmem>>, vector<16xf32>,
          %parallel_loop3A_456 = arith.constant 128 : i32
          %parallel_loop3A_457 = arith.addi %parallel_loop3A_271, %parallel_loop3A_456 : i32
          %parallel_loop3A_458 = arith.constant 64 : i32
          %parallel_loop3A_459 = arith.addi %parallel_loop3A_457, %parallel_loop3A_458 : i32
          %parallel_loop3A_460 = arith.index_cast %parallel_loop3A_459 : i32 to index
          %parallel_loop3A_461 = tpu.vector_load %arg8[%parallel_loop3A_460] {strides = array<i32>} : memref<32768xf32, #tpu.memory_space<vmem>>, vector<16xf32>,
          tpu.vector_store %arg8[%parallel_loop3A_460], %parallel_loop3A_419 {strides = array<i32>} : memref<32768xf32, #tpu.memory_space<vmem>>, vector<16xf32>,
          %parallel_loop3A_462 = arith.constant 128 : i32
          %parallel_loop3A_463 = arith.addi %parallel_loop3A_271, %parallel_loop3A_462 : i32
          %parallel_loop3A_464 = arith.constant 80 : i32
          %parallel_loop3A_465 = arith.addi %parallel_loop3A_463, %parallel_loop3A_464 : i32
          %parallel_loop3A_466 = arith.index_cast %parallel_loop3A_465 : i32 to index
          %parallel_loop3A_467 = tpu.vector_load %arg8[%parallel_loop3A_466] {strides = array<i32>} : memref<32768xf32, #tpu.memory_space<vmem>>, vector<16xf32>,
          tpu.vector_store %arg8[%parallel_loop3A_466], %parallel_loop3A_423 {strides = array<i32>} : memref<32768xf32, #tpu.memory_space<vmem>>, vector<16xf32>,
          %parallel_loop3A_468 = arith.constant 128 : i32
          %parallel_loop3A_469 = arith.addi %parallel_loop3A_271, %parallel_loop3A_468 : i32
          %parallel_loop3A_470 = arith.constant 96 : i32
          %parallel_loop3A_471 = arith.addi %parallel_loop3A_469, %parallel_loop3A_470 : i32
          %parallel_loop3A_472 = arith.index_cast %parallel_loop3A_471 : i32 to index
          %parallel_loop3A_473 = tpu.vector_load %arg8[%parallel_loop3A_472] {strides = array<i32>} : memref<32768xf32, #tpu.memory_space<vmem>>, vector<16xf32>,
          tpu.vector_store %arg8[%parallel_loop3A_472], %parallel_loop3A_427 {strides = array<i32>} : memref<32768xf32, #tpu.memory_space<vmem>>, vector<16xf32>,
          %parallel_loop3A_474 = arith.constant 128 : i32
          %parallel_loop3A_475 = arith.addi %parallel_loop3A_271, %parallel_loop3A_474 : i32
          %parallel_loop3A_476 = arith.constant 112 : i32
          %parallel_loop3A_477 = arith.addi %parallel_loop3A_475, %parallel_loop3A_476 : i32
          %parallel_loop3A_478 = arith.index_cast %parallel_loop3A_477 : i32 to index
          %parallel_loop3A_479 = tpu.vector_load %arg8[%parallel_loop3A_478] {strides = array<i32>} : memref<32768xf32, #tpu.memory_space<vmem>>, vector<16xf32>,
          tpu.vector_store %arg8[%parallel_loop3A_478], %parallel_loop3A_431 {strides = array<i32>} : memref<32768xf32, #tpu.memory_space<vmem>>, vector<16xf32>,
          %parallel_loop3A_480 = arith.constant 2 : i32
          %parallel_loop3A_481 = vector.broadcast %parallel_loop3A_480 : i32 to vector<16xi32>
          %parallel_loop3A_482 = arith.addi %parallel_loop3A_277, %parallel_loop3A_481 : vector<16xi32>
          %parallel_loop3A_483 = tpu.vector_load_idx %arg9[%parallel_loop3A_482, %iota3A] : memref<16x16xf32, #tpu.memory_space<vmem>>[vector<16xi32>, vector<16xi32>], vector<16xf32>,
          %parallel_loop3A_484 = arith.constant 2 : i32
          %parallel_loop3A_485 = vector.broadcast %parallel_loop3A_484 : i32 to vector<16xi32>
          %parallel_loop3A_486 = arith.addi %parallel_loop3A_283, %parallel_loop3A_485 : vector<16xi32>
          %parallel_loop3A_487 = tpu.vector_load_idx %arg9[%parallel_loop3A_486, %iota3A] : memref<16x16xf32, #tpu.memory_space<vmem>>[vector<16xi32>, vector<16xi32>], vector<16xf32>,
          %parallel_loop3A_488 = arith.constant 2 : i32
          %parallel_loop3A_489 = vector.broadcast %parallel_loop3A_488 : i32 to vector<16xi32>
          %parallel_loop3A_490 = arith.addi %parallel_loop3A_289, %parallel_loop3A_489 : vector<16xi32>
          %parallel_loop3A_491 = tpu.vector_load_idx %arg9[%parallel_loop3A_490, %iota3A] : memref<16x16xf32, #tpu.memory_space<vmem>>[vector<16xi32>, vector<16xi32>], vector<16xf32>,
          %parallel_loop3A_492 = arith.constant 2 : i32
          %parallel_loop3A_493 = vector.broadcast %parallel_loop3A_492 : i32 to vector<16xi32>
          %parallel_loop3A_494 = arith.addi %parallel_loop3A_295, %parallel_loop3A_493 : vector<16xi32>
          %parallel_loop3A_495 = tpu.vector_load_idx %arg9[%parallel_loop3A_494, %iota3A] : memref<16x16xf32, #tpu.memory_space<vmem>>[vector<16xi32>, vector<16xi32>], vector<16xf32>,
          %parallel_loop3A_496 = arith.constant 2 : i32
          %parallel_loop3A_497 = vector.broadcast %parallel_loop3A_496 : i32 to vector<16xi32>
          %parallel_loop3A_498 = arith.addi %parallel_loop3A_301, %parallel_loop3A_497 : vector<16xi32>
          %parallel_loop3A_499 = tpu.vector_load_idx %arg9[%parallel_loop3A_498, %iota3A] : memref<16x16xf32, #tpu.memory_space<vmem>>[vector<16xi32>, vector<16xi32>], vector<16xf32>,
          %parallel_loop3A_500 = arith.constant 2 : i32
          %parallel_loop3A_501 = vector.broadcast %parallel_loop3A_500 : i32 to vector<16xi32>
          %parallel_loop3A_502 = arith.addi %parallel_loop3A_307, %parallel_loop3A_501 : vector<16xi32>
          %parallel_loop3A_503 = tpu.vector_load_idx %arg9[%parallel_loop3A_502, %iota3A] : memref<16x16xf32, #tpu.memory_space<vmem>>[vector<16xi32>, vector<16xi32>], vector<16xf32>,
          %parallel_loop3A_504 = arith.constant 2 : i32
          %parallel_loop3A_505 = vector.broadcast %parallel_loop3A_504 : i32 to vector<16xi32>
          %parallel_loop3A_506 = arith.addi %parallel_loop3A_313, %parallel_loop3A_505 : vector<16xi32>
          %parallel_loop3A_507 = tpu.vector_load_idx %arg9[%parallel_loop3A_506, %iota3A] : memref<16x16xf32, #tpu.memory_space<vmem>>[vector<16xi32>, vector<16xi32>], vector<16xf32>,
          %parallel_loop3A_508 = arith.constant 2 : i32
          %parallel_loop3A_509 = vector.broadcast %parallel_loop3A_508 : i32 to vector<16xi32>
          %parallel_loop3A_510 = arith.addi %parallel_loop3A_319, %parallel_loop3A_509 : vector<16xi32>
          %parallel_loop3A_511 = tpu.vector_load_idx %arg9[%parallel_loop3A_510, %iota3A] : memref<16x16xf32, #tpu.memory_space<vmem>>[vector<16xi32>, vector<16xi32>], vector<16xf32>,
          %parallel_loop3A_512 = arith.constant 256 : i32
          %parallel_loop3A_513 = arith.addi %parallel_loop3A_271, %parallel_loop3A_512 : i32
          %parallel_loop3A_514 = arith.constant 0 : i32
          %parallel_loop3A_515 = arith.addi %parallel_loop3A_513, %parallel_loop3A_514 : i32
          %parallel_loop3A_516 = arith.index_cast %parallel_loop3A_515 : i32 to index
          %parallel_loop3A_517 = tpu.vector_load %arg8[%parallel_loop3A_516] {strides = array<i32>} : memref<32768xf32, #tpu.memory_space<vmem>>, vector<16xf32>,
          tpu.vector_store %arg8[%parallel_loop3A_516], %parallel_loop3A_483 {strides = array<i32>} : memref<32768xf32, #tpu.memory_space<vmem>>, vector<16xf32>,
          %parallel_loop3A_518 = arith.constant 256 : i32
          %parallel_loop3A_519 = arith.addi %parallel_loop3A_271, %parallel_loop3A_518 : i32
          %parallel_loop3A_520 = arith.constant 16 : i32
          %parallel_loop3A_521 = arith.addi %parallel_loop3A_519, %parallel_loop3A_520 : i32
          %parallel_loop3A_522 = arith.index_cast %parallel_loop3A_521 : i32 to index
          %parallel_loop3A_523 = tpu.vector_load %arg8[%parallel_loop3A_522] {strides = array<i32>} : memref<32768xf32, #tpu.memory_space<vmem>>, vector<16xf32>,
          tpu.vector_store %arg8[%parallel_loop3A_522], %parallel_loop3A_487 {strides = array<i32>} : memref<32768xf32, #tpu.memory_space<vmem>>, vector<16xf32>,
          %parallel_loop3A_524 = arith.constant 256 : i32
          %parallel_loop3A_525 = arith.addi %parallel_loop3A_271, %parallel_loop3A_524 : i32
          %parallel_loop3A_526 = arith.constant 32 : i32
          %parallel_loop3A_527 = arith.addi %parallel_loop3A_525, %parallel_loop3A_526 : i32
          %parallel_loop3A_528 = arith.index_cast %parallel_loop3A_527 : i32 to index
          %parallel_loop3A_529 = tpu.vector_load %arg8[%parallel_loop3A_528] {strides = array<i32>} : memref<32768xf32, #tpu.memory_space<vmem>>, vector<16xf32>,
          tpu.vector_store %arg8[%parallel_loop3A_528], %parallel_loop3A_491 {strides = array<i32>} : memref<32768xf32, #tpu.memory_space<vmem>>, vector<16xf32>,
          %parallel_loop3A_530 = arith.constant 256 : i32
          %parallel_loop3A_531 = arith.addi %parallel_loop3A_271, %parallel_loop3A_530 : i32
          %parallel_loop3A_532 = arith.constant 48 : i32
          %parallel_loop3A_533 = arith.addi %parallel_loop3A_531, %parallel_loop3A_532 : i32
          %parallel_loop3A_534 = arith.index_cast %parallel_loop3A_533 : i32 to index
          %parallel_loop3A_535 = tpu.vector_load %arg8[%parallel_loop3A_534] {strides = array<i32>} : memref<32768xf32, #tpu.memory_space<vmem>>, vector<16xf32>,
          tpu.vector_store %arg8[%parallel_loop3A_534], %parallel_loop3A_495 {strides = array<i32>} : memref<32768xf32, #tpu.memory_space<vmem>>, vector<16xf32>,
          %parallel_loop3A_536 = arith.constant 256 : i32
          %parallel_loop3A_537 = arith.addi %parallel_loop3A_271, %parallel_loop3A_536 : i32
          %parallel_loop3A_538 = arith.constant 64 : i32
          %parallel_loop3A_539 = arith.addi %parallel_loop3A_537, %parallel_loop3A_538 : i32
          %parallel_loop3A_540 = arith.index_cast %parallel_loop3A_539 : i32 to index
          %parallel_loop3A_541 = tpu.vector_load %arg8[%parallel_loop3A_540] {strides = array<i32>} : memref<32768xf32, #tpu.memory_space<vmem>>, vector<16xf32>,
          tpu.vector_store %arg8[%parallel_loop3A_540], %parallel_loop3A_499 {strides = array<i32>} : memref<32768xf32, #tpu.memory_space<vmem>>, vector<16xf32>,
          %parallel_loop3A_542 = arith.constant 256 : i32
          %parallel_loop3A_543 = arith.addi %parallel_loop3A_271, %parallel_loop3A_542 : i32
          %parallel_loop3A_544 = arith.constant 80 : i32
          %parallel_loop3A_545 = arith.addi %parallel_loop3A_543, %parallel_loop3A_544 : i32
          %parallel_loop3A_546 = arith.index_cast %parallel_loop3A_545 : i32 to index
          %parallel_loop3A_547 = tpu.vector_load %arg8[%parallel_loop3A_546] {strides = array<i32>} : memref<32768xf32, #tpu.memory_space<vmem>>, vector<16xf32>,
          tpu.vector_store %arg8[%parallel_loop3A_546], %parallel_loop3A_503 {strides = array<i32>} : memref<32768xf32, #tpu.memory_space<vmem>>, vector<16xf32>,
          %parallel_loop3A_548 = arith.constant 256 : i32
          %parallel_loop3A_549 = arith.addi %parallel_loop3A_271, %parallel_loop3A_548 : i32
          %parallel_loop3A_550 = arith.constant 96 : i32
          %parallel_loop3A_551 = arith.addi %parallel_loop3A_549, %parallel_loop3A_550 : i32
          %parallel_loop3A_552 = arith.index_cast %parallel_loop3A_551 : i32 to index
          %parallel_loop3A_553 = tpu.vector_load %arg8[%parallel_loop3A_552] {strides = array<i32>} : memref<32768xf32, #tpu.memory_space<vmem>>, vector<16xf32>,
          tpu.vector_store %arg8[%parallel_loop3A_552], %parallel_loop3A_507 {strides = array<i32>} : memref<32768xf32, #tpu.memory_space<vmem>>, vector<16xf32>,
          %parallel_loop3A_554 = arith.constant 256 : i32
          %parallel_loop3A_555 = arith.addi %parallel_loop3A_271, %parallel_loop3A_554 : i32
          %parallel_loop3A_556 = arith.constant 112 : i32
          %parallel_loop3A_557 = arith.addi %parallel_loop3A_555, %parallel_loop3A_556 : i32
          %parallel_loop3A_558 = arith.index_cast %parallel_loop3A_557 : i32 to index
          %parallel_loop3A_559 = tpu.vector_load %arg8[%parallel_loop3A_558] {strides = array<i32>} : memref<32768xf32, #tpu.memory_space<vmem>>, vector<16xf32>,
          tpu.vector_store %arg8[%parallel_loop3A_558], %parallel_loop3A_511 {strides = array<i32>} : memref<32768xf32, #tpu.memory_space<vmem>>, vector<16xf32>,
          %parallel_loop3A_560 = arith.constant 3 : i32
          %parallel_loop3A_561 = vector.broadcast %parallel_loop3A_560 : i32 to vector<16xi32>
          %parallel_loop3A_562 = arith.addi %parallel_loop3A_277, %parallel_loop3A_561 : vector<16xi32>
          %parallel_loop3A_563 = tpu.vector_load_idx %arg9[%parallel_loop3A_562, %iota3A] : memref<16x16xf32, #tpu.memory_space<vmem>>[vector<16xi32>, vector<16xi32>], vector<16xf32>,
          %parallel_loop3A_564 = arith.constant 3 : i32
          %parallel_loop3A_565 = vector.broadcast %parallel_loop3A_564 : i32 to vector<16xi32>
          %parallel_loop3A_566 = arith.addi %parallel_loop3A_283, %parallel_loop3A_565 : vector<16xi32>
          %parallel_loop3A_567 = tpu.vector_load_idx %arg9[%parallel_loop3A_566, %iota3A] : memref<16x16xf32, #tpu.memory_space<vmem>>[vector<16xi32>, vector<16xi32>], vector<16xf32>,
          %parallel_loop3A_568 = arith.constant 3 : i32
          %parallel_loop3A_569 = vector.broadcast %parallel_loop3A_568 : i32 to vector<16xi32>
          %parallel_loop3A_570 = arith.addi %parallel_loop3A_289, %parallel_loop3A_569 : vector<16xi32>
          %parallel_loop3A_571 = tpu.vector_load_idx %arg9[%parallel_loop3A_570, %iota3A] : memref<16x16xf32, #tpu.memory_space<vmem>>[vector<16xi32>, vector<16xi32>], vector<16xf32>,
          %parallel_loop3A_572 = arith.constant 3 : i32
          %parallel_loop3A_573 = vector.broadcast %parallel_loop3A_572 : i32 to vector<16xi32>
          %parallel_loop3A_574 = arith.addi %parallel_loop3A_295, %parallel_loop3A_573 : vector<16xi32>
          %parallel_loop3A_575 = tpu.vector_load_idx %arg9[%parallel_loop3A_574, %iota3A] : memref<16x16xf32, #tpu.memory_space<vmem>>[vector<16xi32>, vector<16xi32>], vector<16xf32>,
          %parallel_loop3A_576 = arith.constant 3 : i32
          %parallel_loop3A_577 = vector.broadcast %parallel_loop3A_576 : i32 to vector<16xi32>
          %parallel_loop3A_578 = arith.addi %parallel_loop3A_301, %parallel_loop3A_577 : vector<16xi32>
          %parallel_loop3A_579 = tpu.vector_load_idx %arg9[%parallel_loop3A_578, %iota3A] : memref<16x16xf32, #tpu.memory_space<vmem>>[vector<16xi32>, vector<16xi32>], vector<16xf32>,
          %parallel_loop3A_580 = arith.constant 3 : i32
          %parallel_loop3A_581 = vector.broadcast %parallel_loop3A_580 : i32 to vector<16xi32>
          %parallel_loop3A_582 = arith.addi %parallel_loop3A_307, %parallel_loop3A_581 : vector<16xi32>
          %parallel_loop3A_583 = tpu.vector_load_idx %arg9[%parallel_loop3A_582, %iota3A] : memref<16x16xf32, #tpu.memory_space<vmem>>[vector<16xi32>, vector<16xi32>], vector<16xf32>,
          %parallel_loop3A_584 = arith.constant 3 : i32
          %parallel_loop3A_585 = vector.broadcast %parallel_loop3A_584 : i32 to vector<16xi32>
          %parallel_loop3A_586 = arith.addi %parallel_loop3A_313, %parallel_loop3A_585 : vector<16xi32>
          %parallel_loop3A_587 = tpu.vector_load_idx %arg9[%parallel_loop3A_586, %iota3A] : memref<16x16xf32, #tpu.memory_space<vmem>>[vector<16xi32>, vector<16xi32>], vector<16xf32>,
          %parallel_loop3A_588 = arith.constant 3 : i32
          %parallel_loop3A_589 = vector.broadcast %parallel_loop3A_588 : i32 to vector<16xi32>
          %parallel_loop3A_590 = arith.addi %parallel_loop3A_319, %parallel_loop3A_589 : vector<16xi32>
          %parallel_loop3A_591 = tpu.vector_load_idx %arg9[%parallel_loop3A_590, %iota3A] : memref<16x16xf32, #tpu.memory_space<vmem>>[vector<16xi32>, vector<16xi32>], vector<16xf32>,
          %parallel_loop3A_592 = arith.constant 384 : i32
          %parallel_loop3A_593 = arith.addi %parallel_loop3A_271, %parallel_loop3A_592 : i32
          %parallel_loop3A_594 = arith.constant 0 : i32
          %parallel_loop3A_595 = arith.addi %parallel_loop3A_593, %parallel_loop3A_594 : i32
          %parallel_loop3A_596 = arith.index_cast %parallel_loop3A_595 : i32 to index
          %parallel_loop3A_597 = tpu.vector_load %arg8[%parallel_loop3A_596] {strides = array<i32>} : memref<32768xf32, #tpu.memory_space<vmem>>, vector<16xf32>,
          tpu.vector_store %arg8[%parallel_loop3A_596], %parallel_loop3A_563 {strides = array<i32>} : memref<32768xf32, #tpu.memory_space<vmem>>, vector<16xf32>,
          %parallel_loop3A_598 = arith.constant 384 : i32
          %parallel_loop3A_599 = arith.addi %parallel_loop3A_271, %parallel_loop3A_598 : i32
          %parallel_loop3A_600 = arith.constant 16 : i32
          %parallel_loop3A_601 = arith.addi %parallel_loop3A_599, %parallel_loop3A_600 : i32
          %parallel_loop3A_602 = arith.index_cast %parallel_loop3A_601 : i32 to index
          %parallel_loop3A_603 = tpu.vector_load %arg8[%parallel_loop3A_602] {strides = array<i32>} : memref<32768xf32, #tpu.memory_space<vmem>>, vector<16xf32>,
          tpu.vector_store %arg8[%parallel_loop3A_602], %parallel_loop3A_567 {strides = array<i32>} : memref<32768xf32, #tpu.memory_space<vmem>>, vector<16xf32>,
          %parallel_loop3A_604 = arith.constant 384 : i32
          %parallel_loop3A_605 = arith.addi %parallel_loop3A_271, %parallel_loop3A_604 : i32
          %parallel_loop3A_606 = arith.constant 32 : i32
          %parallel_loop3A_607 = arith.addi %parallel_loop3A_605, %parallel_loop3A_606 : i32
          %parallel_loop3A_608 = arith.index_cast %parallel_loop3A_607 : i32 to index
          %parallel_loop3A_609 = tpu.vector_load %arg8[%parallel_loop3A_608] {strides = array<i32>} : memref<32768xf32, #tpu.memory_space<vmem>>, vector<16xf32>,
          tpu.vector_store %arg8[%parallel_loop3A_608], %parallel_loop3A_571 {strides = array<i32>} : memref<32768xf32, #tpu.memory_space<vmem>>, vector<16xf32>,
          %parallel_loop3A_610 = arith.constant 384 : i32
          %parallel_loop3A_611 = arith.addi %parallel_loop3A_271, %parallel_loop3A_610 : i32
          %parallel_loop3A_612 = arith.constant 48 : i32
          %parallel_loop3A_613 = arith.addi %parallel_loop3A_611, %parallel_loop3A_612 : i32
          %parallel_loop3A_614 = arith.index_cast %parallel_loop3A_613 : i32 to index
          %parallel_loop3A_615 = tpu.vector_load %arg8[%parallel_loop3A_614] {strides = array<i32>} : memref<32768xf32, #tpu.memory_space<vmem>>, vector<16xf32>,
          tpu.vector_store %arg8[%parallel_loop3A_614], %parallel_loop3A_575 {strides = array<i32>} : memref<32768xf32, #tpu.memory_space<vmem>>, vector<16xf32>,
          %parallel_loop3A_616 = arith.constant 384 : i32
          %parallel_loop3A_617 = arith.addi %parallel_loop3A_271, %parallel_loop3A_616 : i32
          %parallel_loop3A_618 = arith.constant 64 : i32
          %parallel_loop3A_619 = arith.addi %parallel_loop3A_617, %parallel_loop3A_618 : i32
          %parallel_loop3A_620 = arith.index_cast %parallel_loop3A_619 : i32 to index
          %parallel_loop3A_621 = tpu.vector_load %arg8[%parallel_loop3A_620] {strides = array<i32>} : memref<32768xf32, #tpu.memory_space<vmem>>, vector<16xf32>,
          tpu.vector_store %arg8[%parallel_loop3A_620], %parallel_loop3A_579 {strides = array<i32>} : memref<32768xf32, #tpu.memory_space<vmem>>, vector<16xf32>,
          %parallel_loop3A_622 = arith.constant 384 : i32
          %parallel_loop3A_623 = arith.addi %parallel_loop3A_271, %parallel_loop3A_622 : i32
          %parallel_loop3A_624 = arith.constant 80 : i32
          %parallel_loop3A_625 = arith.addi %parallel_loop3A_623, %parallel_loop3A_624 : i32
          %parallel_loop3A_626 = arith.index_cast %parallel_loop3A_625 : i32 to index
          %parallel_loop3A_627 = tpu.vector_load %arg8[%parallel_loop3A_626] {strides = array<i32>} : memref<32768xf32, #tpu.memory_space<vmem>>, vector<16xf32>,
          tpu.vector_store %arg8[%parallel_loop3A_626], %parallel_loop3A_583 {strides = array<i32>} : memref<32768xf32, #tpu.memory_space<vmem>>, vector<16xf32>,
          %parallel_loop3A_628 = arith.constant 384 : i32
          %parallel_loop3A_629 = arith.addi %parallel_loop3A_271, %parallel_loop3A_628 : i32
          %parallel_loop3A_630 = arith.constant 96 : i32
          %parallel_loop3A_631 = arith.addi %parallel_loop3A_629, %parallel_loop3A_630 : i32
          %parallel_loop3A_632 = arith.index_cast %parallel_loop3A_631 : i32 to index
          %parallel_loop3A_633 = tpu.vector_load %arg8[%parallel_loop3A_632] {strides = array<i32>} : memref<32768xf32, #tpu.memory_space<vmem>>, vector<16xf32>,
          tpu.vector_store %arg8[%parallel_loop3A_632], %parallel_loop3A_587 {strides = array<i32>} : memref<32768xf32, #tpu.memory_space<vmem>>, vector<16xf32>,
          %parallel_loop3A_634 = arith.constant 384 : i32
          %parallel_loop3A_635 = arith.addi %parallel_loop3A_271, %parallel_loop3A_634 : i32
          %parallel_loop3A_636 = arith.constant 112 : i32
          %parallel_loop3A_637 = arith.addi %parallel_loop3A_635, %parallel_loop3A_636 : i32
          %parallel_loop3A_638 = arith.index_cast %parallel_loop3A_637 : i32 to index
          %parallel_loop3A_639 = tpu.vector_load %arg8[%parallel_loop3A_638] {strides = array<i32>} : memref<32768xf32, #tpu.memory_space<vmem>>, vector<16xf32>,
          tpu.vector_store %arg8[%parallel_loop3A_638], %parallel_loop3A_591 {strides = array<i32>} : memref<32768xf32, #tpu.memory_space<vmem>>, vector<16xf32>,
        } {sc.loop_unroll_factor = 1 : i64, sc.parallel_access}
        %add3A_218 = arith.addi %select_n3A, %add3A_190 : i32
        %jit3A_219 = arith.constant 2 : i32
        %div3A_220 = arith.divsi %add3A_218, %jit3A_219 : i32
        %sign3A_221 = arith.constant 0 : i32
        %sign3A_222 = arith.cmpi sgt, %add3A_218, %sign3A_221 : i32
        %sign3A_223 = arith.extui %sign3A_222 : i1 to i32
        %sign3A_224 = arith.constant 0 : i32
        %sign3A_225 = arith.cmpi slt, %add3A_218, %sign3A_224 : i32
        %sign3A_226 = arith.extui %sign3A_225 : i1 to i32
        %sign3A_227 = arith.subi %sign3A_223, %sign3A_226 : i32
        %sign3A_228 = arith.constant 0 : i32
        %sign3A_229 = arith.cmpi sgt, %jit3A_219, %sign3A_228 : i32
        %sign3A_230 = arith.extui %sign3A_229 : i1 to i32
        %sign3A_231 = arith.constant 0 : i32
        %sign3A_232 = arith.cmpi slt, %jit3A_219, %sign3A_231 : i32
        %sign3A_233 = arith.extui %sign3A_232 : i1 to i32
        %sign3A_234 = arith.subi %sign3A_230, %sign3A_233 : i32
        %ne3A_235 = arith.cmpi ne, %sign3A_227, %sign3A_234 : i32
        %rem3A_236 = arith.remsi %add3A_218, %jit3A_219 : i32
        %ne3A_237 = arith.constant 0 : i32
        %ne3A_238 = arith.cmpi ne, %rem3A_236, %ne3A_237 : i32
        %and3A_239 = arith.andi %ne3A_235, %ne3A_238 : i1
        %sub3A_240 = arith.constant 1 : i32
        %sub3A_241 = arith.subi %div3A_220, %sub3A_240 : i32
        %select_n3A_242 = arith.select %and3A_239, %sub3A_241, %div3A_220 : i32
        %jit3A_243 = arith.constant 2 : i32
        %eq3A_244 = arith.constant 0 : i32
        %eq3A_245 = arith.cmpi eq, %jit3A_243, %eq3A_244 : i32
        %jit3A_246 = arith.constant 1 : i32
        %select_n3A_247 = arith.select %eq3A_245, %jit3A_246, %jit3A_243 : i32
        %rem3A_248 = arith.remsi %add3A_218, %select_n3A_247 : i32
        %ne3A_249 = arith.constant 0 : i32
        %ne3A_250 = arith.cmpi ne, %rem3A_248, %ne3A_249 : i32
        %lt3A_251 = arith.constant 0 : i32
        %lt3A_252 = arith.cmpi slt, %rem3A_248, %lt3A_251 : i32
        %lt3A_253 = arith.constant 0 : i32
        %lt3A_254 = arith.cmpi slt, %select_n3A_247, %lt3A_253 : i32
        %ne3A_255 = arith.xori %lt3A_252, %lt3A_254 : i1
        %and3A_256 = arith.andi %ne3A_255, %ne3A_250 : i1
        %add3A_257 = arith.addi %rem3A_248, %select_n3A_247 : i32
        %select_n3A_258 = arith.select %and3A_256, %add3A_257, %rem3A_248 : i32
        %mul3A_259 = arith.constant 64 : i32
        %mul3A_260 = arith.muli %select_n3A_258, %mul3A_259 : i32
        %mul3A_261 = arith.constant 128 : i32
        %mul3A_262 = arith.muli %select_n3A_242, %mul3A_261 : i32
        %add3A_263 = arith.addi %mul3A_262, %mul3A_260 : i32
        %mul3A_264 = arith.constant 512 : i32
        %mul3A_265 = arith.muli %add3A_263, %mul3A_264 : i32
        %multiple_of3A_266 = tpu.assume_multiple %mul3A_265, 8 : i32
        %dma_start3A_267 = tpu.memref_slice %arg4[%multiple_of3A_266] : memref<13107200xf32, #tpu.memory_space<hbm>> -> memref<32768xf32, #tpu.memory_space<hbm>>
        %dma_start3A_268 = tpu.memref_slice %arg4[%multiple_of3A_266] : memref<13107200xf32, #tpu.memory_space<hbm>> -> memref<32768xf32, #tpu.memory_space<hbm>>
        tpu.enqueue_dma source(%arg8 : memref<32768xf32, #tpu.memory_space<vmem>>) target(%dma_start3A_268 : memref<32768xf32, #tpu.memory_space<hbm>>) target_semaphore(%arg12 : memref<!tpu.dma_semaphore, #tpu.memory_space<semaphore_mem>>)
      } else {
      }
      %while3A_195 = arith.constant 0 : i32
      scf.yield %while3A_195 : i32
    }
    %while3A_170 = arith.constant 1 : i32
    %while3A_171 = scf.for %while3A_179 = %while3A_167 to %while3A_163 step %while3A_170 iter_args(%while3A_180 = %while3A_169) -> (i32)  : i32 {
      %mul3A_181 = arith.constant 2 : i32
      %mul3A_182 = arith.muli %mul3A_181, %while3A_179 : i32
      %add3A_183 = arith.constant 0 : i32
      %add3A_184 = arith.addi %mul3A_182, %add3A_183 : i32
      %lt3A_185 = arith.cmpi slt, %add3A_184, %sub3A_47 : i32
      %convert_element_type3A = arith.extui %lt3A_185 : i1 to i32
      %cond3A = arith.constant 0 : i32
      %cond3A_186 = arith.cmpi ne, %convert_element_type3A, %cond3A : i32
      scf.if %cond3A_186 {
        %dma_wait3A_196 = arith.constant 0 : i32
        %dma_wait3A_197 = arith.constant 0 : i32
        %dma_wait3A_198 = arith.constant 0 : i32
        %dma_wait3A_199 = arith.constant 0 : i32
        %dma_wait3A_200 = tpu.memref_slice %arg2[%dma_wait3A_196, %dma_wait3A_198, %dma_wait3A_197, %dma_wait3A_199] : memref<25x128x8x128xi32, #tpu.memory_space<hbm>> -> memref<1x64x1x128xi32, #tpu.memory_space<hbm>>
        %dma_wait3A_201 = tpu.memref_squeeze %dma_wait3A_200 : memref<1x64x1x128xi32, #tpu.memory_space<hbm>> -> memref<64x128xi32, #tpu.memory_space<hbm>>
        %dma_wait3A_202 = arith.constant 0 : i32
        %dma_wait3A_203 = arith.constant 0 : i32
        %dma_wait3A_204 = tpu.memref_slice %arg2[%dma_wait3A_196, %dma_wait3A_202, %dma_wait3A_197, %dma_wait3A_203] : memref<25x128x8x128xi32, #tpu.memory_space<hbm>> -> memref<1x64x1x128xi32, #tpu.memory_space<hbm>>
        %dma_wait3A_205 = tpu.memref_squeeze %dma_wait3A_204 : memref<1x64x1x128xi32, #tpu.memory_space<hbm>> -> memref<64x128xi32, #tpu.memory_space<hbm>>
        tpu.wait_dma2 semaphore(%arg10 : memref<!tpu.dma_semaphore, #tpu.memory_space<semaphore_mem>>) src(%dma_wait3A_205 : memref<64x128xi32, #tpu.memory_space<hbm>>) dst(%arg5 : memref<64x128xi32, #tpu.memory_space<vmem>>)
        %add3A_206 = arith.constant 1 : i32
        %add3A_207 = arith.addi %add3A_184, %add3A_206 : i32
        %lt3A_208 = arith.cmpi slt, %add3A_207, %sub3A_47 : i32
        %convert_element_type3A_209 = arith.extui %lt3A_208 : i1 to i32
        %cond3A_210 = arith.constant 0 : i32
        %cond3A_211 = arith.cmpi ne, %convert_element_type3A_209, %cond3A_210 : i32
        scf.if %cond3A_211 {
          %add3A_269 = arith.constant 1 : i32
          %add3A_270 = arith.addi %add3A_184, %add3A_269 : i32
          %add3A_271 = arith.addi %select_n3A, %add3A_270 : i32
          %jit3A_272 = arith.constant 2 : i32
          %div3A_273 = arith.divsi %add3A_271, %jit3A_272 : i32
          %sign3A_274 = arith.constant 0 : i32
          %sign3A_275 = arith.cmpi sgt, %add3A_271, %sign3A_274 : i32
          %sign3A_276 = arith.extui %sign3A_275 : i1 to i32
          %sign3A_277 = arith.constant 0 : i32
          %sign3A_278 = arith.cmpi slt, %add3A_271, %sign3A_277 : i32
          %sign3A_279 = arith.extui %sign3A_278 : i1 to i32
          %sign3A_280 = arith.subi %sign3A_276, %sign3A_279 : i32
          %sign3A_281 = arith.constant 0 : i32
          %sign3A_282 = arith.cmpi sgt, %jit3A_272, %sign3A_281 : i32
          %sign3A_283 = arith.extui %sign3A_282 : i1 to i32
          %sign3A_284 = arith.constant 0 : i32
          %sign3A_285 = arith.cmpi slt, %jit3A_272, %sign3A_284 : i32
          %sign3A_286 = arith.extui %sign3A_285 : i1 to i32
          %sign3A_287 = arith.subi %sign3A_283, %sign3A_286 : i32
          %ne3A_288 = arith.cmpi ne, %sign3A_280, %sign3A_287 : i32
          %rem3A_289 = arith.remsi %add3A_271, %jit3A_272 : i32
          %ne3A_290 = arith.constant 0 : i32
          %ne3A_291 = arith.cmpi ne, %rem3A_289, %ne3A_290 : i32
          %and3A_292 = arith.andi %ne3A_288, %ne3A_291 : i1
          %sub3A_293 = arith.constant 1 : i32
          %sub3A_294 = arith.subi %div3A_273, %sub3A_293 : i32
          %select_n3A_295 = arith.select %and3A_292, %sub3A_294, %div3A_273 : i32
          %jit3A_296 = arith.constant 2 : i32
          %eq3A_297 = arith.constant 0 : i32
          %eq3A_298 = arith.cmpi eq, %jit3A_296, %eq3A_297 : i32
          %jit3A_299 = arith.constant 1 : i32
          %select_n3A_300 = arith.select %eq3A_298, %jit3A_299, %jit3A_296 : i32
          %rem3A_301 = arith.remsi %add3A_271, %select_n3A_300 : i32
          %ne3A_302 = arith.constant 0 : i32
          %ne3A_303 = arith.cmpi ne, %rem3A_301, %ne3A_302 : i32
          %lt3A_304 = arith.constant 0 : i32
          %lt3A_305 = arith.cmpi slt, %rem3A_301, %lt3A_304 : i32
          %lt3A_306 = arith.constant 0 : i32
          %lt3A_307 = arith.cmpi slt, %select_n3A_300, %lt3A_306 : i32
          %ne3A_308 = arith.xori %lt3A_305, %lt3A_307 : i1
          %and3A_309 = arith.andi %ne3A_308, %ne3A_303 : i1
          %add3A_310 = arith.addi %rem3A_301, %select_n3A_300 : i32
          %select_n3A_311 = arith.select %and3A_309, %add3A_310, %rem3A_301 : i32
          %mul3A_312 = arith.constant 64 : i32
          %mul3A_313 = arith.muli %select_n3A_311, %mul3A_312 : i32
          %jit3A_314 = arith.constant 8 : i32
          %div3A_315 = arith.divsi %select_n3A_295, %jit3A_314 : i32
          %sign3A_316 = arith.constant 0 : i32
          %sign3A_317 = arith.cmpi sgt, %select_n3A_295, %sign3A_316 : i32
          %sign3A_318 = arith.extui %sign3A_317 : i1 to i32
          %sign3A_319 = arith.constant 0 : i32
          %sign3A_320 = arith.cmpi slt, %select_n3A_295, %sign3A_319 : i32
          %sign3A_321 = arith.extui %sign3A_320 : i1 to i32
          %sign3A_322 = arith.subi %sign3A_318, %sign3A_321 : i32
          %sign3A_323 = arith.constant 0 : i32
          %sign3A_324 = arith.cmpi sgt, %jit3A_314, %sign3A_323 : i32
          %sign3A_325 = arith.extui %sign3A_324 : i1 to i32
          %sign3A_326 = arith.constant 0 : i32
          %sign3A_327 = arith.cmpi slt, %jit3A_314, %sign3A_326 : i32
          %sign3A_328 = arith.extui %sign3A_327 : i1 to i32
          %sign3A_329 = arith.subi %sign3A_325, %sign3A_328 : i32
          %ne3A_330 = arith.cmpi ne, %sign3A_322, %sign3A_329 : i32
          %rem3A_331 = arith.remsi %select_n3A_295, %jit3A_314 : i32
          %ne3A_332 = arith.constant 0 : i32
          %ne3A_333 = arith.cmpi ne, %rem3A_331, %ne3A_332 : i32
          %and3A_334 = arith.andi %ne3A_330, %ne3A_333 : i1
          %sub3A_335 = arith.constant 1 : i32
          %sub3A_336 = arith.subi %div3A_315, %sub3A_335 : i32
          %select_n3A_337 = arith.select %and3A_334, %sub3A_336, %div3A_315 : i32
          %multiple_of3A_338 = tpu.assume_multiple %mul3A_313, 8 : i32
          %jit3A_339 = arith.constant 8 : i32
          %eq3A_340 = arith.constant 0 : i32
          %eq3A_341 = arith.cmpi eq, %jit3A_339, %eq3A_340 : i32
          %jit3A_342 = arith.constant 1 : i32
          %select_n3A_343 = arith.select %eq3A_341, %jit3A_342, %jit3A_339 : i32
          %rem3A_344 = arith.remsi %select_n3A_295, %select_n3A_343 : i32
          %ne3A_345 = arith.constant 0 : i32
          %ne3A_346 = arith.cmpi ne, %rem3A_344, %ne3A_345 : i32
          %lt3A_347 = arith.constant 0 : i32
          %lt3A_348 = arith.cmpi slt, %rem3A_344, %lt3A_347 : i32
          %lt3A_349 = arith.constant 0 : i32
          %lt3A_350 = arith.cmpi slt, %select_n3A_343, %lt3A_349 : i32
          %ne3A_351 = arith.xori %lt3A_348, %lt3A_350 : i1
          %and3A_352 = arith.andi %ne3A_351, %ne3A_346 : i1
          %add3A_353 = arith.addi %rem3A_344, %select_n3A_343 : i32
          %select_n3A_354 = arith.select %and3A_352, %add3A_353, %rem3A_344 : i32
          %dma_start3A_355 = arith.constant 0 : i32
          %dma_start3A_356 = tpu.memref_slice %arg2[%select_n3A_337, %multiple_of3A_338, %select_n3A_354, %dma_start3A_355] : memref<25x128x8x128xi32, #tpu.memory_space<hbm>> -> memref<1x64x1x128xi32, #tpu.memory_space<hbm>>
          %dma_start3A_357 = tpu.memref_squeeze %dma_start3A_356 : memref<1x64x1x128xi32, #tpu.memory_space<hbm>> -> memref<64x128xi32, #tpu.memory_space<hbm>>
          %dma_start3A_358 = arith.constant 0 : i32
          %dma_start3A_359 = tpu.memref_slice %arg2[%select_n3A_337, %multiple_of3A_338, %select_n3A_354, %dma_start3A_358] : memref<25x128x8x128xi32, #tpu.memory_space<hbm>> -> memref<1x64x1x128xi32, #tpu.memory_space<hbm>>
          %dma_start3A_360 = tpu.memref_squeeze %dma_start3A_359 : memref<1x64x1x128xi32, #tpu.memory_space<hbm>> -> memref<64x128xi32, #tpu.memory_space<hbm>>
          tpu.enqueue_dma source(%dma_start3A_360 : memref<64x128xi32, #tpu.memory_space<hbm>>) target(%arg6 : memref<64x128xi32, #tpu.memory_space<vmem>>) target_semaphore(%arg10 : memref<!tpu.dma_semaphore, #tpu.memory_space<semaphore_mem>>)
        } else {
        }
        %ge3A = arith.constant 1 : i32
        %ge3A_212 = arith.cmpi sge, %while3A_179, %ge3A : i32
        %convert_element_type3A_213 = arith.extui %ge3A_212 : i1 to i32
        %cond3A_214 = arith.constant 0 : i32
        %cond3A_215 = arith.cmpi ne, %convert_element_type3A_213, %cond3A_214 : i32
        scf.if %cond3A_215 {
          %dma_wait3A_269 = arith.constant 0 : i32
          %dma_wait3A_270 = tpu.memref_slice %arg4[%dma_wait3A_269] : memref<13107200xf32, #tpu.memory_space<hbm>> -> memref<32768xf32, #tpu.memory_space<hbm>>
          %dma_wait3A_271 = arith.constant 0 : i32
          %dma_wait3A_272 = tpu.memref_slice %arg4[%dma_wait3A_271] : memref<13107200xf32, #tpu.memory_space<hbm>> -> memref<32768xf32, #tpu.memory_space<hbm>>
          tpu.wait_dma2 semaphore(%arg11 : memref<!tpu.dma_semaphore, #tpu.memory_space<semaphore_mem>>) src(%arg7 : memref<32768xf32, #tpu.memory_space<vmem>>) dst(%dma_wait3A_272 : memref<32768xf32, #tpu.memory_space<hbm>>)
        } else {
        }
        %parallel_loop3A = arith.constant 0 : i32
        %parallel_loop3A_216 = arith.constant 64 : i32
        %parallel_loop3A_217 = arith.constant 1 : i32
        scf.for %parallel_loop3A_269 = %parallel_loop3A to %parallel_loop3A_216 step %parallel_loop3A_217  : i32 {
          %parallel_loop3A_270 = arith.constant 512 : i32
          %parallel_loop3A_271 = arith.muli %parallel_loop3A_269, %parallel_loop3A_270 : i32
          %parallel_loop3A_272 = arith.index_cast %parallel_loop3A_269 : i32 to index
          %parallel_loop3A_273 = arith.constant 0 : index
          %parallel_loop3A_274 = tpu.vector_load %arg5[%parallel_loop3A_272, %parallel_loop3A_273] {strides = array<i32>} : memref<64x128xi32, #tpu.memory_space<vmem>>, vector<16xi32>,
          %parallel_loop3A_275 = arith.constant 2 : i32
          %parallel_loop3A_276 = vector.broadcast %parallel_loop3A_275 : i32 to vector<16xi32>
          %parallel_loop3A_277 = arith.shli %parallel_loop3A_274, %parallel_loop3A_276 : vector<16xi32>
          %parallel_loop3A_278 = arith.index_cast %parallel_loop3A_269 : i32 to index
          %parallel_loop3A_279 = arith.constant 16 : index
          %parallel_loop3A_280 = tpu.vector_load %arg5[%parallel_loop3A_278, %parallel_loop3A_279] {strides = array<i32>} : memref<64x128xi32, #tpu.memory_space<vmem>>, vector<16xi32>,
          %parallel_loop3A_281 = arith.constant 2 : i32
          %parallel_loop3A_282 = vector.broadcast %parallel_loop3A_281 : i32 to vector<16xi32>
          %parallel_loop3A_283 = arith.shli %parallel_loop3A_280, %parallel_loop3A_282 : vector<16xi32>
          %parallel_loop3A_284 = arith.index_cast %parallel_loop3A_269 : i32 to index
          %parallel_loop3A_285 = arith.constant 32 : index
          %parallel_loop3A_286 = tpu.vector_load %arg5[%parallel_loop3A_284, %parallel_loop3A_285] {strides = array<i32>} : memref<64x128xi32, #tpu.memory_space<vmem>>, vector<16xi32>,
          %parallel_loop3A_287 = arith.constant 2 : i32
          %parallel_loop3A_288 = vector.broadcast %parallel_loop3A_287 : i32 to vector<16xi32>
          %parallel_loop3A_289 = arith.shli %parallel_loop3A_286, %parallel_loop3A_288 : vector<16xi32>
          %parallel_loop3A_290 = arith.index_cast %parallel_loop3A_269 : i32 to index
          %parallel_loop3A_291 = arith.constant 48 : index
          %parallel_loop3A_292 = tpu.vector_load %arg5[%parallel_loop3A_290, %parallel_loop3A_291] {strides = array<i32>} : memref<64x128xi32, #tpu.memory_space<vmem>>, vector<16xi32>,
          %parallel_loop3A_293 = arith.constant 2 : i32
          %parallel_loop3A_294 = vector.broadcast %parallel_loop3A_293 : i32 to vector<16xi32>
          %parallel_loop3A_295 = arith.shli %parallel_loop3A_292, %parallel_loop3A_294 : vector<16xi32>
          %parallel_loop3A_296 = arith.index_cast %parallel_loop3A_269 : i32 to index
          %parallel_loop3A_297 = arith.constant 64 : index
          %parallel_loop3A_298 = tpu.vector_load %arg5[%parallel_loop3A_296, %parallel_loop3A_297] {strides = array<i32>} : memref<64x128xi32, #tpu.memory_space<vmem>>, vector<16xi32>,
          %parallel_loop3A_299 = arith.constant 2 : i32
          %parallel_loop3A_300 = vector.broadcast %parallel_loop3A_299 : i32 to vector<16xi32>
          %parallel_loop3A_301 = arith.shli %parallel_loop3A_298, %parallel_loop3A_300 : vector<16xi32>
          %parallel_loop3A_302 = arith.index_cast %parallel_loop3A_269 : i32 to index
          %parallel_loop3A_303 = arith.constant 80 : index
          %parallel_loop3A_304 = tpu.vector_load %arg5[%parallel_loop3A_302, %parallel_loop3A_303] {strides = array<i32>} : memref<64x128xi32, #tpu.memory_space<vmem>>, vector<16xi32>,
          %parallel_loop3A_305 = arith.constant 2 : i32
          %parallel_loop3A_306 = vector.broadcast %parallel_loop3A_305 : i32 to vector<16xi32>
          %parallel_loop3A_307 = arith.shli %parallel_loop3A_304, %parallel_loop3A_306 : vector<16xi32>
          %parallel_loop3A_308 = arith.index_cast %parallel_loop3A_269 : i32 to index
          %parallel_loop3A_309 = arith.constant 96 : index
          %parallel_loop3A_310 = tpu.vector_load %arg5[%parallel_loop3A_308, %parallel_loop3A_309] {strides = array<i32>} : memref<64x128xi32, #tpu.memory_space<vmem>>, vector<16xi32>,
          %parallel_loop3A_311 = arith.constant 2 : i32
          %parallel_loop3A_312 = vector.broadcast %parallel_loop3A_311 : i32 to vector<16xi32>
          %parallel_loop3A_313 = arith.shli %parallel_loop3A_310, %parallel_loop3A_312 : vector<16xi32>
          %parallel_loop3A_314 = arith.index_cast %parallel_loop3A_269 : i32 to index
          %parallel_loop3A_315 = arith.constant 112 : index
          %parallel_loop3A_316 = tpu.vector_load %arg5[%parallel_loop3A_314, %parallel_loop3A_315] {strides = array<i32>} : memref<64x128xi32, #tpu.memory_space<vmem>>, vector<16xi32>,
          %parallel_loop3A_317 = arith.constant 2 : i32
          %parallel_loop3A_318 = vector.broadcast %parallel_loop3A_317 : i32 to vector<16xi32>
          %parallel_loop3A_319 = arith.shli %parallel_loop3A_316, %parallel_loop3A_318 : vector<16xi32>
          %parallel_loop3A_320 = arith.constant 0 : i32
          %parallel_loop3A_321 = vector.broadcast %parallel_loop3A_320 : i32 to vector<16xi32>
          %parallel_loop3A_322 = arith.addi %parallel_loop3A_277, %parallel_loop3A_321 : vector<16xi32>
          %parallel_loop3A_323 = tpu.vector_load_idx %arg9[%parallel_loop3A_322, %iota3A] : memref<16x16xf32, #tpu.memory_space<vmem>>[vector<16xi32>, vector<16xi32>], vector<16xf32>,
          %parallel_loop3A_324 = arith.constant 0 : i32
          %parallel_loop3A_325 = vector.broadcast %parallel_loop3A_324 : i32 to vector<16xi32>
          %parallel_loop3A_326 = arith.addi %parallel_loop3A_283, %parallel_loop3A_325 : vector<16xi32>
          %parallel_loop3A_327 = tpu.vector_load_idx %arg9[%parallel_loop3A_326, %iota3A] : memref<16x16xf32, #tpu.memory_space<vmem>>[vector<16xi32>, vector<16xi32>], vector<16xf32>,
          %parallel_loop3A_328 = arith.constant 0 : i32
          %parallel_loop3A_329 = vector.broadcast %parallel_loop3A_328 : i32 to vector<16xi32>
          %parallel_loop3A_330 = arith.addi %parallel_loop3A_289, %parallel_loop3A_329 : vector<16xi32>
          %parallel_loop3A_331 = tpu.vector_load_idx %arg9[%parallel_loop3A_330, %iota3A] : memref<16x16xf32, #tpu.memory_space<vmem>>[vector<16xi32>, vector<16xi32>], vector<16xf32>,
          %parallel_loop3A_332 = arith.constant 0 : i32
          %parallel_loop3A_333 = vector.broadcast %parallel_loop3A_332 : i32 to vector<16xi32>
          %parallel_loop3A_334 = arith.addi %parallel_loop3A_295, %parallel_loop3A_333 : vector<16xi32>
          %parallel_loop3A_335 = tpu.vector_load_idx %arg9[%parallel_loop3A_334, %iota3A] : memref<16x16xf32, #tpu.memory_space<vmem>>[vector<16xi32>, vector<16xi32>], vector<16xf32>,
          %parallel_loop3A_336 = arith.constant 0 : i32
          %parallel_loop3A_337 = vector.broadcast %parallel_loop3A_336 : i32 to vector<16xi32>
          %parallel_loop3A_338 = arith.addi %parallel_loop3A_301, %parallel_loop3A_337 : vector<16xi32>
          %parallel_loop3A_339 = tpu.vector_load_idx %arg9[%parallel_loop3A_338, %iota3A] : memref<16x16xf32, #tpu.memory_space<vmem>>[vector<16xi32>, vector<16xi32>], vector<16xf32>,
          %parallel_loop3A_340 = arith.constant 0 : i32
          %parallel_loop3A_341 = vector.broadcast %parallel_loop3A_340 : i32 to vector<16xi32>
          %parallel_loop3A_342 = arith.addi %parallel_loop3A_307, %parallel_loop3A_341 : vector<16xi32>
          %parallel_loop3A_343 = tpu.vector_load_idx %arg9[%parallel_loop3A_342, %iota3A] : memref<16x16xf32, #tpu.memory_space<vmem>>[vector<16xi32>, vector<16xi32>], vector<16xf32>,
          %parallel_loop3A_344 = arith.constant 0 : i32
          %parallel_loop3A_345 = vector.broadcast %parallel_loop3A_344 : i32 to vector<16xi32>
          %parallel_loop3A_346 = arith.addi %parallel_loop3A_313, %parallel_loop3A_345 : vector<16xi32>
          %parallel_loop3A_347 = tpu.vector_load_idx %arg9[%parallel_loop3A_346, %iota3A] : memref<16x16xf32, #tpu.memory_space<vmem>>[vector<16xi32>, vector<16xi32>], vector<16xf32>,
          %parallel_loop3A_348 = arith.constant 0 : i32
          %parallel_loop3A_349 = vector.broadcast %parallel_loop3A_348 : i32 to vector<16xi32>
          %parallel_loop3A_350 = arith.addi %parallel_loop3A_319, %parallel_loop3A_349 : vector<16xi32>
          %parallel_loop3A_351 = tpu.vector_load_idx %arg9[%parallel_loop3A_350, %iota3A] : memref<16x16xf32, #tpu.memory_space<vmem>>[vector<16xi32>, vector<16xi32>], vector<16xf32>,
          %parallel_loop3A_352 = arith.constant 0 : i32
          %parallel_loop3A_353 = arith.addi %parallel_loop3A_271, %parallel_loop3A_352 : i32
          %parallel_loop3A_354 = arith.constant 0 : i32
          %parallel_loop3A_355 = arith.addi %parallel_loop3A_353, %parallel_loop3A_354 : i32
          %parallel_loop3A_356 = arith.index_cast %parallel_loop3A_355 : i32 to index
          %parallel_loop3A_357 = tpu.vector_load %arg7[%parallel_loop3A_356] {strides = array<i32>} : memref<32768xf32, #tpu.memory_space<vmem>>, vector<16xf32>,
          tpu.vector_store %arg7[%parallel_loop3A_356], %parallel_loop3A_323 {strides = array<i32>} : memref<32768xf32, #tpu.memory_space<vmem>>, vector<16xf32>,
          %parallel_loop3A_358 = arith.constant 0 : i32
          %parallel_loop3A_359 = arith.addi %parallel_loop3A_271, %parallel_loop3A_358 : i32
          %parallel_loop3A_360 = arith.constant 16 : i32
          %parallel_loop3A_361 = arith.addi %parallel_loop3A_359, %parallel_loop3A_360 : i32
          %parallel_loop3A_362 = arith.index_cast %parallel_loop3A_361 : i32 to index
          %parallel_loop3A_363 = tpu.vector_load %arg7[%parallel_loop3A_362] {strides = array<i32>} : memref<32768xf32, #tpu.memory_space<vmem>>, vector<16xf32>,
          tpu.vector_store %arg7[%parallel_loop3A_362], %parallel_loop3A_327 {strides = array<i32>} : memref<32768xf32, #tpu.memory_space<vmem>>, vector<16xf32>,
          %parallel_loop3A_364 = arith.constant 0 : i32
          %parallel_loop3A_365 = arith.addi %parallel_loop3A_271, %parallel_loop3A_364 : i32
          %parallel_loop3A_366 = arith.constant 32 : i32
          %parallel_loop3A_367 = arith.addi %parallel_loop3A_365, %parallel_loop3A_366 : i32
          %parallel_loop3A_368 = arith.index_cast %parallel_loop3A_367 : i32 to index
          %parallel_loop3A_369 = tpu.vector_load %arg7[%parallel_loop3A_368] {strides = array<i32>} : memref<32768xf32, #tpu.memory_space<vmem>>, vector<16xf32>,
          tpu.vector_store %arg7[%parallel_loop3A_368], %parallel_loop3A_331 {strides = array<i32>} : memref<32768xf32, #tpu.memory_space<vmem>>, vector<16xf32>,
          %parallel_loop3A_370 = arith.constant 0 : i32
          %parallel_loop3A_371 = arith.addi %parallel_loop3A_271, %parallel_loop3A_370 : i32
          %parallel_loop3A_372 = arith.constant 48 : i32
          %parallel_loop3A_373 = arith.addi %parallel_loop3A_371, %parallel_loop3A_372 : i32
          %parallel_loop3A_374 = arith.index_cast %parallel_loop3A_373 : i32 to index
          %parallel_loop3A_375 = tpu.vector_load %arg7[%parallel_loop3A_374] {strides = array<i32>} : memref<32768xf32, #tpu.memory_space<vmem>>, vector<16xf32>,
          tpu.vector_store %arg7[%parallel_loop3A_374], %parallel_loop3A_335 {strides = array<i32>} : memref<32768xf32, #tpu.memory_space<vmem>>, vector<16xf32>,
          %parallel_loop3A_376 = arith.constant 0 : i32
          %parallel_loop3A_377 = arith.addi %parallel_loop3A_271, %parallel_loop3A_376 : i32
          %parallel_loop3A_378 = arith.constant 64 : i32
          %parallel_loop3A_379 = arith.addi %parallel_loop3A_377, %parallel_loop3A_378 : i32
          %parallel_loop3A_380 = arith.index_cast %parallel_loop3A_379 : i32 to index
          %parallel_loop3A_381 = tpu.vector_load %arg7[%parallel_loop3A_380] {strides = array<i32>} : memref<32768xf32, #tpu.memory_space<vmem>>, vector<16xf32>,
          tpu.vector_store %arg7[%parallel_loop3A_380], %parallel_loop3A_339 {strides = array<i32>} : memref<32768xf32, #tpu.memory_space<vmem>>, vector<16xf32>,
          %parallel_loop3A_382 = arith.constant 0 : i32
          %parallel_loop3A_383 = arith.addi %parallel_loop3A_271, %parallel_loop3A_382 : i32
          %parallel_loop3A_384 = arith.constant 80 : i32
          %parallel_loop3A_385 = arith.addi %parallel_loop3A_383, %parallel_loop3A_384 : i32
          %parallel_loop3A_386 = arith.index_cast %parallel_loop3A_385 : i32 to index
          %parallel_loop3A_387 = tpu.vector_load %arg7[%parallel_loop3A_386] {strides = array<i32>} : memref<32768xf32, #tpu.memory_space<vmem>>, vector<16xf32>,
          tpu.vector_store %arg7[%parallel_loop3A_386], %parallel_loop3A_343 {strides = array<i32>} : memref<32768xf32, #tpu.memory_space<vmem>>, vector<16xf32>,
          %parallel_loop3A_388 = arith.constant 0 : i32
          %parallel_loop3A_389 = arith.addi %parallel_loop3A_271, %parallel_loop3A_388 : i32
          %parallel_loop3A_390 = arith.constant 96 : i32
          %parallel_loop3A_391 = arith.addi %parallel_loop3A_389, %parallel_loop3A_390 : i32
          %parallel_loop3A_392 = arith.index_cast %parallel_loop3A_391 : i32 to index
          %parallel_loop3A_393 = tpu.vector_load %arg7[%parallel_loop3A_392] {strides = array<i32>} : memref<32768xf32, #tpu.memory_space<vmem>>, vector<16xf32>,
          tpu.vector_store %arg7[%parallel_loop3A_392], %parallel_loop3A_347 {strides = array<i32>} : memref<32768xf32, #tpu.memory_space<vmem>>, vector<16xf32>,
          %parallel_loop3A_394 = arith.constant 0 : i32
          %parallel_loop3A_395 = arith.addi %parallel_loop3A_271, %parallel_loop3A_394 : i32
          %parallel_loop3A_396 = arith.constant 112 : i32
          %parallel_loop3A_397 = arith.addi %parallel_loop3A_395, %parallel_loop3A_396 : i32
          %parallel_loop3A_398 = arith.index_cast %parallel_loop3A_397 : i32 to index
          %parallel_loop3A_399 = tpu.vector_load %arg7[%parallel_loop3A_398] {strides = array<i32>} : memref<32768xf32, #tpu.memory_space<vmem>>, vector<16xf32>,
          tpu.vector_store %arg7[%parallel_loop3A_398], %parallel_loop3A_351 {strides = array<i32>} : memref<32768xf32, #tpu.memory_space<vmem>>, vector<16xf32>,
          %parallel_loop3A_400 = arith.constant 1 : i32
          %parallel_loop3A_401 = vector.broadcast %parallel_loop3A_400 : i32 to vector<16xi32>
          %parallel_loop3A_402 = arith.addi %parallel_loop3A_277, %parallel_loop3A_401 : vector<16xi32>
          %parallel_loop3A_403 = tpu.vector_load_idx %arg9[%parallel_loop3A_402, %iota3A] : memref<16x16xf32, #tpu.memory_space<vmem>>[vector<16xi32>, vector<16xi32>], vector<16xf32>,
          %parallel_loop3A_404 = arith.constant 1 : i32
          %parallel_loop3A_405 = vector.broadcast %parallel_loop3A_404 : i32 to vector<16xi32>
          %parallel_loop3A_406 = arith.addi %parallel_loop3A_283, %parallel_loop3A_405 : vector<16xi32>
          %parallel_loop3A_407 = tpu.vector_load_idx %arg9[%parallel_loop3A_406, %iota3A] : memref<16x16xf32, #tpu.memory_space<vmem>>[vector<16xi32>, vector<16xi32>], vector<16xf32>,
          %parallel_loop3A_408 = arith.constant 1 : i32
          %parallel_loop3A_409 = vector.broadcast %parallel_loop3A_408 : i32 to vector<16xi32>
          %parallel_loop3A_410 = arith.addi %parallel_loop3A_289, %parallel_loop3A_409 : vector<16xi32>
          %parallel_loop3A_411 = tpu.vector_load_idx %arg9[%parallel_loop3A_410, %iota3A] : memref<16x16xf32, #tpu.memory_space<vmem>>[vector<16xi32>, vector<16xi32>], vector<16xf32>,
          %parallel_loop3A_412 = arith.constant 1 : i32
          %parallel_loop3A_413 = vector.broadcast %parallel_loop3A_412 : i32 to vector<16xi32>
          %parallel_loop3A_414 = arith.addi %parallel_loop3A_295, %parallel_loop3A_413 : vector<16xi32>
          %parallel_loop3A_415 = tpu.vector_load_idx %arg9[%parallel_loop3A_414, %iota3A] : memref<16x16xf32, #tpu.memory_space<vmem>>[vector<16xi32>, vector<16xi32>], vector<16xf32>,
          %parallel_loop3A_416 = arith.constant 1 : i32
          %parallel_loop3A_417 = vector.broadcast %parallel_loop3A_416 : i32 to vector<16xi32>
          %parallel_loop3A_418 = arith.addi %parallel_loop3A_301, %parallel_loop3A_417 : vector<16xi32>
          %parallel_loop3A_419 = tpu.vector_load_idx %arg9[%parallel_loop3A_418, %iota3A] : memref<16x16xf32, #tpu.memory_space<vmem>>[vector<16xi32>, vector<16xi32>], vector<16xf32>,
          %parallel_loop3A_420 = arith.constant 1 : i32
          %parallel_loop3A_421 = vector.broadcast %parallel_loop3A_420 : i32 to vector<16xi32>
          %parallel_loop3A_422 = arith.addi %parallel_loop3A_307, %parallel_loop3A_421 : vector<16xi32>
          %parallel_loop3A_423 = tpu.vector_load_idx %arg9[%parallel_loop3A_422, %iota3A] : memref<16x16xf32, #tpu.memory_space<vmem>>[vector<16xi32>, vector<16xi32>], vector<16xf32>,
          %parallel_loop3A_424 = arith.constant 1 : i32
          %parallel_loop3A_425 = vector.broadcast %parallel_loop3A_424 : i32 to vector<16xi32>
          %parallel_loop3A_426 = arith.addi %parallel_loop3A_313, %parallel_loop3A_425 : vector<16xi32>
          %parallel_loop3A_427 = tpu.vector_load_idx %arg9[%parallel_loop3A_426, %iota3A] : memref<16x16xf32, #tpu.memory_space<vmem>>[vector<16xi32>, vector<16xi32>], vector<16xf32>,
          %parallel_loop3A_428 = arith.constant 1 : i32
          %parallel_loop3A_429 = vector.broadcast %parallel_loop3A_428 : i32 to vector<16xi32>
          %parallel_loop3A_430 = arith.addi %parallel_loop3A_319, %parallel_loop3A_429 : vector<16xi32>
          %parallel_loop3A_431 = tpu.vector_load_idx %arg9[%parallel_loop3A_430, %iota3A] : memref<16x16xf32, #tpu.memory_space<vmem>>[vector<16xi32>, vector<16xi32>], vector<16xf32>,
          %parallel_loop3A_432 = arith.constant 128 : i32
          %parallel_loop3A_433 = arith.addi %parallel_loop3A_271, %parallel_loop3A_432 : i32
          %parallel_loop3A_434 = arith.constant 0 : i32
          %parallel_loop3A_435 = arith.addi %parallel_loop3A_433, %parallel_loop3A_434 : i32
          %parallel_loop3A_436 = arith.index_cast %parallel_loop3A_435 : i32 to index
          %parallel_loop3A_437 = tpu.vector_load %arg7[%parallel_loop3A_436] {strides = array<i32>} : memref<32768xf32, #tpu.memory_space<vmem>>, vector<16xf32>,
          tpu.vector_store %arg7[%parallel_loop3A_436], %parallel_loop3A_403 {strides = array<i32>} : memref<32768xf32, #tpu.memory_space<vmem>>, vector<16xf32>,
          %parallel_loop3A_438 = arith.constant 128 : i32
          %parallel_loop3A_439 = arith.addi %parallel_loop3A_271, %parallel_loop3A_438 : i32
          %parallel_loop3A_440 = arith.constant 16 : i32
          %parallel_loop3A_441 = arith.addi %parallel_loop3A_439, %parallel_loop3A_440 : i32
          %parallel_loop3A_442 = arith.index_cast %parallel_loop3A_441 : i32 to index
          %parallel_loop3A_443 = tpu.vector_load %arg7[%parallel_loop3A_442] {strides = array<i32>} : memref<32768xf32, #tpu.memory_space<vmem>>, vector<16xf32>,
          tpu.vector_store %arg7[%parallel_loop3A_442], %parallel_loop3A_407 {strides = array<i32>} : memref<32768xf32, #tpu.memory_space<vmem>>, vector<16xf32>,
          %parallel_loop3A_444 = arith.constant 128 : i32
          %parallel_loop3A_445 = arith.addi %parallel_loop3A_271, %parallel_loop3A_444 : i32
          %parallel_loop3A_446 = arith.constant 32 : i32
          %parallel_loop3A_447 = arith.addi %parallel_loop3A_445, %parallel_loop3A_446 : i32
          %parallel_loop3A_448 = arith.index_cast %parallel_loop3A_447 : i32 to index
          %parallel_loop3A_449 = tpu.vector_load %arg7[%parallel_loop3A_448] {strides = array<i32>} : memref<32768xf32, #tpu.memory_space<vmem>>, vector<16xf32>,
          tpu.vector_store %arg7[%parallel_loop3A_448], %parallel_loop3A_411 {strides = array<i32>} : memref<32768xf32, #tpu.memory_space<vmem>>, vector<16xf32>,
          %parallel_loop3A_450 = arith.constant 128 : i32
          %parallel_loop3A_451 = arith.addi %parallel_loop3A_271, %parallel_loop3A_450 : i32
          %parallel_loop3A_452 = arith.constant 48 : i32
          %parallel_loop3A_453 = arith.addi %parallel_loop3A_451, %parallel_loop3A_452 : i32
          %parallel_loop3A_454 = arith.index_cast %parallel_loop3A_453 : i32 to index
          %parallel_loop3A_455 = tpu.vector_load %arg7[%parallel_loop3A_454] {strides = array<i32>} : memref<32768xf32, #tpu.memory_space<vmem>>, vector<16xf32>,
          tpu.vector_store %arg7[%parallel_loop3A_454], %parallel_loop3A_415 {strides = array<i32>} : memref<32768xf32, #tpu.memory_space<vmem>>, vector<16xf32>,
          %parallel_loop3A_456 = arith.constant 128 : i32
          %parallel_loop3A_457 = arith.addi %parallel_loop3A_271, %parallel_loop3A_456 : i32
          %parallel_loop3A_458 = arith.constant 64 : i32
          %parallel_loop3A_459 = arith.addi %parallel_loop3A_457, %parallel_loop3A_458 : i32
          %parallel_loop3A_460 = arith.index_cast %parallel_loop3A_459 : i32 to index
          %parallel_loop3A_461 = tpu.vector_load %arg7[%parallel_loop3A_460] {strides = array<i32>} : memref<32768xf32, #tpu.memory_space<vmem>>, vector<16xf32>,
          tpu.vector_store %arg7[%parallel_loop3A_460], %parallel_loop3A_419 {strides = array<i32>} : memref<32768xf32, #tpu.memory_space<vmem>>, vector<16xf32>,
          %parallel_loop3A_462 = arith.constant 128 : i32
          %parallel_loop3A_463 = arith.addi %parallel_loop3A_271, %parallel_loop3A_462 : i32
          %parallel_loop3A_464 = arith.constant 80 : i32
          %parallel_loop3A_465 = arith.addi %parallel_loop3A_463, %parallel_loop3A_464 : i32
          %parallel_loop3A_466 = arith.index_cast %parallel_loop3A_465 : i32 to index
          %parallel_loop3A_467 = tpu.vector_load %arg7[%parallel_loop3A_466] {strides = array<i32>} : memref<32768xf32, #tpu.memory_space<vmem>>, vector<16xf32>,
          tpu.vector_store %arg7[%parallel_loop3A_466], %parallel_loop3A_423 {strides = array<i32>} : memref<32768xf32, #tpu.memory_space<vmem>>, vector<16xf32>,
          %parallel_loop3A_468 = arith.constant 128 : i32
          %parallel_loop3A_469 = arith.addi %parallel_loop3A_271, %parallel_loop3A_468 : i32
          %parallel_loop3A_470 = arith.constant 96 : i32
          %parallel_loop3A_471 = arith.addi %parallel_loop3A_469, %parallel_loop3A_470 : i32
          %parallel_loop3A_472 = arith.index_cast %parallel_loop3A_471 : i32 to index
          %parallel_loop3A_473 = tpu.vector_load %arg7[%parallel_loop3A_472] {strides = array<i32>} : memref<32768xf32, #tpu.memory_space<vmem>>, vector<16xf32>,
          tpu.vector_store %arg7[%parallel_loop3A_472], %parallel_loop3A_427 {strides = array<i32>} : memref<32768xf32, #tpu.memory_space<vmem>>, vector<16xf32>,
          %parallel_loop3A_474 = arith.constant 128 : i32
          %parallel_loop3A_475 = arith.addi %parallel_loop3A_271, %parallel_loop3A_474 : i32
          %parallel_loop3A_476 = arith.constant 112 : i32
          %parallel_loop3A_477 = arith.addi %parallel_loop3A_475, %parallel_loop3A_476 : i32
          %parallel_loop3A_478 = arith.index_cast %parallel_loop3A_477 : i32 to index
          %parallel_loop3A_479 = tpu.vector_load %arg7[%parallel_loop3A_478] {strides = array<i32>} : memref<32768xf32, #tpu.memory_space<vmem>>, vector<16xf32>,
          tpu.vector_store %arg7[%parallel_loop3A_478], %parallel_loop3A_431 {strides = array<i32>} : memref<32768xf32, #tpu.memory_space<vmem>>, vector<16xf32>,
          %parallel_loop3A_480 = arith.constant 2 : i32
          %parallel_loop3A_481 = vector.broadcast %parallel_loop3A_480 : i32 to vector<16xi32>
          %parallel_loop3A_482 = arith.addi %parallel_loop3A_277, %parallel_loop3A_481 : vector<16xi32>
          %parallel_loop3A_483 = tpu.vector_load_idx %arg9[%parallel_loop3A_482, %iota3A] : memref<16x16xf32, #tpu.memory_space<vmem>>[vector<16xi32>, vector<16xi32>], vector<16xf32>,
          %parallel_loop3A_484 = arith.constant 2 : i32
          %parallel_loop3A_485 = vector.broadcast %parallel_loop3A_484 : i32 to vector<16xi32>
          %parallel_loop3A_486 = arith.addi %parallel_loop3A_283, %parallel_loop3A_485 : vector<16xi32>
          %parallel_loop3A_487 = tpu.vector_load_idx %arg9[%parallel_loop3A_486, %iota3A] : memref<16x16xf32, #tpu.memory_space<vmem>>[vector<16xi32>, vector<16xi32>], vector<16xf32>,
          %parallel_loop3A_488 = arith.constant 2 : i32
          %parallel_loop3A_489 = vector.broadcast %parallel_loop3A_488 : i32 to vector<16xi32>
          %parallel_loop3A_490 = arith.addi %parallel_loop3A_289, %parallel_loop3A_489 : vector<16xi32>
          %parallel_loop3A_491 = tpu.vector_load_idx %arg9[%parallel_loop3A_490, %iota3A] : memref<16x16xf32, #tpu.memory_space<vmem>>[vector<16xi32>, vector<16xi32>], vector<16xf32>,
          %parallel_loop3A_492 = arith.constant 2 : i32
          %parallel_loop3A_493 = vector.broadcast %parallel_loop3A_492 : i32 to vector<16xi32>
          %parallel_loop3A_494 = arith.addi %parallel_loop3A_295, %parallel_loop3A_493 : vector<16xi32>
          %parallel_loop3A_495 = tpu.vector_load_idx %arg9[%parallel_loop3A_494, %iota3A] : memref<16x16xf32, #tpu.memory_space<vmem>>[vector<16xi32>, vector<16xi32>], vector<16xf32>,
          %parallel_loop3A_496 = arith.constant 2 : i32
          %parallel_loop3A_497 = vector.broadcast %parallel_loop3A_496 : i32 to vector<16xi32>
          %parallel_loop3A_498 = arith.addi %parallel_loop3A_301, %parallel_loop3A_497 : vector<16xi32>
          %parallel_loop3A_499 = tpu.vector_load_idx %arg9[%parallel_loop3A_498, %iota3A] : memref<16x16xf32, #tpu.memory_space<vmem>>[vector<16xi32>, vector<16xi32>], vector<16xf32>,
          %parallel_loop3A_500 = arith.constant 2 : i32
          %parallel_loop3A_501 = vector.broadcast %parallel_loop3A_500 : i32 to vector<16xi32>
          %parallel_loop3A_502 = arith.addi %parallel_loop3A_307, %parallel_loop3A_501 : vector<16xi32>
          %parallel_loop3A_503 = tpu.vector_load_idx %arg9[%parallel_loop3A_502, %iota3A] : memref<16x16xf32, #tpu.memory_space<vmem>>[vector<16xi32>, vector<16xi32>], vector<16xf32>,
          %parallel_loop3A_504 = arith.constant 2 : i32
          %parallel_loop3A_505 = vector.broadcast %parallel_loop3A_504 : i32 to vector<16xi32>
          %parallel_loop3A_506 = arith.addi %parallel_loop3A_313, %parallel_loop3A_505 : vector<16xi32>
          %parallel_loop3A_507 = tpu.vector_load_idx %arg9[%parallel_loop3A_506, %iota3A] : memref<16x16xf32, #tpu.memory_space<vmem>>[vector<16xi32>, vector<16xi32>], vector<16xf32>,
          %parallel_loop3A_508 = arith.constant 2 : i32
          %parallel_loop3A_509 = vector.broadcast %parallel_loop3A_508 : i32 to vector<16xi32>
          %parallel_loop3A_510 = arith.addi %parallel_loop3A_319, %parallel_loop3A_509 : vector<16xi32>
          %parallel_loop3A_511 = tpu.vector_load_idx %arg9[%parallel_loop3A_510, %iota3A] : memref<16x16xf32, #tpu.memory_space<vmem>>[vector<16xi32>, vector<16xi32>], vector<16xf32>,
          %parallel_loop3A_512 = arith.constant 256 : i32
          %parallel_loop3A_513 = arith.addi %parallel_loop3A_271, %parallel_loop3A_512 : i32
          %parallel_loop3A_514 = arith.constant 0 : i32
          %parallel_loop3A_515 = arith.addi %parallel_loop3A_513, %parallel_loop3A_514 : i32
          %parallel_loop3A_516 = arith.index_cast %parallel_loop3A_515 : i32 to index
          %parallel_loop3A_517 = tpu.vector_load %arg7[%parallel_loop3A_516] {strides = array<i32>} : memref<32768xf32, #tpu.memory_space<vmem>>, vector<16xf32>,
          tpu.vector_store %arg7[%parallel_loop3A_516], %parallel_loop3A_483 {strides = array<i32>} : memref<32768xf32, #tpu.memory_space<vmem>>, vector<16xf32>,
          %parallel_loop3A_518 = arith.constant 256 : i32
          %parallel_loop3A_519 = arith.addi %parallel_loop3A_271, %parallel_loop3A_518 : i32
          %parallel_loop3A_520 = arith.constant 16 : i32
          %parallel_loop3A_521 = arith.addi %parallel_loop3A_519, %parallel_loop3A_520 : i32
          %parallel_loop3A_522 = arith.index_cast %parallel_loop3A_521 : i32 to index
          %parallel_loop3A_523 = tpu.vector_load %arg7[%parallel_loop3A_522] {strides = array<i32>} : memref<32768xf32, #tpu.memory_space<vmem>>, vector<16xf32>,
          tpu.vector_store %arg7[%parallel_loop3A_522], %parallel_loop3A_487 {strides = array<i32>} : memref<32768xf32, #tpu.memory_space<vmem>>, vector<16xf32>,
          %parallel_loop3A_524 = arith.constant 256 : i32
          %parallel_loop3A_525 = arith.addi %parallel_loop3A_271, %parallel_loop3A_524 : i32
          %parallel_loop3A_526 = arith.constant 32 : i32
          %parallel_loop3A_527 = arith.addi %parallel_loop3A_525, %parallel_loop3A_526 : i32
          %parallel_loop3A_528 = arith.index_cast %parallel_loop3A_527 : i32 to index
          %parallel_loop3A_529 = tpu.vector_load %arg7[%parallel_loop3A_528] {strides = array<i32>} : memref<32768xf32, #tpu.memory_space<vmem>>, vector<16xf32>,
          tpu.vector_store %arg7[%parallel_loop3A_528], %parallel_loop3A_491 {strides = array<i32>} : memref<32768xf32, #tpu.memory_space<vmem>>, vector<16xf32>,
          %parallel_loop3A_530 = arith.constant 256 : i32
          %parallel_loop3A_531 = arith.addi %parallel_loop3A_271, %parallel_loop3A_530 : i32
          %parallel_loop3A_532 = arith.constant 48 : i32
          %parallel_loop3A_533 = arith.addi %parallel_loop3A_531, %parallel_loop3A_532 : i32
          %parallel_loop3A_534 = arith.index_cast %parallel_loop3A_533 : i32 to index
          %parallel_loop3A_535 = tpu.vector_load %arg7[%parallel_loop3A_534] {strides = array<i32>} : memref<32768xf32, #tpu.memory_space<vmem>>, vector<16xf32>,
          tpu.vector_store %arg7[%parallel_loop3A_534], %parallel_loop3A_495 {strides = array<i32>} : memref<32768xf32, #tpu.memory_space<vmem>>, vector<16xf32>,
          %parallel_loop3A_536 = arith.constant 256 : i32
          %parallel_loop3A_537 = arith.addi %parallel_loop3A_271, %parallel_loop3A_536 : i32
          %parallel_loop3A_538 = arith.constant 64 : i32
          %parallel_loop3A_539 = arith.addi %parallel_loop3A_537, %parallel_loop3A_538 : i32
          %parallel_loop3A_540 = arith.index_cast %parallel_loop3A_539 : i32 to index
          %parallel_loop3A_541 = tpu.vector_load %arg7[%parallel_loop3A_540] {strides = array<i32>} : memref<32768xf32, #tpu.memory_space<vmem>>, vector<16xf32>,
          tpu.vector_store %arg7[%parallel_loop3A_540], %parallel_loop3A_499 {strides = array<i32>} : memref<32768xf32, #tpu.memory_space<vmem>>, vector<16xf32>,
          %parallel_loop3A_542 = arith.constant 256 : i32
          %parallel_loop3A_543 = arith.addi %parallel_loop3A_271, %parallel_loop3A_542 : i32
          %parallel_loop3A_544 = arith.constant 80 : i32
          %parallel_loop3A_545 = arith.addi %parallel_loop3A_543, %parallel_loop3A_544 : i32
          %parallel_loop3A_546 = arith.index_cast %parallel_loop3A_545 : i32 to index
          %parallel_loop3A_547 = tpu.vector_load %arg7[%parallel_loop3A_546] {strides = array<i32>} : memref<32768xf32, #tpu.memory_space<vmem>>, vector<16xf32>,
          tpu.vector_store %arg7[%parallel_loop3A_546], %parallel_loop3A_503 {strides = array<i32>} : memref<32768xf32, #tpu.memory_space<vmem>>, vector<16xf32>,
          %parallel_loop3A_548 = arith.constant 256 : i32
          %parallel_loop3A_549 = arith.addi %parallel_loop3A_271, %parallel_loop3A_548 : i32
          %parallel_loop3A_550 = arith.constant 96 : i32
          %parallel_loop3A_551 = arith.addi %parallel_loop3A_549, %parallel_loop3A_550 : i32
          %parallel_loop3A_552 = arith.index_cast %parallel_loop3A_551 : i32 to index
          %parallel_loop3A_553 = tpu.vector_load %arg7[%parallel_loop3A_552] {strides = array<i32>} : memref<32768xf32, #tpu.memory_space<vmem>>, vector<16xf32>,
          tpu.vector_store %arg7[%parallel_loop3A_552], %parallel_loop3A_507 {strides = array<i32>} : memref<32768xf32, #tpu.memory_space<vmem>>, vector<16xf32>,
          %parallel_loop3A_554 = arith.constant 256 : i32
          %parallel_loop3A_555 = arith.addi %parallel_loop3A_271, %parallel_loop3A_554 : i32
          %parallel_loop3A_556 = arith.constant 112 : i32
          %parallel_loop3A_557 = arith.addi %parallel_loop3A_555, %parallel_loop3A_556 : i32
          %parallel_loop3A_558 = arith.index_cast %parallel_loop3A_557 : i32 to index
          %parallel_loop3A_559 = tpu.vector_load %arg7[%parallel_loop3A_558] {strides = array<i32>} : memref<32768xf32, #tpu.memory_space<vmem>>, vector<16xf32>,
          tpu.vector_store %arg7[%parallel_loop3A_558], %parallel_loop3A_511 {strides = array<i32>} : memref<32768xf32, #tpu.memory_space<vmem>>, vector<16xf32>,
          %parallel_loop3A_560 = arith.constant 3 : i32
          %parallel_loop3A_561 = vector.broadcast %parallel_loop3A_560 : i32 to vector<16xi32>
          %parallel_loop3A_562 = arith.addi %parallel_loop3A_277, %parallel_loop3A_561 : vector<16xi32>
          %parallel_loop3A_563 = tpu.vector_load_idx %arg9[%parallel_loop3A_562, %iota3A] : memref<16x16xf32, #tpu.memory_space<vmem>>[vector<16xi32>, vector<16xi32>], vector<16xf32>,
          %parallel_loop3A_564 = arith.constant 3 : i32
          %parallel_loop3A_565 = vector.broadcast %parallel_loop3A_564 : i32 to vector<16xi32>
          %parallel_loop3A_566 = arith.addi %parallel_loop3A_283, %parallel_loop3A_565 : vector<16xi32>
          %parallel_loop3A_567 = tpu.vector_load_idx %arg9[%parallel_loop3A_566, %iota3A] : memref<16x16xf32, #tpu.memory_space<vmem>>[vector<16xi32>, vector<16xi32>], vector<16xf32>,
          %parallel_loop3A_568 = arith.constant 3 : i32
          %parallel_loop3A_569 = vector.broadcast %parallel_loop3A_568 : i32 to vector<16xi32>
          %parallel_loop3A_570 = arith.addi %parallel_loop3A_289, %parallel_loop3A_569 : vector<16xi32>
          %parallel_loop3A_571 = tpu.vector_load_idx %arg9[%parallel_loop3A_570, %iota3A] : memref<16x16xf32, #tpu.memory_space<vmem>>[vector<16xi32>, vector<16xi32>], vector<16xf32>,
          %parallel_loop3A_572 = arith.constant 3 : i32
          %parallel_loop3A_573 = vector.broadcast %parallel_loop3A_572 : i32 to vector<16xi32>
          %parallel_loop3A_574 = arith.addi %parallel_loop3A_295, %parallel_loop3A_573 : vector<16xi32>
          %parallel_loop3A_575 = tpu.vector_load_idx %arg9[%parallel_loop3A_574, %iota3A] : memref<16x16xf32, #tpu.memory_space<vmem>>[vector<16xi32>, vector<16xi32>], vector<16xf32>,
          %parallel_loop3A_576 = arith.constant 3 : i32
          %parallel_loop3A_577 = vector.broadcast %parallel_loop3A_576 : i32 to vector<16xi32>
          %parallel_loop3A_578 = arith.addi %parallel_loop3A_301, %parallel_loop3A_577 : vector<16xi32>
          %parallel_loop3A_579 = tpu.vector_load_idx %arg9[%parallel_loop3A_578, %iota3A] : memref<16x16xf32, #tpu.memory_space<vmem>>[vector<16xi32>, vector<16xi32>], vector<16xf32>,
          %parallel_loop3A_580 = arith.constant 3 : i32
          %parallel_loop3A_581 = vector.broadcast %parallel_loop3A_580 : i32 to vector<16xi32>
          %parallel_loop3A_582 = arith.addi %parallel_loop3A_307, %parallel_loop3A_581 : vector<16xi32>
          %parallel_loop3A_583 = tpu.vector_load_idx %arg9[%parallel_loop3A_582, %iota3A] : memref<16x16xf32, #tpu.memory_space<vmem>>[vector<16xi32>, vector<16xi32>], vector<16xf32>,
          %parallel_loop3A_584 = arith.constant 3 : i32
          %parallel_loop3A_585 = vector.broadcast %parallel_loop3A_584 : i32 to vector<16xi32>
          %parallel_loop3A_586 = arith.addi %parallel_loop3A_313, %parallel_loop3A_585 : vector<16xi32>
          %parallel_loop3A_587 = tpu.vector_load_idx %arg9[%parallel_loop3A_586, %iota3A] : memref<16x16xf32, #tpu.memory_space<vmem>>[vector<16xi32>, vector<16xi32>], vector<16xf32>,
          %parallel_loop3A_588 = arith.constant 3 : i32
          %parallel_loop3A_589 = vector.broadcast %parallel_loop3A_588 : i32 to vector<16xi32>
          %parallel_loop3A_590 = arith.addi %parallel_loop3A_319, %parallel_loop3A_589 : vector<16xi32>
          %parallel_loop3A_591 = tpu.vector_load_idx %arg9[%parallel_loop3A_590, %iota3A] : memref<16x16xf32, #tpu.memory_space<vmem>>[vector<16xi32>, vector<16xi32>], vector<16xf32>,
          %parallel_loop3A_592 = arith.constant 384 : i32
          %parallel_loop3A_593 = arith.addi %parallel_loop3A_271, %parallel_loop3A_592 : i32
          %parallel_loop3A_594 = arith.constant 0 : i32
          %parallel_loop3A_595 = arith.addi %parallel_loop3A_593, %parallel_loop3A_594 : i32
          %parallel_loop3A_596 = arith.index_cast %parallel_loop3A_595 : i32 to index
          %parallel_loop3A_597 = tpu.vector_load %arg7[%parallel_loop3A_596] {strides = array<i32>} : memref<32768xf32, #tpu.memory_space<vmem>>, vector<16xf32>,
          tpu.vector_store %arg7[%parallel_loop3A_596], %parallel_loop3A_563 {strides = array<i32>} : memref<32768xf32, #tpu.memory_space<vmem>>, vector<16xf32>,
          %parallel_loop3A_598 = arith.constant 384 : i32
          %parallel_loop3A_599 = arith.addi %parallel_loop3A_271, %parallel_loop3A_598 : i32
          %parallel_loop3A_600 = arith.constant 16 : i32
          %parallel_loop3A_601 = arith.addi %parallel_loop3A_599, %parallel_loop3A_600 : i32
          %parallel_loop3A_602 = arith.index_cast %parallel_loop3A_601 : i32 to index
          %parallel_loop3A_603 = tpu.vector_load %arg7[%parallel_loop3A_602] {strides = array<i32>} : memref<32768xf32, #tpu.memory_space<vmem>>, vector<16xf32>,
          tpu.vector_store %arg7[%parallel_loop3A_602], %parallel_loop3A_567 {strides = array<i32>} : memref<32768xf32, #tpu.memory_space<vmem>>, vector<16xf32>,
          %parallel_loop3A_604 = arith.constant 384 : i32
          %parallel_loop3A_605 = arith.addi %parallel_loop3A_271, %parallel_loop3A_604 : i32
          %parallel_loop3A_606 = arith.constant 32 : i32
          %parallel_loop3A_607 = arith.addi %parallel_loop3A_605, %parallel_loop3A_606 : i32
          %parallel_loop3A_608 = arith.index_cast %parallel_loop3A_607 : i32 to index
          %parallel_loop3A_609 = tpu.vector_load %arg7[%parallel_loop3A_608] {strides = array<i32>} : memref<32768xf32, #tpu.memory_space<vmem>>, vector<16xf32>,
          tpu.vector_store %arg7[%parallel_loop3A_608], %parallel_loop3A_571 {strides = array<i32>} : memref<32768xf32, #tpu.memory_space<vmem>>, vector<16xf32>,
          %parallel_loop3A_610 = arith.constant 384 : i32
          %parallel_loop3A_611 = arith.addi %parallel_loop3A_271, %parallel_loop3A_610 : i32
          %parallel_loop3A_612 = arith.constant 48 : i32
          %parallel_loop3A_613 = arith.addi %parallel_loop3A_611, %parallel_loop3A_612 : i32
          %parallel_loop3A_614 = arith.index_cast %parallel_loop3A_613 : i32 to index
          %parallel_loop3A_615 = tpu.vector_load %arg7[%parallel_loop3A_614] {strides = array<i32>} : memref<32768xf32, #tpu.memory_space<vmem>>, vector<16xf32>,
          tpu.vector_store %arg7[%parallel_loop3A_614], %parallel_loop3A_575 {strides = array<i32>} : memref<32768xf32, #tpu.memory_space<vmem>>, vector<16xf32>,
          %parallel_loop3A_616 = arith.constant 384 : i32
          %parallel_loop3A_617 = arith.addi %parallel_loop3A_271, %parallel_loop3A_616 : i32
          %parallel_loop3A_618 = arith.constant 64 : i32
          %parallel_loop3A_619 = arith.addi %parallel_loop3A_617, %parallel_loop3A_618 : i32
          %parallel_loop3A_620 = arith.index_cast %parallel_loop3A_619 : i32 to index
          %parallel_loop3A_621 = tpu.vector_load %arg7[%parallel_loop3A_620] {strides = array<i32>} : memref<32768xf32, #tpu.memory_space<vmem>>, vector<16xf32>,
          tpu.vector_store %arg7[%parallel_loop3A_620], %parallel_loop3A_579 {strides = array<i32>} : memref<32768xf32, #tpu.memory_space<vmem>>, vector<16xf32>,
          %parallel_loop3A_622 = arith.constant 384 : i32
          %parallel_loop3A_623 = arith.addi %parallel_loop3A_271, %parallel_loop3A_622 : i32
          %parallel_loop3A_624 = arith.constant 80 : i32
          %parallel_loop3A_625 = arith.addi %parallel_loop3A_623, %parallel_loop3A_624 : i32
          %parallel_loop3A_626 = arith.index_cast %parallel_loop3A_625 : i32 to index
          %parallel_loop3A_627 = tpu.vector_load %arg7[%parallel_loop3A_626] {strides = array<i32>} : memref<32768xf32, #tpu.memory_space<vmem>>, vector<16xf32>,
          tpu.vector_store %arg7[%parallel_loop3A_626], %parallel_loop3A_583 {strides = array<i32>} : memref<32768xf32, #tpu.memory_space<vmem>>, vector<16xf32>,
          %parallel_loop3A_628 = arith.constant 384 : i32
          %parallel_loop3A_629 = arith.addi %parallel_loop3A_271, %parallel_loop3A_628 : i32
          %parallel_loop3A_630 = arith.constant 96 : i32
          %parallel_loop3A_631 = arith.addi %parallel_loop3A_629, %parallel_loop3A_630 : i32
          %parallel_loop3A_632 = arith.index_cast %parallel_loop3A_631 : i32 to index
          %parallel_loop3A_633 = tpu.vector_load %arg7[%parallel_loop3A_632] {strides = array<i32>} : memref<32768xf32, #tpu.memory_space<vmem>>, vector<16xf32>,
          tpu.vector_store %arg7[%parallel_loop3A_632], %parallel_loop3A_587 {strides = array<i32>} : memref<32768xf32, #tpu.memory_space<vmem>>, vector<16xf32>,
          %parallel_loop3A_634 = arith.constant 384 : i32
          %parallel_loop3A_635 = arith.addi %parallel_loop3A_271, %parallel_loop3A_634 : i32
          %parallel_loop3A_636 = arith.constant 112 : i32
          %parallel_loop3A_637 = arith.addi %parallel_loop3A_635, %parallel_loop3A_636 : i32
          %parallel_loop3A_638 = arith.index_cast %parallel_loop3A_637 : i32 to index
          %parallel_loop3A_639 = tpu.vector_load %arg7[%parallel_loop3A_638] {strides = array<i32>} : memref<32768xf32, #tpu.memory_space<vmem>>, vector<16xf32>,
          tpu.vector_store %arg7[%parallel_loop3A_638], %parallel_loop3A_591 {strides = array<i32>} : memref<32768xf32, #tpu.memory_space<vmem>>, vector<16xf32>,
        } {sc.loop_unroll_factor = 1 : i64, sc.parallel_access}
        %add3A_218 = arith.addi %select_n3A, %add3A_184 : i32
        %jit3A_219 = arith.constant 2 : i32
        %div3A_220 = arith.divsi %add3A_218, %jit3A_219 : i32
        %sign3A_221 = arith.constant 0 : i32
        %sign3A_222 = arith.cmpi sgt, %add3A_218, %sign3A_221 : i32
        %sign3A_223 = arith.extui %sign3A_222 : i1 to i32
        %sign3A_224 = arith.constant 0 : i32
        %sign3A_225 = arith.cmpi slt, %add3A_218, %sign3A_224 : i32
        %sign3A_226 = arith.extui %sign3A_225 : i1 to i32
        %sign3A_227 = arith.subi %sign3A_223, %sign3A_226 : i32
        %sign3A_228 = arith.constant 0 : i32
        %sign3A_229 = arith.cmpi sgt, %jit3A_219, %sign3A_228 : i32
        %sign3A_230 = arith.extui %sign3A_229 : i1 to i32
        %sign3A_231 = arith.constant 0 : i32
        %sign3A_232 = arith.cmpi slt, %jit3A_219, %sign3A_231 : i32
        %sign3A_233 = arith.extui %sign3A_232 : i1 to i32
        %sign3A_234 = arith.subi %sign3A_230, %sign3A_233 : i32
        %ne3A_235 = arith.cmpi ne, %sign3A_227, %sign3A_234 : i32
        %rem3A_236 = arith.remsi %add3A_218, %jit3A_219 : i32
        %ne3A_237 = arith.constant 0 : i32
        %ne3A_238 = arith.cmpi ne, %rem3A_236, %ne3A_237 : i32
        %and3A_239 = arith.andi %ne3A_235, %ne3A_238 : i1
        %sub3A_240 = arith.constant 1 : i32
        %sub3A_241 = arith.subi %div3A_220, %sub3A_240 : i32
        %select_n3A_242 = arith.select %and3A_239, %sub3A_241, %div3A_220 : i32
        %jit3A_243 = arith.constant 2 : i32
        %eq3A_244 = arith.constant 0 : i32
        %eq3A_245 = arith.cmpi eq, %jit3A_243, %eq3A_244 : i32
        %jit3A_246 = arith.constant 1 : i32
        %select_n3A_247 = arith.select %eq3A_245, %jit3A_246, %jit3A_243 : i32
        %rem3A_248 = arith.remsi %add3A_218, %select_n3A_247 : i32
        %ne3A_249 = arith.constant 0 : i32
        %ne3A_250 = arith.cmpi ne, %rem3A_248, %ne3A_249 : i32
        %lt3A_251 = arith.constant 0 : i32
        %lt3A_252 = arith.cmpi slt, %rem3A_248, %lt3A_251 : i32
        %lt3A_253 = arith.constant 0 : i32
        %lt3A_254 = arith.cmpi slt, %select_n3A_247, %lt3A_253 : i32
        %ne3A_255 = arith.xori %lt3A_252, %lt3A_254 : i1
        %and3A_256 = arith.andi %ne3A_255, %ne3A_250 : i1
        %add3A_257 = arith.addi %rem3A_248, %select_n3A_247 : i32
        %select_n3A_258 = arith.select %and3A_256, %add3A_257, %rem3A_248 : i32
        %mul3A_259 = arith.constant 64 : i32
        %mul3A_260 = arith.muli %select_n3A_258, %mul3A_259 : i32
        %mul3A_261 = arith.constant 128 : i32
        %mul3A_262 = arith.muli %select_n3A_242, %mul3A_261 : i32
        %add3A_263 = arith.addi %mul3A_262, %mul3A_260 : i32
        %mul3A_264 = arith.constant 512 : i32
        %mul3A_265 = arith.muli %add3A_263, %mul3A_264 : i32
        %multiple_of3A_266 = tpu.assume_multiple %mul3A_265, 8 : i32
        %dma_start3A_267 = tpu.memref_slice %arg4[%multiple_of3A_266] : memref<13107200xf32, #tpu.memory_space<hbm>> -> memref<32768xf32, #tpu.memory_space<hbm>>
        %dma_start3A_268 = tpu.memref_slice %arg4[%multiple_of3A_266] : memref<13107200xf32, #tpu.memory_space<hbm>> -> memref<32768xf32, #tpu.memory_space<hbm>>
        tpu.enqueue_dma source(%arg7 : memref<32768xf32, #tpu.memory_space<vmem>>) target(%dma_start3A_268 : memref<32768xf32, #tpu.memory_space<hbm>>) target_semaphore(%arg11 : memref<!tpu.dma_semaphore, #tpu.memory_space<semaphore_mem>>)
      } else {
      }
      %mul3A_187 = arith.constant 2 : i32
      %mul3A_188 = arith.muli %mul3A_187, %while3A_179 : i32
      %add3A_189 = arith.constant 1 : i32
      %add3A_190 = arith.addi %mul3A_188, %add3A_189 : i32
      %lt3A_191 = arith.cmpi slt, %add3A_190, %sub3A_47 : i32
      %convert_element_type3A_192 = arith.extui %lt3A_191 : i1 to i32
      %cond3A_193 = arith.constant 0 : i32
      %cond3A_194 = arith.cmpi ne, %convert_element_type3A_192, %cond3A_193 : i32
      scf.if %cond3A_194 {
        %dma_wait3A_196 = arith.constant 0 : i32
        %dma_wait3A_197 = arith.constant 0 : i32
        %dma_wait3A_198 = arith.constant 0 : i32
        %dma_wait3A_199 = arith.constant 0 : i32
        %dma_wait3A_200 = tpu.memref_slice %arg2[%dma_wait3A_196, %dma_wait3A_198, %dma_wait3A_197, %dma_wait3A_199] : memref<25x128x8x128xi32, #tpu.memory_space<hbm>> -> memref<1x64x1x128xi32, #tpu.memory_space<hbm>>
        %dma_wait3A_201 = tpu.memref_squeeze %dma_wait3A_200 : memref<1x64x1x128xi32, #tpu.memory_space<hbm>> -> memref<64x128xi32, #tpu.memory_space<hbm>>
        %dma_wait3A_202 = arith.constant 0 : i32
        %dma_wait3A_203 = arith.constant 0 : i32
        %dma_wait3A_204 = tpu.memref_slice %arg2[%dma_wait3A_196, %dma_wait3A_202, %dma_wait3A_197, %dma_wait3A_203] : memref<25x128x8x128xi32, #tpu.memory_space<hbm>> -> memref<1x64x1x128xi32, #tpu.memory_space<hbm>>
        %dma_wait3A_205 = tpu.memref_squeeze %dma_wait3A_204 : memref<1x64x1x128xi32, #tpu.memory_space<hbm>> -> memref<64x128xi32, #tpu.memory_space<hbm>>
        tpu.wait_dma2 semaphore(%arg10 : memref<!tpu.dma_semaphore, #tpu.memory_space<semaphore_mem>>) src(%dma_wait3A_205 : memref<64x128xi32, #tpu.memory_space<hbm>>) dst(%arg6 : memref<64x128xi32, #tpu.memory_space<vmem>>)
        %add3A_206 = arith.constant 1 : i32
        %add3A_207 = arith.addi %add3A_190, %add3A_206 : i32
        %lt3A_208 = arith.cmpi slt, %add3A_207, %sub3A_47 : i32
        %convert_element_type3A_209 = arith.extui %lt3A_208 : i1 to i32
        %cond3A_210 = arith.constant 0 : i32
        %cond3A_211 = arith.cmpi ne, %convert_element_type3A_209, %cond3A_210 : i32
        scf.if %cond3A_211 {
          %add3A_269 = arith.constant 1 : i32
          %add3A_270 = arith.addi %add3A_190, %add3A_269 : i32
          %add3A_271 = arith.addi %select_n3A, %add3A_270 : i32
          %jit3A_272 = arith.constant 2 : i32
          %div3A_273 = arith.divsi %add3A_271, %jit3A_272 : i32
          %sign3A_274 = arith.constant 0 : i32
          %sign3A_275 = arith.cmpi sgt, %add3A_271, %sign3A_274 : i32
          %sign3A_276 = arith.extui %sign3A_275 : i1 to i32
          %sign3A_277 = arith.constant 0 : i32
          %sign3A_278 = arith.cmpi slt, %add3A_271, %sign3A_277 : i32
          %sign3A_279 = arith.extui %sign3A_278 : i1 to i32
          %sign3A_280 = arith.subi %sign3A_276, %sign3A_279 : i32
          %sign3A_281 = arith.constant 0 : i32
          %sign3A_282 = arith.cmpi sgt, %jit3A_272, %sign3A_281 : i32
          %sign3A_283 = arith.extui %sign3A_282 : i1 to i32
          %sign3A_284 = arith.constant 0 : i32
          %sign3A_285 = arith.cmpi slt, %jit3A_272, %sign3A_284 : i32
          %sign3A_286 = arith.extui %sign3A_285 : i1 to i32
          %sign3A_287 = arith.subi %sign3A_283, %sign3A_286 : i32
          %ne3A_288 = arith.cmpi ne, %sign3A_280, %sign3A_287 : i32
          %rem3A_289 = arith.remsi %add3A_271, %jit3A_272 : i32
          %ne3A_290 = arith.constant 0 : i32
          %ne3A_291 = arith.cmpi ne, %rem3A_289, %ne3A_290 : i32
          %and3A_292 = arith.andi %ne3A_288, %ne3A_291 : i1
          %sub3A_293 = arith.constant 1 : i32
          %sub3A_294 = arith.subi %div3A_273, %sub3A_293 : i32
          %select_n3A_295 = arith.select %and3A_292, %sub3A_294, %div3A_273 : i32
          %jit3A_296 = arith.constant 2 : i32
          %eq3A_297 = arith.constant 0 : i32
          %eq3A_298 = arith.cmpi eq, %jit3A_296, %eq3A_297 : i32
          %jit3A_299 = arith.constant 1 : i32
          %select_n3A_300 = arith.select %eq3A_298, %jit3A_299, %jit3A_296 : i32
          %rem3A_301 = arith.remsi %add3A_271, %select_n3A_300 : i32
          %ne3A_302 = arith.constant 0 : i32
          %ne3A_303 = arith.cmpi ne, %rem3A_301, %ne3A_302 : i32
          %lt3A_304 = arith.constant 0 : i32
          %lt3A_305 = arith.cmpi slt, %rem3A_301, %lt3A_304 : i32
          %lt3A_306 = arith.constant 0 : i32
          %lt3A_307 = arith.cmpi slt, %select_n3A_300, %lt3A_306 : i32
          %ne3A_308 = arith.xori %lt3A_305, %lt3A_307 : i1
          %and3A_309 = arith.andi %ne3A_308, %ne3A_303 : i1
          %add3A_310 = arith.addi %rem3A_301, %select_n3A_300 : i32
          %select_n3A_311 = arith.select %and3A_309, %add3A_310, %rem3A_301 : i32
          %mul3A_312 = arith.constant 64 : i32
          %mul3A_313 = arith.muli %select_n3A_311, %mul3A_312 : i32
          %jit3A_314 = arith.constant 8 : i32
          %div3A_315 = arith.divsi %select_n3A_295, %jit3A_314 : i32
          %sign3A_316 = arith.constant 0 : i32
          %sign3A_317 = arith.cmpi sgt, %select_n3A_295, %sign3A_316 : i32
          %sign3A_318 = arith.extui %sign3A_317 : i1 to i32
          %sign3A_319 = arith.constant 0 : i32
          %sign3A_320 = arith.cmpi slt, %select_n3A_295, %sign3A_319 : i32
          %sign3A_321 = arith.extui %sign3A_320 : i1 to i32
          %sign3A_322 = arith.subi %sign3A_318, %sign3A_321 : i32
          %sign3A_323 = arith.constant 0 : i32
          %sign3A_324 = arith.cmpi sgt, %jit3A_314, %sign3A_323 : i32
          %sign3A_325 = arith.extui %sign3A_324 : i1 to i32
          %sign3A_326 = arith.constant 0 : i32
          %sign3A_327 = arith.cmpi slt, %jit3A_314, %sign3A_326 : i32
          %sign3A_328 = arith.extui %sign3A_327 : i1 to i32
          %sign3A_329 = arith.subi %sign3A_325, %sign3A_328 : i32
          %ne3A_330 = arith.cmpi ne, %sign3A_322, %sign3A_329 : i32
          %rem3A_331 = arith.remsi %select_n3A_295, %jit3A_314 : i32
          %ne3A_332 = arith.constant 0 : i32
          %ne3A_333 = arith.cmpi ne, %rem3A_331, %ne3A_332 : i32
          %and3A_334 = arith.andi %ne3A_330, %ne3A_333 : i1
          %sub3A_335 = arith.constant 1 : i32
          %sub3A_336 = arith.subi %div3A_315, %sub3A_335 : i32
          %select_n3A_337 = arith.select %and3A_334, %sub3A_336, %div3A_315 : i32
          %multiple_of3A_338 = tpu.assume_multiple %mul3A_313, 8 : i32
          %jit3A_339 = arith.constant 8 : i32
          %eq3A_340 = arith.constant 0 : i32
          %eq3A_341 = arith.cmpi eq, %jit3A_339, %eq3A_340 : i32
          %jit3A_342 = arith.constant 1 : i32
          %select_n3A_343 = arith.select %eq3A_341, %jit3A_342, %jit3A_339 : i32
          %rem3A_344 = arith.remsi %select_n3A_295, %select_n3A_343 : i32
          %ne3A_345 = arith.constant 0 : i32
          %ne3A_346 = arith.cmpi ne, %rem3A_344, %ne3A_345 : i32
          %lt3A_347 = arith.constant 0 : i32
          %lt3A_348 = arith.cmpi slt, %rem3A_344, %lt3A_347 : i32
          %lt3A_349 = arith.constant 0 : i32
          %lt3A_350 = arith.cmpi slt, %select_n3A_343, %lt3A_349 : i32
          %ne3A_351 = arith.xori %lt3A_348, %lt3A_350 : i1
          %and3A_352 = arith.andi %ne3A_351, %ne3A_346 : i1
          %add3A_353 = arith.addi %rem3A_344, %select_n3A_343 : i32
          %select_n3A_354 = arith.select %and3A_352, %add3A_353, %rem3A_344 : i32
          %dma_start3A_355 = arith.constant 0 : i32
          %dma_start3A_356 = tpu.memref_slice %arg2[%select_n3A_337, %multiple_of3A_338, %select_n3A_354, %dma_start3A_355] : memref<25x128x8x128xi32, #tpu.memory_space<hbm>> -> memref<1x64x1x128xi32, #tpu.memory_space<hbm>>
          %dma_start3A_357 = tpu.memref_squeeze %dma_start3A_356 : memref<1x64x1x128xi32, #tpu.memory_space<hbm>> -> memref<64x128xi32, #tpu.memory_space<hbm>>
          %dma_start3A_358 = arith.constant 0 : i32
          %dma_start3A_359 = tpu.memref_slice %arg2[%select_n3A_337, %multiple_of3A_338, %select_n3A_354, %dma_start3A_358] : memref<25x128x8x128xi32, #tpu.memory_space<hbm>> -> memref<1x64x1x128xi32, #tpu.memory_space<hbm>>
          %dma_start3A_360 = tpu.memref_squeeze %dma_start3A_359 : memref<1x64x1x128xi32, #tpu.memory_space<hbm>> -> memref<64x128xi32, #tpu.memory_space<hbm>>
          tpu.enqueue_dma source(%dma_start3A_360 : memref<64x128xi32, #tpu.memory_space<hbm>>) target(%arg5 : memref<64x128xi32, #tpu.memory_space<vmem>>) target_semaphore(%arg10 : memref<!tpu.dma_semaphore, #tpu.memory_space<semaphore_mem>>)
        } else {
        }
        %ge3A = arith.constant 1 : i32
        %ge3A_212 = arith.cmpi sge, %while3A_179, %ge3A : i32
        %convert_element_type3A_213 = arith.extui %ge3A_212 : i1 to i32
        %cond3A_214 = arith.constant 0 : i32
        %cond3A_215 = arith.cmpi ne, %convert_element_type3A_213, %cond3A_214 : i32
        scf.if %cond3A_215 {
          %dma_wait3A_269 = arith.constant 0 : i32
          %dma_wait3A_270 = tpu.memref_slice %arg4[%dma_wait3A_269] : memref<13107200xf32, #tpu.memory_space<hbm>> -> memref<32768xf32, #tpu.memory_space<hbm>>
          %dma_wait3A_271 = arith.constant 0 : i32
          %dma_wait3A_272 = tpu.memref_slice %arg4[%dma_wait3A_271] : memref<13107200xf32, #tpu.memory_space<hbm>> -> memref<32768xf32, #tpu.memory_space<hbm>>
          tpu.wait_dma2 semaphore(%arg12 : memref<!tpu.dma_semaphore, #tpu.memory_space<semaphore_mem>>) src(%arg8 : memref<32768xf32, #tpu.memory_space<vmem>>) dst(%dma_wait3A_272 : memref<32768xf32, #tpu.memory_space<hbm>>)
        } else {
        }
        %parallel_loop3A = arith.constant 0 : i32
        %parallel_loop3A_216 = arith.constant 64 : i32
        %parallel_loop3A_217 = arith.constant 1 : i32
        scf.for %parallel_loop3A_269 = %parallel_loop3A to %parallel_loop3A_216 step %parallel_loop3A_217  : i32 {
          %parallel_loop3A_270 = arith.constant 512 : i32
          %parallel_loop3A_271 = arith.muli %parallel_loop3A_269, %parallel_loop3A_270 : i32
          %parallel_loop3A_272 = arith.index_cast %parallel_loop3A_269 : i32 to index
          %parallel_loop3A_273 = arith.constant 0 : index
          %parallel_loop3A_274 = tpu.vector_load %arg6[%parallel_loop3A_272, %parallel_loop3A_273] {strides = array<i32>} : memref<64x128xi32, #tpu.memory_space<vmem>>, vector<16xi32>,
          %parallel_loop3A_275 = arith.constant 2 : i32
          %parallel_loop3A_276 = vector.broadcast %parallel_loop3A_275 : i32 to vector<16xi32>
          %parallel_loop3A_277 = arith.shli %parallel_loop3A_274, %parallel_loop3A_276 : vector<16xi32>
          %parallel_loop3A_278 = arith.index_cast %parallel_loop3A_269 : i32 to index
          %parallel_loop3A_279 = arith.constant 16 : index
          %parallel_loop3A_280 = tpu.vector_load %arg6[%parallel_loop3A_278, %parallel_loop3A_279] {strides = array<i32>} : memref<64x128xi32, #tpu.memory_space<vmem>>, vector<16xi32>,
          %parallel_loop3A_281 = arith.constant 2 : i32
          %parallel_loop3A_282 = vector.broadcast %parallel_loop3A_281 : i32 to vector<16xi32>
          %parallel_loop3A_283 = arith.shli %parallel_loop3A_280, %parallel_loop3A_282 : vector<16xi32>
          %parallel_loop3A_284 = arith.index_cast %parallel_loop3A_269 : i32 to index
          %parallel_loop3A_285 = arith.constant 32 : index
          %parallel_loop3A_286 = tpu.vector_load %arg6[%parallel_loop3A_284, %parallel_loop3A_285] {strides = array<i32>} : memref<64x128xi32, #tpu.memory_space<vmem>>, vector<16xi32>,
          %parallel_loop3A_287 = arith.constant 2 : i32
          %parallel_loop3A_288 = vector.broadcast %parallel_loop3A_287 : i32 to vector<16xi32>
          %parallel_loop3A_289 = arith.shli %parallel_loop3A_286, %parallel_loop3A_288 : vector<16xi32>
          %parallel_loop3A_290 = arith.index_cast %parallel_loop3A_269 : i32 to index
          %parallel_loop3A_291 = arith.constant 48 : index
          %parallel_loop3A_292 = tpu.vector_load %arg6[%parallel_loop3A_290, %parallel_loop3A_291] {strides = array<i32>} : memref<64x128xi32, #tpu.memory_space<vmem>>, vector<16xi32>,
          %parallel_loop3A_293 = arith.constant 2 : i32
          %parallel_loop3A_294 = vector.broadcast %parallel_loop3A_293 : i32 to vector<16xi32>
          %parallel_loop3A_295 = arith.shli %parallel_loop3A_292, %parallel_loop3A_294 : vector<16xi32>
          %parallel_loop3A_296 = arith.index_cast %parallel_loop3A_269 : i32 to index
          %parallel_loop3A_297 = arith.constant 64 : index
          %parallel_loop3A_298 = tpu.vector_load %arg6[%parallel_loop3A_296, %parallel_loop3A_297] {strides = array<i32>} : memref<64x128xi32, #tpu.memory_space<vmem>>, vector<16xi32>,
          %parallel_loop3A_299 = arith.constant 2 : i32
          %parallel_loop3A_300 = vector.broadcast %parallel_loop3A_299 : i32 to vector<16xi32>
          %parallel_loop3A_301 = arith.shli %parallel_loop3A_298, %parallel_loop3A_300 : vector<16xi32>
          %parallel_loop3A_302 = arith.index_cast %parallel_loop3A_269 : i32 to index
          %parallel_loop3A_303 = arith.constant 80 : index
          %parallel_loop3A_304 = tpu.vector_load %arg6[%parallel_loop3A_302, %parallel_loop3A_303] {strides = array<i32>} : memref<64x128xi32, #tpu.memory_space<vmem>>, vector<16xi32>,
          %parallel_loop3A_305 = arith.constant 2 : i32
          %parallel_loop3A_306 = vector.broadcast %parallel_loop3A_305 : i32 to vector<16xi32>
          %parallel_loop3A_307 = arith.shli %parallel_loop3A_304, %parallel_loop3A_306 : vector<16xi32>
          %parallel_loop3A_308 = arith.index_cast %parallel_loop3A_269 : i32 to index
          %parallel_loop3A_309 = arith.constant 96 : index
          %parallel_loop3A_310 = tpu.vector_load %arg6[%parallel_loop3A_308, %parallel_loop3A_309] {strides = array<i32>} : memref<64x128xi32, #tpu.memory_space<vmem>>, vector<16xi32>,
          %parallel_loop3A_311 = arith.constant 2 : i32
          %parallel_loop3A_312 = vector.broadcast %parallel_loop3A_311 : i32 to vector<16xi32>
          %parallel_loop3A_313 = arith.shli %parallel_loop3A_310, %parallel_loop3A_312 : vector<16xi32>
          %parallel_loop3A_314 = arith.index_cast %parallel_loop3A_269 : i32 to index
          %parallel_loop3A_315 = arith.constant 112 : index
          %parallel_loop3A_316 = tpu.vector_load %arg6[%parallel_loop3A_314, %parallel_loop3A_315] {strides = array<i32>} : memref<64x128xi32, #tpu.memory_space<vmem>>, vector<16xi32>,
          %parallel_loop3A_317 = arith.constant 2 : i32
          %parallel_loop3A_318 = vector.broadcast %parallel_loop3A_317 : i32 to vector<16xi32>
          %parallel_loop3A_319 = arith.shli %parallel_loop3A_316, %parallel_loop3A_318 : vector<16xi32>
          %parallel_loop3A_320 = arith.constant 0 : i32
          %parallel_loop3A_321 = vector.broadcast %parallel_loop3A_320 : i32 to vector<16xi32>
          %parallel_loop3A_322 = arith.addi %parallel_loop3A_277, %parallel_loop3A_321 : vector<16xi32>
          %parallel_loop3A_323 = tpu.vector_load_idx %arg9[%parallel_loop3A_322, %iota3A] : memref<16x16xf32, #tpu.memory_space<vmem>>[vector<16xi32>, vector<16xi32>], vector<16xf32>,
          %parallel_loop3A_324 = arith.constant 0 : i32
          %parallel_loop3A_325 = vector.broadcast %parallel_loop3A_324 : i32 to vector<16xi32>
          %parallel_loop3A_326 = arith.addi %parallel_loop3A_283, %parallel_loop3A_325 : vector<16xi32>
          %parallel_loop3A_327 = tpu.vector_load_idx %arg9[%parallel_loop3A_326, %iota3A] : memref<16x16xf32, #tpu.memory_space<vmem>>[vector<16xi32>, vector<16xi32>], vector<16xf32>,
          %parallel_loop3A_328 = arith.constant 0 : i32
          %parallel_loop3A_329 = vector.broadcast %parallel_loop3A_328 : i32 to vector<16xi32>
          %parallel_loop3A_330 = arith.addi %parallel_loop3A_289, %parallel_loop3A_329 : vector<16xi32>
          %parallel_loop3A_331 = tpu.vector_load_idx %arg9[%parallel_loop3A_330, %iota3A] : memref<16x16xf32, #tpu.memory_space<vmem>>[vector<16xi32>, vector<16xi32>], vector<16xf32>,
          %parallel_loop3A_332 = arith.constant 0 : i32
          %parallel_loop3A_333 = vector.broadcast %parallel_loop3A_332 : i32 to vector<16xi32>
          %parallel_loop3A_334 = arith.addi %parallel_loop3A_295, %parallel_loop3A_333 : vector<16xi32>
          %parallel_loop3A_335 = tpu.vector_load_idx %arg9[%parallel_loop3A_334, %iota3A] : memref<16x16xf32, #tpu.memory_space<vmem>>[vector<16xi32>, vector<16xi32>], vector<16xf32>,
          %parallel_loop3A_336 = arith.constant 0 : i32
          %parallel_loop3A_337 = vector.broadcast %parallel_loop3A_336 : i32 to vector<16xi32>
          %parallel_loop3A_338 = arith.addi %parallel_loop3A_301, %parallel_loop3A_337 : vector<16xi32>
          %parallel_loop3A_339 = tpu.vector_load_idx %arg9[%parallel_loop3A_338, %iota3A] : memref<16x16xf32, #tpu.memory_space<vmem>>[vector<16xi32>, vector<16xi32>], vector<16xf32>,
          %parallel_loop3A_340 = arith.constant 0 : i32
          %parallel_loop3A_341 = vector.broadcast %parallel_loop3A_340 : i32 to vector<16xi32>
          %parallel_loop3A_342 = arith.addi %parallel_loop3A_307, %parallel_loop3A_341 : vector<16xi32>
          %parallel_loop3A_343 = tpu.vector_load_idx %arg9[%parallel_loop3A_342, %iota3A] : memref<16x16xf32, #tpu.memory_space<vmem>>[vector<16xi32>, vector<16xi32>], vector<16xf32>,
          %parallel_loop3A_344 = arith.constant 0 : i32
          %parallel_loop3A_345 = vector.broadcast %parallel_loop3A_344 : i32 to vector<16xi32>
          %parallel_loop3A_346 = arith.addi %parallel_loop3A_313, %parallel_loop3A_345 : vector<16xi32>
          %parallel_loop3A_347 = tpu.vector_load_idx %arg9[%parallel_loop3A_346, %iota3A] : memref<16x16xf32, #tpu.memory_space<vmem>>[vector<16xi32>, vector<16xi32>], vector<16xf32>,
          %parallel_loop3A_348 = arith.constant 0 : i32
          %parallel_loop3A_349 = vector.broadcast %parallel_loop3A_348 : i32 to vector<16xi32>
          %parallel_loop3A_350 = arith.addi %parallel_loop3A_319, %parallel_loop3A_349 : vector<16xi32>
          %parallel_loop3A_351 = tpu.vector_load_idx %arg9[%parallel_loop3A_350, %iota3A] : memref<16x16xf32, #tpu.memory_space<vmem>>[vector<16xi32>, vector<16xi32>], vector<16xf32>,
          %parallel_loop3A_352 = arith.constant 0 : i32
          %parallel_loop3A_353 = arith.addi %parallel_loop3A_271, %parallel_loop3A_352 : i32
          %parallel_loop3A_354 = arith.constant 0 : i32
          %parallel_loop3A_355 = arith.addi %parallel_loop3A_353, %parallel_loop3A_354 : i32
          %parallel_loop3A_356 = arith.index_cast %parallel_loop3A_355 : i32 to index
          %parallel_loop3A_357 = tpu.vector_load %arg8[%parallel_loop3A_356] {strides = array<i32>} : memref<32768xf32, #tpu.memory_space<vmem>>, vector<16xf32>,
          tpu.vector_store %arg8[%parallel_loop3A_356], %parallel_loop3A_323 {strides = array<i32>} : memref<32768xf32, #tpu.memory_space<vmem>>, vector<16xf32>,
          %parallel_loop3A_358 = arith.constant 0 : i32
          %parallel_loop3A_359 = arith.addi %parallel_loop3A_271, %parallel_loop3A_358 : i32
          %parallel_loop3A_360 = arith.constant 16 : i32
          %parallel_loop3A_361 = arith.addi %parallel_loop3A_359, %parallel_loop3A_360 : i32
          %parallel_loop3A_362 = arith.index_cast %parallel_loop3A_361 : i32 to index
          %parallel_loop3A_363 = tpu.vector_load %arg8[%parallel_loop3A_362] {strides = array<i32>} : memref<32768xf32, #tpu.memory_space<vmem>>, vector<16xf32>,
          tpu.vector_store %arg8[%parallel_loop3A_362], %parallel_loop3A_327 {strides = array<i32>} : memref<32768xf32, #tpu.memory_space<vmem>>, vector<16xf32>,
          %parallel_loop3A_364 = arith.constant 0 : i32
          %parallel_loop3A_365 = arith.addi %parallel_loop3A_271, %parallel_loop3A_364 : i32
          %parallel_loop3A_366 = arith.constant 32 : i32
          %parallel_loop3A_367 = arith.addi %parallel_loop3A_365, %parallel_loop3A_366 : i32
          %parallel_loop3A_368 = arith.index_cast %parallel_loop3A_367 : i32 to index
          %parallel_loop3A_369 = tpu.vector_load %arg8[%parallel_loop3A_368] {strides = array<i32>} : memref<32768xf32, #tpu.memory_space<vmem>>, vector<16xf32>,
          tpu.vector_store %arg8[%parallel_loop3A_368], %parallel_loop3A_331 {strides = array<i32>} : memref<32768xf32, #tpu.memory_space<vmem>>, vector<16xf32>,
          %parallel_loop3A_370 = arith.constant 0 : i32
          %parallel_loop3A_371 = arith.addi %parallel_loop3A_271, %parallel_loop3A_370 : i32
          %parallel_loop3A_372 = arith.constant 48 : i32
          %parallel_loop3A_373 = arith.addi %parallel_loop3A_371, %parallel_loop3A_372 : i32
          %parallel_loop3A_374 = arith.index_cast %parallel_loop3A_373 : i32 to index
          %parallel_loop3A_375 = tpu.vector_load %arg8[%parallel_loop3A_374] {strides = array<i32>} : memref<32768xf32, #tpu.memory_space<vmem>>, vector<16xf32>,
          tpu.vector_store %arg8[%parallel_loop3A_374], %parallel_loop3A_335 {strides = array<i32>} : memref<32768xf32, #tpu.memory_space<vmem>>, vector<16xf32>,
          %parallel_loop3A_376 = arith.constant 0 : i32
          %parallel_loop3A_377 = arith.addi %parallel_loop3A_271, %parallel_loop3A_376 : i32
          %parallel_loop3A_378 = arith.constant 64 : i32
          %parallel_loop3A_379 = arith.addi %parallel_loop3A_377, %parallel_loop3A_378 : i32
          %parallel_loop3A_380 = arith.index_cast %parallel_loop3A_379 : i32 to index
          %parallel_loop3A_381 = tpu.vector_load %arg8[%parallel_loop3A_380] {strides = array<i32>} : memref<32768xf32, #tpu.memory_space<vmem>>, vector<16xf32>,
          tpu.vector_store %arg8[%parallel_loop3A_380], %parallel_loop3A_339 {strides = array<i32>} : memref<32768xf32, #tpu.memory_space<vmem>>, vector<16xf32>,
          %parallel_loop3A_382 = arith.constant 0 : i32
          %parallel_loop3A_383 = arith.addi %parallel_loop3A_271, %parallel_loop3A_382 : i32
          %parallel_loop3A_384 = arith.constant 80 : i32
          %parallel_loop3A_385 = arith.addi %parallel_loop3A_383, %parallel_loop3A_384 : i32
          %parallel_loop3A_386 = arith.index_cast %parallel_loop3A_385 : i32 to index
          %parallel_loop3A_387 = tpu.vector_load %arg8[%parallel_loop3A_386] {strides = array<i32>} : memref<32768xf32, #tpu.memory_space<vmem>>, vector<16xf32>,
          tpu.vector_store %arg8[%parallel_loop3A_386], %parallel_loop3A_343 {strides = array<i32>} : memref<32768xf32, #tpu.memory_space<vmem>>, vector<16xf32>,
          %parallel_loop3A_388 = arith.constant 0 : i32
          %parallel_loop3A_389 = arith.addi %parallel_loop3A_271, %parallel_loop3A_388 : i32
          %parallel_loop3A_390 = arith.constant 96 : i32
          %parallel_loop3A_391 = arith.addi %parallel_loop3A_389, %parallel_loop3A_390 : i32
          %parallel_loop3A_392 = arith.index_cast %parallel_loop3A_391 : i32 to index
          %parallel_loop3A_393 = tpu.vector_load %arg8[%parallel_loop3A_392] {strides = array<i32>} : memref<32768xf32, #tpu.memory_space<vmem>>, vector<16xf32>,
          tpu.vector_store %arg8[%parallel_loop3A_392], %parallel_loop3A_347 {strides = array<i32>} : memref<32768xf32, #tpu.memory_space<vmem>>, vector<16xf32>,
          %parallel_loop3A_394 = arith.constant 0 : i32
          %parallel_loop3A_395 = arith.addi %parallel_loop3A_271, %parallel_loop3A_394 : i32
          %parallel_loop3A_396 = arith.constant 112 : i32
          %parallel_loop3A_397 = arith.addi %parallel_loop3A_395, %parallel_loop3A_396 : i32
          %parallel_loop3A_398 = arith.index_cast %parallel_loop3A_397 : i32 to index
          %parallel_loop3A_399 = tpu.vector_load %arg8[%parallel_loop3A_398] {strides = array<i32>} : memref<32768xf32, #tpu.memory_space<vmem>>, vector<16xf32>,
          tpu.vector_store %arg8[%parallel_loop3A_398], %parallel_loop3A_351 {strides = array<i32>} : memref<32768xf32, #tpu.memory_space<vmem>>, vector<16xf32>,
          %parallel_loop3A_400 = arith.constant 1 : i32
          %parallel_loop3A_401 = vector.broadcast %parallel_loop3A_400 : i32 to vector<16xi32>
          %parallel_loop3A_402 = arith.addi %parallel_loop3A_277, %parallel_loop3A_401 : vector<16xi32>
          %parallel_loop3A_403 = tpu.vector_load_idx %arg9[%parallel_loop3A_402, %iota3A] : memref<16x16xf32, #tpu.memory_space<vmem>>[vector<16xi32>, vector<16xi32>], vector<16xf32>,
          %parallel_loop3A_404 = arith.constant 1 : i32
          %parallel_loop3A_405 = vector.broadcast %parallel_loop3A_404 : i32 to vector<16xi32>
          %parallel_loop3A_406 = arith.addi %parallel_loop3A_283, %parallel_loop3A_405 : vector<16xi32>
          %parallel_loop3A_407 = tpu.vector_load_idx %arg9[%parallel_loop3A_406, %iota3A] : memref<16x16xf32, #tpu.memory_space<vmem>>[vector<16xi32>, vector<16xi32>], vector<16xf32>,
          %parallel_loop3A_408 = arith.constant 1 : i32
          %parallel_loop3A_409 = vector.broadcast %parallel_loop3A_408 : i32 to vector<16xi32>
          %parallel_loop3A_410 = arith.addi %parallel_loop3A_289, %parallel_loop3A_409 : vector<16xi32>
          %parallel_loop3A_411 = tpu.vector_load_idx %arg9[%parallel_loop3A_410, %iota3A] : memref<16x16xf32, #tpu.memory_space<vmem>>[vector<16xi32>, vector<16xi32>], vector<16xf32>,
          %parallel_loop3A_412 = arith.constant 1 : i32
          %parallel_loop3A_413 = vector.broadcast %parallel_loop3A_412 : i32 to vector<16xi32>
          %parallel_loop3A_414 = arith.addi %parallel_loop3A_295, %parallel_loop3A_413 : vector<16xi32>
          %parallel_loop3A_415 = tpu.vector_load_idx %arg9[%parallel_loop3A_414, %iota3A] : memref<16x16xf32, #tpu.memory_space<vmem>>[vector<16xi32>, vector<16xi32>], vector<16xf32>,
          %parallel_loop3A_416 = arith.constant 1 : i32
          %parallel_loop3A_417 = vector.broadcast %parallel_loop3A_416 : i32 to vector<16xi32>
          %parallel_loop3A_418 = arith.addi %parallel_loop3A_301, %parallel_loop3A_417 : vector<16xi32>
          %parallel_loop3A_419 = tpu.vector_load_idx %arg9[%parallel_loop3A_418, %iota3A] : memref<16x16xf32, #tpu.memory_space<vmem>>[vector<16xi32>, vector<16xi32>], vector<16xf32>,
          %parallel_loop3A_420 = arith.constant 1 : i32
          %parallel_loop3A_421 = vector.broadcast %parallel_loop3A_420 : i32 to vector<16xi32>
          %parallel_loop3A_422 = arith.addi %parallel_loop3A_307, %parallel_loop3A_421 : vector<16xi32>
          %parallel_loop3A_423 = tpu.vector_load_idx %arg9[%parallel_loop3A_422, %iota3A] : memref<16x16xf32, #tpu.memory_space<vmem>>[vector<16xi32>, vector<16xi32>], vector<16xf32>,
          %parallel_loop3A_424 = arith.constant 1 : i32
          %parallel_loop3A_425 = vector.broadcast %parallel_loop3A_424 : i32 to vector<16xi32>
          %parallel_loop3A_426 = arith.addi %parallel_loop3A_313, %parallel_loop3A_425 : vector<16xi32>
          %parallel_loop3A_427 = tpu.vector_load_idx %arg9[%parallel_loop3A_426, %iota3A] : memref<16x16xf32, #tpu.memory_space<vmem>>[vector<16xi32>, vector<16xi32>], vector<16xf32>,
          %parallel_loop3A_428 = arith.constant 1 : i32
          %parallel_loop3A_429 = vector.broadcast %parallel_loop3A_428 : i32 to vector<16xi32>
          %parallel_loop3A_430 = arith.addi %parallel_loop3A_319, %parallel_loop3A_429 : vector<16xi32>
          %parallel_loop3A_431 = tpu.vector_load_idx %arg9[%parallel_loop3A_430, %iota3A] : memref<16x16xf32, #tpu.memory_space<vmem>>[vector<16xi32>, vector<16xi32>], vector<16xf32>,
          %parallel_loop3A_432 = arith.constant 128 : i32
          %parallel_loop3A_433 = arith.addi %parallel_loop3A_271, %parallel_loop3A_432 : i32
          %parallel_loop3A_434 = arith.constant 0 : i32
          %parallel_loop3A_435 = arith.addi %parallel_loop3A_433, %parallel_loop3A_434 : i32
          %parallel_loop3A_436 = arith.index_cast %parallel_loop3A_435 : i32 to index
          %parallel_loop3A_437 = tpu.vector_load %arg8[%parallel_loop3A_436] {strides = array<i32>} : memref<32768xf32, #tpu.memory_space<vmem>>, vector<16xf32>,
          tpu.vector_store %arg8[%parallel_loop3A_436], %parallel_loop3A_403 {strides = array<i32>} : memref<32768xf32, #tpu.memory_space<vmem>>, vector<16xf32>,
          %parallel_loop3A_438 = arith.constant 128 : i32
          %parallel_loop3A_439 = arith.addi %parallel_loop3A_271, %parallel_loop3A_438 : i32
          %parallel_loop3A_440 = arith.constant 16 : i32
          %parallel_loop3A_441 = arith.addi %parallel_loop3A_439, %parallel_loop3A_440 : i32
          %parallel_loop3A_442 = arith.index_cast %parallel_loop3A_441 : i32 to index
          %parallel_loop3A_443 = tpu.vector_load %arg8[%parallel_loop3A_442] {strides = array<i32>} : memref<32768xf32, #tpu.memory_space<vmem>>, vector<16xf32>,
          tpu.vector_store %arg8[%parallel_loop3A_442], %parallel_loop3A_407 {strides = array<i32>} : memref<32768xf32, #tpu.memory_space<vmem>>, vector<16xf32>,
          %parallel_loop3A_444 = arith.constant 128 : i32
          %parallel_loop3A_445 = arith.addi %parallel_loop3A_271, %parallel_loop3A_444 : i32
          %parallel_loop3A_446 = arith.constant 32 : i32
          %parallel_loop3A_447 = arith.addi %parallel_loop3A_445, %parallel_loop3A_446 : i32
          %parallel_loop3A_448 = arith.index_cast %parallel_loop3A_447 : i32 to index
          %parallel_loop3A_449 = tpu.vector_load %arg8[%parallel_loop3A_448] {strides = array<i32>} : memref<32768xf32, #tpu.memory_space<vmem>>, vector<16xf32>,
          tpu.vector_store %arg8[%parallel_loop3A_448], %parallel_loop3A_411 {strides = array<i32>} : memref<32768xf32, #tpu.memory_space<vmem>>, vector<16xf32>,
          %parallel_loop3A_450 = arith.constant 128 : i32
          %parallel_loop3A_451 = arith.addi %parallel_loop3A_271, %parallel_loop3A_450 : i32
          %parallel_loop3A_452 = arith.constant 48 : i32
          %parallel_loop3A_453 = arith.addi %parallel_loop3A_451, %parallel_loop3A_452 : i32
          %parallel_loop3A_454 = arith.index_cast %parallel_loop3A_453 : i32 to index
          %parallel_loop3A_455 = tpu.vector_load %arg8[%parallel_loop3A_454] {strides = array<i32>} : memref<32768xf32, #tpu.memory_space<vmem>>, vector<16xf32>,
          tpu.vector_store %arg8[%parallel_loop3A_454], %parallel_loop3A_415 {strides = array<i32>} : memref<32768xf32, #tpu.memory_space<vmem>>, vector<16xf32>,
          %parallel_loop3A_456 = arith.constant 128 : i32
          %parallel_loop3A_457 = arith.addi %parallel_loop3A_271, %parallel_loop3A_456 : i32
          %parallel_loop3A_458 = arith.constant 64 : i32
          %parallel_loop3A_459 = arith.addi %parallel_loop3A_457, %parallel_loop3A_458 : i32
          %parallel_loop3A_460 = arith.index_cast %parallel_loop3A_459 : i32 to index
          %parallel_loop3A_461 = tpu.vector_load %arg8[%parallel_loop3A_460] {strides = array<i32>} : memref<32768xf32, #tpu.memory_space<vmem>>, vector<16xf32>,
          tpu.vector_store %arg8[%parallel_loop3A_460], %parallel_loop3A_419 {strides = array<i32>} : memref<32768xf32, #tpu.memory_space<vmem>>, vector<16xf32>,
          %parallel_loop3A_462 = arith.constant 128 : i32
          %parallel_loop3A_463 = arith.addi %parallel_loop3A_271, %parallel_loop3A_462 : i32
          %parallel_loop3A_464 = arith.constant 80 : i32
          %parallel_loop3A_465 = arith.addi %parallel_loop3A_463, %parallel_loop3A_464 : i32
          %parallel_loop3A_466 = arith.index_cast %parallel_loop3A_465 : i32 to index
          %parallel_loop3A_467 = tpu.vector_load %arg8[%parallel_loop3A_466] {strides = array<i32>} : memref<32768xf32, #tpu.memory_space<vmem>>, vector<16xf32>,
          tpu.vector_store %arg8[%parallel_loop3A_466], %parallel_loop3A_423 {strides = array<i32>} : memref<32768xf32, #tpu.memory_space<vmem>>, vector<16xf32>,
          %parallel_loop3A_468 = arith.constant 128 : i32
          %parallel_loop3A_469 = arith.addi %parallel_loop3A_271, %parallel_loop3A_468 : i32
          %parallel_loop3A_470 = arith.constant 96 : i32
          %parallel_loop3A_471 = arith.addi %parallel_loop3A_469, %parallel_loop3A_470 : i32
          %parallel_loop3A_472 = arith.index_cast %parallel_loop3A_471 : i32 to index
          %parallel_loop3A_473 = tpu.vector_load %arg8[%parallel_loop3A_472] {strides = array<i32>} : memref<32768xf32, #tpu.memory_space<vmem>>, vector<16xf32>,
          tpu.vector_store %arg8[%parallel_loop3A_472], %parallel_loop3A_427 {strides = array<i32>} : memref<32768xf32, #tpu.memory_space<vmem>>, vector<16xf32>,
          %parallel_loop3A_474 = arith.constant 128 : i32
          %parallel_loop3A_475 = arith.addi %parallel_loop3A_271, %parallel_loop3A_474 : i32
          %parallel_loop3A_476 = arith.constant 112 : i32
          %parallel_loop3A_477 = arith.addi %parallel_loop3A_475, %parallel_loop3A_476 : i32
          %parallel_loop3A_478 = arith.index_cast %parallel_loop3A_477 : i32 to index
          %parallel_loop3A_479 = tpu.vector_load %arg8[%parallel_loop3A_478] {strides = array<i32>} : memref<32768xf32, #tpu.memory_space<vmem>>, vector<16xf32>,
          tpu.vector_store %arg8[%parallel_loop3A_478], %parallel_loop3A_431 {strides = array<i32>} : memref<32768xf32, #tpu.memory_space<vmem>>, vector<16xf32>,
          %parallel_loop3A_480 = arith.constant 2 : i32
          %parallel_loop3A_481 = vector.broadcast %parallel_loop3A_480 : i32 to vector<16xi32>
          %parallel_loop3A_482 = arith.addi %parallel_loop3A_277, %parallel_loop3A_481 : vector<16xi32>
          %parallel_loop3A_483 = tpu.vector_load_idx %arg9[%parallel_loop3A_482, %iota3A] : memref<16x16xf32, #tpu.memory_space<vmem>>[vector<16xi32>, vector<16xi32>], vector<16xf32>,
          %parallel_loop3A_484 = arith.constant 2 : i32
          %parallel_loop3A_485 = vector.broadcast %parallel_loop3A_484 : i32 to vector<16xi32>
          %parallel_loop3A_486 = arith.addi %parallel_loop3A_283, %parallel_loop3A_485 : vector<16xi32>
          %parallel_loop3A_487 = tpu.vector_load_idx %arg9[%parallel_loop3A_486, %iota3A] : memref<16x16xf32, #tpu.memory_space<vmem>>[vector<16xi32>, vector<16xi32>], vector<16xf32>,
          %parallel_loop3A_488 = arith.constant 2 : i32
          %parallel_loop3A_489 = vector.broadcast %parallel_loop3A_488 : i32 to vector<16xi32>
          %parallel_loop3A_490 = arith.addi %parallel_loop3A_289, %parallel_loop3A_489 : vector<16xi32>
          %parallel_loop3A_491 = tpu.vector_load_idx %arg9[%parallel_loop3A_490, %iota3A] : memref<16x16xf32, #tpu.memory_space<vmem>>[vector<16xi32>, vector<16xi32>], vector<16xf32>,
          %parallel_loop3A_492 = arith.constant 2 : i32
          %parallel_loop3A_493 = vector.broadcast %parallel_loop3A_492 : i32 to vector<16xi32>
          %parallel_loop3A_494 = arith.addi %parallel_loop3A_295, %parallel_loop3A_493 : vector<16xi32>
          %parallel_loop3A_495 = tpu.vector_load_idx %arg9[%parallel_loop3A_494, %iota3A] : memref<16x16xf32, #tpu.memory_space<vmem>>[vector<16xi32>, vector<16xi32>], vector<16xf32>,
          %parallel_loop3A_496 = arith.constant 2 : i32
          %parallel_loop3A_497 = vector.broadcast %parallel_loop3A_496 : i32 to vector<16xi32>
          %parallel_loop3A_498 = arith.addi %parallel_loop3A_301, %parallel_loop3A_497 : vector<16xi32>
          %parallel_loop3A_499 = tpu.vector_load_idx %arg9[%parallel_loop3A_498, %iota3A] : memref<16x16xf32, #tpu.memory_space<vmem>>[vector<16xi32>, vector<16xi32>], vector<16xf32>,
          %parallel_loop3A_500 = arith.constant 2 : i32
          %parallel_loop3A_501 = vector.broadcast %parallel_loop3A_500 : i32 to vector<16xi32>
          %parallel_loop3A_502 = arith.addi %parallel_loop3A_307, %parallel_loop3A_501 : vector<16xi32>
          %parallel_loop3A_503 = tpu.vector_load_idx %arg9[%parallel_loop3A_502, %iota3A] : memref<16x16xf32, #tpu.memory_space<vmem>>[vector<16xi32>, vector<16xi32>], vector<16xf32>,
          %parallel_loop3A_504 = arith.constant 2 : i32
          %parallel_loop3A_505 = vector.broadcast %parallel_loop3A_504 : i32 to vector<16xi32>
          %parallel_loop3A_506 = arith.addi %parallel_loop3A_313, %parallel_loop3A_505 : vector<16xi32>
          %parallel_loop3A_507 = tpu.vector_load_idx %arg9[%parallel_loop3A_506, %iota3A] : memref<16x16xf32, #tpu.memory_space<vmem>>[vector<16xi32>, vector<16xi32>], vector<16xf32>,
          %parallel_loop3A_508 = arith.constant 2 : i32
          %parallel_loop3A_509 = vector.broadcast %parallel_loop3A_508 : i32 to vector<16xi32>
          %parallel_loop3A_510 = arith.addi %parallel_loop3A_319, %parallel_loop3A_509 : vector<16xi32>
          %parallel_loop3A_511 = tpu.vector_load_idx %arg9[%parallel_loop3A_510, %iota3A] : memref<16x16xf32, #tpu.memory_space<vmem>>[vector<16xi32>, vector<16xi32>], vector<16xf32>,
          %parallel_loop3A_512 = arith.constant 256 : i32
          %parallel_loop3A_513 = arith.addi %parallel_loop3A_271, %parallel_loop3A_512 : i32
          %parallel_loop3A_514 = arith.constant 0 : i32
          %parallel_loop3A_515 = arith.addi %parallel_loop3A_513, %parallel_loop3A_514 : i32
          %parallel_loop3A_516 = arith.index_cast %parallel_loop3A_515 : i32 to index
          %parallel_loop3A_517 = tpu.vector_load %arg8[%parallel_loop3A_516] {strides = array<i32>} : memref<32768xf32, #tpu.memory_space<vmem>>, vector<16xf32>,
          tpu.vector_store %arg8[%parallel_loop3A_516], %parallel_loop3A_483 {strides = array<i32>} : memref<32768xf32, #tpu.memory_space<vmem>>, vector<16xf32>,
          %parallel_loop3A_518 = arith.constant 256 : i32
          %parallel_loop3A_519 = arith.addi %parallel_loop3A_271, %parallel_loop3A_518 : i32
          %parallel_loop3A_520 = arith.constant 16 : i32
          %parallel_loop3A_521 = arith.addi %parallel_loop3A_519, %parallel_loop3A_520 : i32
          %parallel_loop3A_522 = arith.index_cast %parallel_loop3A_521 : i32 to index
          %parallel_loop3A_523 = tpu.vector_load %arg8[%parallel_loop3A_522] {strides = array<i32>} : memref<32768xf32, #tpu.memory_space<vmem>>, vector<16xf32>,
          tpu.vector_store %arg8[%parallel_loop3A_522], %parallel_loop3A_487 {strides = array<i32>} : memref<32768xf32, #tpu.memory_space<vmem>>, vector<16xf32>,
          %parallel_loop3A_524 = arith.constant 256 : i32
          %parallel_loop3A_525 = arith.addi %parallel_loop3A_271, %parallel_loop3A_524 : i32
          %parallel_loop3A_526 = arith.constant 32 : i32
          %parallel_loop3A_527 = arith.addi %parallel_loop3A_525, %parallel_loop3A_526 : i32
          %parallel_loop3A_528 = arith.index_cast %parallel_loop3A_527 : i32 to index
          %parallel_loop3A_529 = tpu.vector_load %arg8[%parallel_loop3A_528] {strides = array<i32>} : memref<32768xf32, #tpu.memory_space<vmem>>, vector<16xf32>,
          tpu.vector_store %arg8[%parallel_loop3A_528], %parallel_loop3A_491 {strides = array<i32>} : memref<32768xf32, #tpu.memory_space<vmem>>, vector<16xf32>,
          %parallel_loop3A_530 = arith.constant 256 : i32
          %parallel_loop3A_531 = arith.addi %parallel_loop3A_271, %parallel_loop3A_530 : i32
          %parallel_loop3A_532 = arith.constant 48 : i32
          %parallel_loop3A_533 = arith.addi %parallel_loop3A_531, %parallel_loop3A_532 : i32
          %parallel_loop3A_534 = arith.index_cast %parallel_loop3A_533 : i32 to index
          %parallel_loop3A_535 = tpu.vector_load %arg8[%parallel_loop3A_534] {strides = array<i32>} : memref<32768xf32, #tpu.memory_space<vmem>>, vector<16xf32>,
          tpu.vector_store %arg8[%parallel_loop3A_534], %parallel_loop3A_495 {strides = array<i32>} : memref<32768xf32, #tpu.memory_space<vmem>>, vector<16xf32>,
          %parallel_loop3A_536 = arith.constant 256 : i32
          %parallel_loop3A_537 = arith.addi %parallel_loop3A_271, %parallel_loop3A_536 : i32
          %parallel_loop3A_538 = arith.constant 64 : i32
          %parallel_loop3A_539 = arith.addi %parallel_loop3A_537, %parallel_loop3A_538 : i32
          %parallel_loop3A_540 = arith.index_cast %parallel_loop3A_539 : i32 to index
          %parallel_loop3A_541 = tpu.vector_load %arg8[%parallel_loop3A_540] {strides = array<i32>} : memref<32768xf32, #tpu.memory_space<vmem>>, vector<16xf32>,
          tpu.vector_store %arg8[%parallel_loop3A_540], %parallel_loop3A_499 {strides = array<i32>} : memref<32768xf32, #tpu.memory_space<vmem>>, vector<16xf32>,
          %parallel_loop3A_542 = arith.constant 256 : i32
          %parallel_loop3A_543 = arith.addi %parallel_loop3A_271, %parallel_loop3A_542 : i32
          %parallel_loop3A_544 = arith.constant 80 : i32
          %parallel_loop3A_545 = arith.addi %parallel_loop3A_543, %parallel_loop3A_544 : i32
          %parallel_loop3A_546 = arith.index_cast %parallel_loop3A_545 : i32 to index
          %parallel_loop3A_547 = tpu.vector_load %arg8[%parallel_loop3A_546] {strides = array<i32>} : memref<32768xf32, #tpu.memory_space<vmem>>, vector<16xf32>,
          tpu.vector_store %arg8[%parallel_loop3A_546], %parallel_loop3A_503 {strides = array<i32>} : memref<32768xf32, #tpu.memory_space<vmem>>, vector<16xf32>,
          %parallel_loop3A_548 = arith.constant 256 : i32
          %parallel_loop3A_549 = arith.addi %parallel_loop3A_271, %parallel_loop3A_548 : i32
          %parallel_loop3A_550 = arith.constant 96 : i32
          %parallel_loop3A_551 = arith.addi %parallel_loop3A_549, %parallel_loop3A_550 : i32
          %parallel_loop3A_552 = arith.index_cast %parallel_loop3A_551 : i32 to index
          %parallel_loop3A_553 = tpu.vector_load %arg8[%parallel_loop3A_552] {strides = array<i32>} : memref<32768xf32, #tpu.memory_space<vmem>>, vector<16xf32>,
          tpu.vector_store %arg8[%parallel_loop3A_552], %parallel_loop3A_507 {strides = array<i32>} : memref<32768xf32, #tpu.memory_space<vmem>>, vector<16xf32>,
          %parallel_loop3A_554 = arith.constant 256 : i32
          %parallel_loop3A_555 = arith.addi %parallel_loop3A_271, %parallel_loop3A_554 : i32
          %parallel_loop3A_556 = arith.constant 112 : i32
          %parallel_loop3A_557 = arith.addi %parallel_loop3A_555, %parallel_loop3A_556 : i32
          %parallel_loop3A_558 = arith.index_cast %parallel_loop3A_557 : i32 to index
          %parallel_loop3A_559 = tpu.vector_load %arg8[%parallel_loop3A_558] {strides = array<i32>} : memref<32768xf32, #tpu.memory_space<vmem>>, vector<16xf32>,
          tpu.vector_store %arg8[%parallel_loop3A_558], %parallel_loop3A_511 {strides = array<i32>} : memref<32768xf32, #tpu.memory_space<vmem>>, vector<16xf32>,
          %parallel_loop3A_560 = arith.constant 3 : i32
          %parallel_loop3A_561 = vector.broadcast %parallel_loop3A_560 : i32 to vector<16xi32>
          %parallel_loop3A_562 = arith.addi %parallel_loop3A_277, %parallel_loop3A_561 : vector<16xi32>
          %parallel_loop3A_563 = tpu.vector_load_idx %arg9[%parallel_loop3A_562, %iota3A] : memref<16x16xf32, #tpu.memory_space<vmem>>[vector<16xi32>, vector<16xi32>], vector<16xf32>,
          %parallel_loop3A_564 = arith.constant 3 : i32
          %parallel_loop3A_565 = vector.broadcast %parallel_loop3A_564 : i32 to vector<16xi32>
          %parallel_loop3A_566 = arith.addi %parallel_loop3A_283, %parallel_loop3A_565 : vector<16xi32>
          %parallel_loop3A_567 = tpu.vector_load_idx %arg9[%parallel_loop3A_566, %iota3A] : memref<16x16xf32, #tpu.memory_space<vmem>>[vector<16xi32>, vector<16xi32>], vector<16xf32>,
          %parallel_loop3A_568 = arith.constant 3 : i32
          %parallel_loop3A_569 = vector.broadcast %parallel_loop3A_568 : i32 to vector<16xi32>
          %parallel_loop3A_570 = arith.addi %parallel_loop3A_289, %parallel_loop3A_569 : vector<16xi32>
          %parallel_loop3A_571 = tpu.vector_load_idx %arg9[%parallel_loop3A_570, %iota3A] : memref<16x16xf32, #tpu.memory_space<vmem>>[vector<16xi32>, vector<16xi32>], vector<16xf32>,
          %parallel_loop3A_572 = arith.constant 3 : i32
          %parallel_loop3A_573 = vector.broadcast %parallel_loop3A_572 : i32 to vector<16xi32>
          %parallel_loop3A_574 = arith.addi %parallel_loop3A_295, %parallel_loop3A_573 : vector<16xi32>
          %parallel_loop3A_575 = tpu.vector_load_idx %arg9[%parallel_loop3A_574, %iota3A] : memref<16x16xf32, #tpu.memory_space<vmem>>[vector<16xi32>, vector<16xi32>], vector<16xf32>,
          %parallel_loop3A_576 = arith.constant 3 : i32
          %parallel_loop3A_577 = vector.broadcast %parallel_loop3A_576 : i32 to vector<16xi32>
          %parallel_loop3A_578 = arith.addi %parallel_loop3A_301, %parallel_loop3A_577 : vector<16xi32>
          %parallel_loop3A_579 = tpu.vector_load_idx %arg9[%parallel_loop3A_578, %iota3A] : memref<16x16xf32, #tpu.memory_space<vmem>>[vector<16xi32>, vector<16xi32>], vector<16xf32>,
          %parallel_loop3A_580 = arith.constant 3 : i32
          %parallel_loop3A_581 = vector.broadcast %parallel_loop3A_580 : i32 to vector<16xi32>
          %parallel_loop3A_582 = arith.addi %parallel_loop3A_307, %parallel_loop3A_581 : vector<16xi32>
          %parallel_loop3A_583 = tpu.vector_load_idx %arg9[%parallel_loop3A_582, %iota3A] : memref<16x16xf32, #tpu.memory_space<vmem>>[vector<16xi32>, vector<16xi32>], vector<16xf32>,
          %parallel_loop3A_584 = arith.constant 3 : i32
          %parallel_loop3A_585 = vector.broadcast %parallel_loop3A_584 : i32 to vector<16xi32>
          %parallel_loop3A_586 = arith.addi %parallel_loop3A_313, %parallel_loop3A_585 : vector<16xi32>
          %parallel_loop3A_587 = tpu.vector_load_idx %arg9[%parallel_loop3A_586, %iota3A] : memref<16x16xf32, #tpu.memory_space<vmem>>[vector<16xi32>, vector<16xi32>], vector<16xf32>,
          %parallel_loop3A_588 = arith.constant 3 : i32
          %parallel_loop3A_589 = vector.broadcast %parallel_loop3A_588 : i32 to vector<16xi32>
          %parallel_loop3A_590 = arith.addi %parallel_loop3A_319, %parallel_loop3A_589 : vector<16xi32>
          %parallel_loop3A_591 = tpu.vector_load_idx %arg9[%parallel_loop3A_590, %iota3A] : memref<16x16xf32, #tpu.memory_space<vmem>>[vector<16xi32>, vector<16xi32>], vector<16xf32>,
          %parallel_loop3A_592 = arith.constant 384 : i32
          %parallel_loop3A_593 = arith.addi %parallel_loop3A_271, %parallel_loop3A_592 : i32
          %parallel_loop3A_594 = arith.constant 0 : i32
          %parallel_loop3A_595 = arith.addi %parallel_loop3A_593, %parallel_loop3A_594 : i32
          %parallel_loop3A_596 = arith.index_cast %parallel_loop3A_595 : i32 to index
          %parallel_loop3A_597 = tpu.vector_load %arg8[%parallel_loop3A_596] {strides = array<i32>} : memref<32768xf32, #tpu.memory_space<vmem>>, vector<16xf32>,
          tpu.vector_store %arg8[%parallel_loop3A_596], %parallel_loop3A_563 {strides = array<i32>} : memref<32768xf32, #tpu.memory_space<vmem>>, vector<16xf32>,
          %parallel_loop3A_598 = arith.constant 384 : i32
          %parallel_loop3A_599 = arith.addi %parallel_loop3A_271, %parallel_loop3A_598 : i32
          %parallel_loop3A_600 = arith.constant 16 : i32
          %parallel_loop3A_601 = arith.addi %parallel_loop3A_599, %parallel_loop3A_600 : i32
          %parallel_loop3A_602 = arith.index_cast %parallel_loop3A_601 : i32 to index
          %parallel_loop3A_603 = tpu.vector_load %arg8[%parallel_loop3A_602] {strides = array<i32>} : memref<32768xf32, #tpu.memory_space<vmem>>, vector<16xf32>,
          tpu.vector_store %arg8[%parallel_loop3A_602], %parallel_loop3A_567 {strides = array<i32>} : memref<32768xf32, #tpu.memory_space<vmem>>, vector<16xf32>,
          %parallel_loop3A_604 = arith.constant 384 : i32
          %parallel_loop3A_605 = arith.addi %parallel_loop3A_271, %parallel_loop3A_604 : i32
          %parallel_loop3A_606 = arith.constant 32 : i32
          %parallel_loop3A_607 = arith.addi %parallel_loop3A_605, %parallel_loop3A_606 : i32
          %parallel_loop3A_608 = arith.index_cast %parallel_loop3A_607 : i32 to index
          %parallel_loop3A_609 = tpu.vector_load %arg8[%parallel_loop3A_608] {strides = array<i32>} : memref<32768xf32, #tpu.memory_space<vmem>>, vector<16xf32>,
          tpu.vector_store %arg8[%parallel_loop3A_608], %parallel_loop3A_571 {strides = array<i32>} : memref<32768xf32, #tpu.memory_space<vmem>>, vector<16xf32>,
          %parallel_loop3A_610 = arith.constant 384 : i32
          %parallel_loop3A_611 = arith.addi %parallel_loop3A_271, %parallel_loop3A_610 : i32
          %parallel_loop3A_612 = arith.constant 48 : i32
          %parallel_loop3A_613 = arith.addi %parallel_loop3A_611, %parallel_loop3A_612 : i32
          %parallel_loop3A_614 = arith.index_cast %parallel_loop3A_613 : i32 to index
          %parallel_loop3A_615 = tpu.vector_load %arg8[%parallel_loop3A_614] {strides = array<i32>} : memref<32768xf32, #tpu.memory_space<vmem>>, vector<16xf32>,
          tpu.vector_store %arg8[%parallel_loop3A_614], %parallel_loop3A_575 {strides = array<i32>} : memref<32768xf32, #tpu.memory_space<vmem>>, vector<16xf32>,
          %parallel_loop3A_616 = arith.constant 384 : i32
          %parallel_loop3A_617 = arith.addi %parallel_loop3A_271, %parallel_loop3A_616 : i32
          %parallel_loop3A_618 = arith.constant 64 : i32
          %parallel_loop3A_619 = arith.addi %parallel_loop3A_617, %parallel_loop3A_618 : i32
          %parallel_loop3A_620 = arith.index_cast %parallel_loop3A_619 : i32 to index
          %parallel_loop3A_621 = tpu.vector_load %arg8[%parallel_loop3A_620] {strides = array<i32>} : memref<32768xf32, #tpu.memory_space<vmem>>, vector<16xf32>,
          tpu.vector_store %arg8[%parallel_loop3A_620], %parallel_loop3A_579 {strides = array<i32>} : memref<32768xf32, #tpu.memory_space<vmem>>, vector<16xf32>,
          %parallel_loop3A_622 = arith.constant 384 : i32
          %parallel_loop3A_623 = arith.addi %parallel_loop3A_271, %parallel_loop3A_622 : i32
          %parallel_loop3A_624 = arith.constant 80 : i32
          %parallel_loop3A_625 = arith.addi %parallel_loop3A_623, %parallel_loop3A_624 : i32
          %parallel_loop3A_626 = arith.index_cast %parallel_loop3A_625 : i32 to index
          %parallel_loop3A_627 = tpu.vector_load %arg8[%parallel_loop3A_626] {strides = array<i32>} : memref<32768xf32, #tpu.memory_space<vmem>>, vector<16xf32>,
          tpu.vector_store %arg8[%parallel_loop3A_626], %parallel_loop3A_583 {strides = array<i32>} : memref<32768xf32, #tpu.memory_space<vmem>>, vector<16xf32>,
          %parallel_loop3A_628 = arith.constant 384 : i32
          %parallel_loop3A_629 = arith.addi %parallel_loop3A_271, %parallel_loop3A_628 : i32
          %parallel_loop3A_630 = arith.constant 96 : i32
          %parallel_loop3A_631 = arith.addi %parallel_loop3A_629, %parallel_loop3A_630 : i32
          %parallel_loop3A_632 = arith.index_cast %parallel_loop3A_631 : i32 to index
          %parallel_loop3A_633 = tpu.vector_load %arg8[%parallel_loop3A_632] {strides = array<i32>} : memref<32768xf32, #tpu.memory_space<vmem>>, vector<16xf32>,
          tpu.vector_store %arg8[%parallel_loop3A_632], %parallel_loop3A_587 {strides = array<i32>} : memref<32768xf32, #tpu.memory_space<vmem>>, vector<16xf32>,
          %parallel_loop3A_634 = arith.constant 384 : i32
          %parallel_loop3A_635 = arith.addi %parallel_loop3A_271, %parallel_loop3A_634 : i32
          %parallel_loop3A_636 = arith.constant 112 : i32
          %parallel_loop3A_637 = arith.addi %parallel_loop3A_635, %parallel_loop3A_636 : i32
          %parallel_loop3A_638 = arith.index_cast %parallel_loop3A_637 : i32 to index
          %parallel_loop3A_639 = tpu.vector_load %arg8[%parallel_loop3A_638] {strides = array<i32>} : memref<32768xf32, #tpu.memory_space<vmem>>, vector<16xf32>,
          tpu.vector_store %arg8[%parallel_loop3A_638], %parallel_loop3A_591 {strides = array<i32>} : memref<32768xf32, #tpu.memory_space<vmem>>, vector<16xf32>,
        } {sc.loop_unroll_factor = 1 : i64, sc.parallel_access}
        %add3A_218 = arith.addi %select_n3A, %add3A_190 : i32
        %jit3A_219 = arith.constant 2 : i32
        %div3A_220 = arith.divsi %add3A_218, %jit3A_219 : i32
        %sign3A_221 = arith.constant 0 : i32
        %sign3A_222 = arith.cmpi sgt, %add3A_218, %sign3A_221 : i32
        %sign3A_223 = arith.extui %sign3A_222 : i1 to i32
        %sign3A_224 = arith.constant 0 : i32
        %sign3A_225 = arith.cmpi slt, %add3A_218, %sign3A_224 : i32
        %sign3A_226 = arith.extui %sign3A_225 : i1 to i32
        %sign3A_227 = arith.subi %sign3A_223, %sign3A_226 : i32
        %sign3A_228 = arith.constant 0 : i32
        %sign3A_229 = arith.cmpi sgt, %jit3A_219, %sign3A_228 : i32
        %sign3A_230 = arith.extui %sign3A_229 : i1 to i32
        %sign3A_231 = arith.constant 0 : i32
        %sign3A_232 = arith.cmpi slt, %jit3A_219, %sign3A_231 : i32
        %sign3A_233 = arith.extui %sign3A_232 : i1 to i32
        %sign3A_234 = arith.subi %sign3A_230, %sign3A_233 : i32
        %ne3A_235 = arith.cmpi ne, %sign3A_227, %sign3A_234 : i32
        %rem3A_236 = arith.remsi %add3A_218, %jit3A_219 : i32
        %ne3A_237 = arith.constant 0 : i32
        %ne3A_238 = arith.cmpi ne, %rem3A_236, %ne3A_237 : i32
        %and3A_239 = arith.andi %ne3A_235, %ne3A_238 : i1
        %sub3A_240 = arith.constant 1 : i32
        %sub3A_241 = arith.subi %div3A_220, %sub3A_240 : i32
        %select_n3A_242 = arith.select %and3A_239, %sub3A_241, %div3A_220 : i32
        %jit3A_243 = arith.constant 2 : i32
        %eq3A_244 = arith.constant 0 : i32
        %eq3A_245 = arith.cmpi eq, %jit3A_243, %eq3A_244 : i32
        %jit3A_246 = arith.constant 1 : i32
        %select_n3A_247 = arith.select %eq3A_245, %jit3A_246, %jit3A_243 : i32
        %rem3A_248 = arith.remsi %add3A_218, %select_n3A_247 : i32
        %ne3A_249 = arith.constant 0 : i32
        %ne3A_250 = arith.cmpi ne, %rem3A_248, %ne3A_249 : i32
        %lt3A_251 = arith.constant 0 : i32
        %lt3A_252 = arith.cmpi slt, %rem3A_248, %lt3A_251 : i32
        %lt3A_253 = arith.constant 0 : i32
        %lt3A_254 = arith.cmpi slt, %select_n3A_247, %lt3A_253 : i32
        %ne3A_255 = arith.xori %lt3A_252, %lt3A_254 : i1
        %and3A_256 = arith.andi %ne3A_255, %ne3A_250 : i1
        %add3A_257 = arith.addi %rem3A_248, %select_n3A_247 : i32
        %select_n3A_258 = arith.select %and3A_256, %add3A_257, %rem3A_248 : i32
        %mul3A_259 = arith.constant 64 : i32
        %mul3A_260 = arith.muli %select_n3A_258, %mul3A_259 : i32
        %mul3A_261 = arith.constant 128 : i32
        %mul3A_262 = arith.muli %select_n3A_242, %mul3A_261 : i32
        %add3A_263 = arith.addi %mul3A_262, %mul3A_260 : i32
        %mul3A_264 = arith.constant 512 : i32
        %mul3A_265 = arith.muli %add3A_263, %mul3A_264 : i32
        %multiple_of3A_266 = tpu.assume_multiple %mul3A_265, 8 : i32
        %dma_start3A_267 = tpu.memref_slice %arg4[%multiple_of3A_266] : memref<13107200xf32, #tpu.memory_space<hbm>> -> memref<32768xf32, #tpu.memory_space<hbm>>
        %dma_start3A_268 = tpu.memref_slice %arg4[%multiple_of3A_266] : memref<13107200xf32, #tpu.memory_space<hbm>> -> memref<32768xf32, #tpu.memory_space<hbm>>
        tpu.enqueue_dma source(%arg8 : memref<32768xf32, #tpu.memory_space<vmem>>) target(%dma_start3A_268 : memref<32768xf32, #tpu.memory_space<hbm>>) target_semaphore(%arg12 : memref<!tpu.dma_semaphore, #tpu.memory_space<semaphore_mem>>)
      } else {
      }
      %while3A_195 = arith.constant 0 : i32
      scf.yield %while3A_195 : i32
    }
    %dma_wait3A = arith.constant 0 : i32
    %dma_wait3A_172 = tpu.memref_slice %arg4[%dma_wait3A] : memref<13107200xf32, #tpu.memory_space<hbm>> -> memref<32768xf32, #tpu.memory_space<hbm>>
    %dma_wait3A_173 = arith.constant 0 : i32
    %dma_wait3A_174 = tpu.memref_slice %arg4[%dma_wait3A_173] : memref<13107200xf32, #tpu.memory_space<hbm>> -> memref<32768xf32, #tpu.memory_space<hbm>>
    tpu.wait_dma2 semaphore(%arg11 : memref<!tpu.dma_semaphore, #tpu.memory_space<semaphore_mem>>) src(%arg7 : memref<32768xf32, #tpu.memory_space<vmem>>) dst(%dma_wait3A_174 : memref<32768xf32, #tpu.memory_space<hbm>>)
    %dma_wait3A_175 = arith.constant 0 : i32
    %dma_wait3A_176 = tpu.memref_slice %arg4[%dma_wait3A_175] : memref<13107200xf32, #tpu.memory_space<hbm>> -> memref<32768xf32, #tpu.memory_space<hbm>>
    %dma_wait3A_177 = arith.constant 0 : i32
    %dma_wait3A_178 = tpu.memref_slice %arg4[%dma_wait3A_177] : memref<13107200xf32, #tpu.memory_space<hbm>> -> memref<32768xf32, #tpu.memory_space<hbm>>
    tpu.wait_dma2 semaphore(%arg12 : memref<!tpu.dma_semaphore, #tpu.memory_space<semaphore_mem>>) src(%arg8 : memref<32768xf32, #tpu.memory_space<vmem>>) dst(%dma_wait3A_178 : memref<32768xf32, #tpu.memory_space<hbm>>)
    return
  }
}

</mosaic_0001>

<sc_bundles>
// kernel: _lookup_t.3.cloned.1.call-start
scs
__scs_entry_jumppad:
0x0: {  	(pc) =	sbr.rel $0x88, $3  }
0x1: {  	(tag) =	ssettag $0x0;
	lr =	simm.s32 $0x1  }
0x2: {  	[smem:$0x3F9F] =	sst lr;
	_ =	strace $0xD0000000  }
0x3: {  	_ = 	snop  }
0x4: {  	_ = 	snop  }
0x5: {  	_ = 	snop  }
0x6: {  	_ = 	snop  }
0x7: {  	_ = 	snop  }
__scs_overlays_trampoline_lowered:
0x8: {  	[smem:$0x3FAE] =	sst s0  }
0x9: {  	[smem:$0x3FAF] =	sst s1  }
0xa: {  	[smem:$0x3FB0] =	sst s2  }
0xb: {  	[smem:$0x3FB1] =	sst s3  }
0xc: {  	[smem:$0x3FB2] =	sst s4  }
0xd: {  	[smem:$0x3FB3] =	sst s5  }
0xe: {  	[smem:$0x3FB4] =	sst s6  }
0xf: {  	[smem:$0x3FB5] =	sst s7  }
0x10: {  	[smem:$0x3FB6] =	sst s8  }
0x11: {  	[smem:$0x3FB7] =	sst s9;
	s0 =	simm.s32 @!p0 $0x0  }
0x12: {  	s1 =	sld [smem:$0x3F9D];
	s0 =	simm.s32 @p0 $0x1  }
0x13: {  	[smem:$0x3FB8] =	sst s0;
	s0 =	simm.s32 @!p1 $0x0  }
0x14: {  	s2 =	sld [smem:$0x3F9C];
	s0 =	simm.s32 @p1 $0x1  }
0x15: {  	[smem:$0x3FB9] =	sst s0;
	s0 =	simm.s32 @!p2 $0x0  }
0x16: {  	s3 =	sld [smem:$0x3FDB];
	s0 =	simm.s32 @p2 $0x1  }
0x17: {  	s4 =	simm.s32 $0x1BF5;
	[smem:$0x3FBB] =	sst s0  }
0x18: {  	s0 =	sld [smem:$0x3F9E];
	_ =	swait.ge [sflag:s4], $0x0  }
0x19: {  	s7 =	sld [smem:$0x3F9F]  }
0x1a: {  	s8 =	sadd.s32 $0xFFFFE003, lr  }
0x1b: {  	s9 =	sadd.s32 $0xFFFFFEF7, lr;
	s5 =	simm.s32 $0xFFFFFFFF;
	p2 =	slt.u32 s8, $0xFFFFF086  }
0x1c: {  	p1 =	slt.u32 s9, $0xF7A;
	s5 =	simm.s32 @!p2 $0x0  }
0x1d: {  	s5 =	simm.s32 @p1 $0x1;
	p0 =	seq.s32 s7, s2  }
0x1e: {  	s7 =	smul.u32 @!p0 $0xF7A, s2;
	p2 =	seq.s32 @!p0 s5, $0x0  }
0x1f: {  	s9 =	smul.u32 $0xF7A, s1;
	s8 =	simm.s32 @!p0 $0x1BF5;
	p2 =	por !p2, p0  }
0x20: {  	[sflag:s8] =	ssyncset.s32 @!p0 $0xFFFFF086;
	s6 =	sadd.s32 @!p0 s3, s7;
	s7 =	simm.s32 @!p0 $0x108  }
0x21: {  	s3 =	sadd.s32 s3, s9;
	s6 =	sadd.s32 @!p0 $0x88, s6;
	s7 =	simm.s32 @p2 $0x1082  }
0x22: {  	[simem:s7], [sflag:s8] =	dma.local @!p0 [hbm:s6], $0xF7A  }
0x23: {  	s9 =	sor.u32 $0xD0000000, s2;
	s6 =	simm.s32 $0x108;
	_ =	swait.ge @!p0 [sflag:s8], $0x0  }
0x24: {  	s3 =	sadd.s32 $0x88, s3;
	s6 =	simm.s32 @!p1 $0x1082;
	[sflag:s4] =	ssyncset.s32 $0xFFFFF086  }
0x25: {  	[simem:s6], [sflag:s4] =	dma.local [hbm:s3], $0xF7A  }
0x26: {  	[smem:$0x3F9F] =	sst s1;
	(tag) =	ssettag s2;
	_ =	strace s9  }
0x27: {  	s1 =	sld [smem:$0x3FAF]  }
0x28: {  	s2 =	sld [smem:$0x3FB0]  }
0x29: {  	s4 =	sld [smem:$0x3FB2]  }
0x2a: {  	p0 =	seq.s32 s5, $0x0;
	s5 =	sld [smem:$0x3FB3]  }
0x2b: {  	s6 =	sld [smem:$0x3FB4]  }
0x2c: {  	s7 =	sld [smem:$0x3FB5]  }
0x2d: {  	s3 =	simm.s32 $0x108;
	s8 =	sld [smem:$0x3FB6]  }
0x2e: {  	s3 =	simm.s32 @!p0 $0x1082;
	s9 =	sld [smem:$0x3FB7]  }
0x2f: {  	lr =	sadd.s32 s0, s3;
	s0 =	sld [smem:$0x3FAE]  }
0x30: {  	s3 =	sld [smem:$0x3FB1]  }
0x31: {  	[smem:$0x3FBA] =	sst s10  }
0x32: {  	s10 =	sld [smem:$0x3FB8];
	_ =	sdelay $0x3  }
0x33: {  	p0 =	seq.s32 s10, $0x1;
	s10 =	sld [smem:$0x3FBA];
	_ =	sdelay $0x3  }
0x34: {  	[smem:$0x3FBA] =	sst s10  }
0x35: {  	s10 =	sld [smem:$0x3FB9];
	_ =	sdelay $0x3  }
0x36: {  	p1 =	seq.s32 s10, $0x1;
	s10 =	sld [smem:$0x3FBA];
	_ =	sdelay $0x3  }
0x37: {  	[smem:$0x3FBA] =	sst s10  }
0x38: {  	s10 =	sld [smem:$0x3FBB]  }
0x39: {  	_ = 	snop;
	(pc) =	sbr.ind lr, $3  }
0x3a: {  	_ = 	snop  }
0x3b: {  	_ = 	snop  }
0x3c: {  	p2 =	seq.s32 s10, $0x1;
	s10 =	sld [smem:$0x3FBA]  }
0x3d: {  	_ =	shalt  }
0x3e: {  	_ =	shalt  }
0x3f: {  	_ =	shalt  }
0x40: {  	_ =	shalt  }
0x41: {  	_ =	shalt  }
0x42: {  	_ =	shalt  }
0x43: {  	_ =	shalt  }
0x44: {  	_ =	shalt  }
0x45: {  	_ =	shalt  }
0x46: {  	_ =	shalt  }
0x47: {  	_ =	shalt  }
0x48: {  	_ =	shalt  }
0x49: {  	_ =	shalt  }
0x4a: {  	_ =	shalt  }
0x4b: {  	_ =	shalt  }
0x4c: {  	_ =	shalt  }
0x4d: {  	_ =	shalt  }
0x4e: {  	_ =	shalt  }
0x4f: {  	_ =	shalt  }
0x50: {  	_ =	shalt  }
0x51: {  	_ =	shalt  }
0x52: {  	_ =	shalt  }
0x53: {  	_ =	shalt  }
0x54: {  	_ =	shalt  }
0x55: {  	_ =	shalt  }
0x56: {  	_ =	shalt  }
0x57: {  	_ =	shalt  }
0x58: {  	_ =	shalt  }
0x59: {  	_ =	shalt  }
0x5a: {  	_ =	shalt  }
0x5b: {  	_ =	shalt  }
0x5c: {  	_ =	shalt  }
0x5d: {  	_ =	shalt  }
0x5e: {  	_ =	shalt  }
0x5f: {  	_ =	shalt  }
0x60: {  	_ =	shalt  }
0x61: {  	_ =	shalt  }
0x62: {  	_ =	shalt  }
0x63: {  	_ =	shalt  }
0x64: {  	_ =	shalt  }
0x65: {  	_ =	shalt  }
0x66: {  	_ =	shalt  }
0x67: {  	_ =	shalt  }
0x68: {  	_ =	shalt  }
0x69: {  	_ =	shalt  }
0x6a: {  	_ =	shalt  }
0x6b: {  	_ =	shalt  }
0x6c: {  	_ =	shalt  }
0x6d: {  	_ =	shalt  }
0x6e: {  	_ =	shalt  }
0x6f: {  	_ =	shalt  }
0x70: {  	_ =	shalt  }
0x71: {  	_ =	shalt  }
0x72: {  	_ =	shalt  }
0x73: {  	_ =	shalt  }
0x74: {  	_ =	shalt  }
0x75: {  	_ =	shalt  }
0x76: {  	_ =	shalt  }
0x77: {  	_ =	shalt  }
0x78: {  	_ =	shalt  }
0x79: {  	_ =	shalt  }
0x7a: {  	_ =	shalt  }
0x7b: {  	_ =	shalt  }
0x7c: {  	_ =	shalt  }
0x7d: {  	_ =	shalt  }
0x7e: {  	_ =	shalt  }
0x7f: {  	_ =	shalt  }
0x80: {  	_ =	shalt  }
0x81: {  	_ =	shalt  }
0x82: {  	_ =	shalt  }
0x83: {  	_ =	shalt  }
0x84: {  	_ =	shalt  }
0x85: {  	_ =	shalt  }
0x86: {  	_ =	shalt  }
0x87: {  	_ =	shalt  }
.Lfunc_end0:
.L_simem_size_0:
called_computation_lowered:
.L_overlay_start_0:
0x88: {  	s2 =	sld [smem:$0x3FD9]  }
0x89: {  	s3 =	sld [smem:$0x3FFE];
	_ =	sdelay $0x1  }
0x8a: {  	s1 =	srdreg.scid  }
0x8b: {  	s0 =	sand.u32 $0x1, s1  }
0x8c: {  	s18 =	sshll.u32 s0, $0xA;
	s2 =	sadd.s32 s3, s2  }
0x8d: {  	s2 =	sadd.s32 s2, s18  }
0x8e: {  	[smem:$0x3FC6] =	sst s2  }
0x8f: {  	_ = 	snop  }
0x90: {  	s2 =	sld [smem:$0x3FC9]  }
0x91: {  	s19 =	sld [smem:$0x3FC8]  }
0x92: {  	s4 =	sld [smem:$0x3FD0];
	(tm) =	ssettm $0x1  }
0x93: {  	s5 =	sld [smem:$0x3FFB];
	_ =	sdelay $0x3  }
0x94: {  	_ =	strace s5  }
0x95: {  	s5 =	sld [smem:$0x3FFC];
	_ =	sdelay $0x3  }
0x96: {  	_ =	strace s5  }
0x97: {  	s5 =	sld [smem:$0x3FFD];
	_ =	sdelay $0x3  }
0x98: {  	_ =	strace s5  }
0x99: {  	_ =	strace $0x8FFFFFFF  }
0x9a: {  	s20 =	sld [smem:$0x3FDB];
	_ =	sdelay $0x1  }
0x9b: {  	s6 =	simm.s32 $_scs_section_size  }
0x9c: {  	s7 =	simm.s32 $_size__tile_overlayer_lowered;
	s8 =	simm.s32 $_tile_overlayer_lowered  }
0x9d: {  	s23 =	simm.s32 $0x1BFF;
	s22 =	sshll.u32 s8, $0x1;
	s5 =	sadd.s32 s6, s20  }
0x9e: {  	s9 =	simm.s32 $0x0;
	s21 =	sshll.u32 s7, $0x1;
	s7 =	sadd.s32 s22, s5  }
0x9f: {  	[timem:s9], [sflag:s23] =	dma.local [hbm:s7], s21  }
0xa0: {  	_ =	swait.ge [sflag:s23], s21  }
0xa1: {  	s6 =	ssub.s32 $0x0, s21;
	[sflag:s23] =	ssyncset.done $0x0  }
0xa2: {  	[sflag:s23] =	ssyncadd.s32 s6;
	_ =	sdelay $0x1  }
0xa3: {  	s24 =	simm.s32 $0x1B8B  }
0xa4: {  	_ =	swait.ge [sflag:s24], $0x1  }
0xa5: {  	[sflag:s24] =	ssyncset.done $0x0  }
0xa6: {  	s25 =	simm.s32 $0x1B8E;
	[sflag:s24] =	ssyncadd.s32 $0xFFFFFFFF  }
0xa7: {  	s26 =	simm.s32 $execute0_lowered;
	[smem:$0x3FD2] =	sst s25  }
0xa8: {  	s6 =	sshll.u32 s26, $0x1;
	_ =	strace $0x80000046;
	[dreg:$0x1] =	wrdreg $0xFFFFFFFF  }
0xa9: {  	s28 =	simm.s32 $_size_execute0_lowered;
	s5 =	sadd.s32 s5, s6;
	[dreg:$0x0] =	wrdreg $0x0  }
0xaa: {  	s6 =	sshll.u32 s28, $0x1;
	[dreg:$0x2] =	wrdreg s5  }
0xab: {  	[dreg:$0x3] =	wrdreg s6  }
0xac: {  	[dreg:$0x4] =	wrdreg $0xC0  }
0xad: {  	_ =	task [dreg:s9], $0x5FFFF  }
0xae: {  	[dreg:$0x1] =	wrdreg $0xFFFFFFFF  }
0xaf: {  	[dreg:$0x0] =	wrdreg $0x60  }
0xb0: {  	[dreg:$0x2] =	wrdreg s2  }
0xb1: {  	[dreg:$0x3] =	wrdreg s19  }
0xb2: {  	[dreg:$0x4] =	wrdreg s4  }
0xb3: {  	[dreg:$0x5] =	wrdreg $0x9  }
0xb4: {  	_ =	task.clear_ibuf [dreg:s9], $0x6FFFF;
	_ =	strace $0x90000046  }
0xb5: {  	s29 =	simm.s32 $0x9;
	_ =	strace $0x80000048  }
0xb6: {  	_ =	swait.ge [sflag:s29], $0x1  }
0xb7: {  	[sflag:s29] =	ssyncadd.s32 $0xFFFFFFFF  }
0xb8: {  	_ =	strace $0x90000048  }
0xb9: {  	_ =	sfence  }
0xba: {  	s30 =	sld [smem:$0x0];
	_ =	sdelay $0x2  }
0xbb: {  	s31 =	sshll.u32 s1, $0xD;
	s1 =	sshrl.u32 s1, $0x2  }
0xbc: {  	s3 =	sand.u32 $0x4000, s31;
	s1 =	sadd.s32 s1, s30  }
0xbd: {  	s0 =	sor.u32 s3, s0;
	s1 =	sshll.u32 s1, $0x11  }
0xbe: {  	s0 =	sor.u32 s1, s0  }
0xbf: {  	s0 =	sadd.s32 $0x8F2B, s0  }
0xc0: {  	[sflag:s0] =	ssyncadd.remote.s32 $0x1  }
0xc1: {  	_ =	sfence.sel $0xFFFF  }
0xc2: {  	[dreg:$0x0] =	wrdreg $0xFFFFFFFF;
	(pc) =	sbr.abs _section_cstart, $3  }
0xc3: {  	[dreg:$0x1] =	wrdreg $0xFFFFFFFF  }
0xc4: {  	_ =	task.clear_ibuf [dreg:s9], $0x2FFFF;
	_ =	strace $0x9FFFFFFF  }
0xc5: {  	(tm) =	ssettm $0x7FFFFFFF  }
tec
execute0_lowered:
.L_overlay_start_1:
0x0: {  	(tag) =	ssettag $0x1  }
0x1: {  	s1 =	rddreg [dreg:$0x0]  }
0x2: {  	s3 =	rddreg [dreg:$0x1];
	s2 =	srdreg.scid  }
0x3: {  	s0 =	stileid.u32;
	s4 =	rddreg [dreg:$0x2];
	s5 =	simm.s32 $0x0  }
0x4: {  	s15 =	simm.s32 $0x4;
	s16 =	simm.s32 $0x80;
	s17 =	simm.s32 $0x400  }
0x5: {  	s18 =	simm.s32 $0x4000;
	s6 =	sand.u32 $0x1, s2;
	s7 =	sshll.u32 s0, $0x1  }
0x6: {  	s19 =	simm.s32 $0xC000;
	s20 =	simm.s32 $0x2;
	s7 =	sor.u32 s6, s7  }
0x7: {  	s21 =	simm.s32 $0x3;
	s22 =	simm.s32 $0x0;
	s13 =	smul.u32 $0x190, s7  }
0x8: {  	s2 =	rddreg [dreg:$0x3];
	s8 =	ssub.s32 $0x2, s6;
	s11 =	smul.u32 $0x19000, s7  }
0x9: {  	[smem:$0x7FF] =	sst s5;
	s9 =	sshrl.u32 s8, $0x1;
	s12 =	smul.u32 $0x320, s7  }
0xa: {  	_ =	strace $0x80000047;
	s14 =	ssub.s32 s8, s9;
	s10 =	sadd.s32 $0x190, s13  }
0xb: {  	s6 =	sshrl.u32 s13, $0x5;
	s25 =	sshll.u32 s13, $0xB;
	s26 =	sor.u32 s11, s12  }
0xc: {  	s12 =	smax.u32 s14, $0x1;
	s13 =	sshll.u32 s13, $0xA;
	s10 =	sshrl.u32 s10, $0x5  }
0xd: {  	s14 =	simm.s32 $0x14000;
	s8 =	sand.u32 $0x10000, s25;
	s7 =	ssub.s32 s10, s6  }
0xe: {  	s9 =	sand.u32 $0x3E0380, s26;
	s31 =	sand.u32 $0x1, s6;
	s10 =	sadd.s32 $0x1, s7  }
0xf: {  	s9 =	sor.u32 s8, s9;
	s28 =	sand.u32 $0x8000, s10;
	s29 =	sand.u32 $0x1, s10  }
0x10: {  	p0 =	slt.s32 s7, $0x0;
	s11 =	sshrl.u32 s28, $0xF;
	p1 =	seq.s32 s29, $0x1  }
.Ltmp0:
0x11: {  	s10 =	sadd.s32 s11, s10;
	p0 =	por !p0, !p1;
	(pc) =	sbr.rel .LBB2_1-.Ltmp0, $4  }
0x12: {  	s11 =	simm.s32 $0x1;
	s10 =	sshll.u32 s10, $0x10;
	p0 =	por !p0, !p0  }
0x13: {  	s9 =	sshrl.u32 s9, $0x3;
	s30 =	sshra.s32 s10, $0x11;
	s11 =	simm.s32 @!p0 $0x0  }
0x14: {  	v0 =	vlaneseq.u32;
	s13 =	sand.u32 $0x8000, s13;
	s9 =	sadd.s32 s1, s9;
	s11 =	ssub.s32 s30, s11  }
0x15: {  	v1 =	vor.u32 $0x80, v0;
	v2 =	vor.u32 $0x100, v0;
	v3 =	vor.u32 $0x180, v0;
	s10 =	simm.s32 $0x1;
	p0 =	seq.s32 s31, $0x1;
	p1 =	slt.s32 s11, $0x1  }
.LBB2_11:
0x16: {  	s22 =	sadd.s32 $0x1, s22  }
0x17: {  	_ =	swait.ge [sflag:s20], $0x8000;
	p2 =	sne.s32 s22, s12  }
.Ltmp1:
0x18: {  	[sflag:s20] =	ssyncset.done $0x0;
	(pc) =	sbr.rel @!p2 .LBB2_12-.Ltmp1, $4  }
0x19: {  	[sflag:s20] =	ssyncadd.s32 $0xFFFF8000  }
0x1a: {  	_ =	swait.ge [sflag:s21], $0x8000  }
0x1b: {  	[sflag:s21] =	ssyncset.done $0x0  }
0x1c: {  	[sflag:s21] =	ssyncadd.s32 $0xFFFF8000  }
.LBB2_1:
0x1d: {  	[tilespmem:s14], [sflag:$0x4] =	stream.linear.gather [hbm4b:s3+s5], $0x800, $0x38;
	[tilespmem:$0x14800] =	vst v63  }
.Ltmp2:
0x1e: {  	_ = 	snop;
	(pc) =	sbr.rel @!p1 .LBB2_2-.Ltmp2, $4  }
.Ltmp3:
0x1f: {  	_ =	swait.ge [sflag:s15], $0x800;
	(pc) =	sbr.rel @p1 .LBB2_11-.Ltmp3, $4  }
0x20: {  	[sflag:s15] =	ssyncset.done $0x0  }
0x21: {  	s23 =	simm.s32 $0x0;
	[sflag:s15] =	ssyncadd.s32 $0xFFFFF800  }
0x22: {  	[tilespmem:s5], [sflag:$0x1] =	stream.strided.gather [hbm4b:s9+s16], $0x2000, s17, s16, $0x38;
	[tilespmem:$0x14800] =	vst v63  }
0x23: {  	_ = 	snop  }
.LBB2_10:
0x24: {  	s23 =	sadd.s32 $0x1, s23  }
0x25: {  	p2 =	slt.s32 s23, s11  }
.Ltmp4:
0x26: {  	_ = 	snop;
	(pc) =	sbr.rel @!p2 .LBB2_11-.Ltmp4, $1  }
0x27: {  	_ =	sdelay $0x3  }
.LBB2_2:
0x28: {  	s25 =	sshll.u32 s23, $0x1  }
0x29: {  	p2 =	slt.s32 s25, s7  }
.Ltmp5:
0x2a: {  	_ = 	snop;
	(pc) =	sbr.rel @!p2 .LBB2_6-.Ltmp5, $2  }
0x2b: {  	_ =	sdelay $0x2  }
0x2c: {  	s24 =	sor.u32 $0x1, s25  }
0x2d: {  	s24 =	sor.u32 $0x1, s25  }
0x2e: {  	p2 =	sge.s32 s24, s7  }
0x2f: {  	s26 =	sadd.s32 @!p2 s6, s24  }
0x30: {  	s28 =	sshll.u32 @!p2 s26, $0xD;
	s29 =	sshll.u32 @!p2 s26, $0x10  }
0x31: {  	s26 =	sshll.u32 @!p2 s26, $0x6;
	s28 =	sand.u32 @!p2 $0xFFFE0000, s28;
	s29 =	sand.u32 @!p2 $0x10000, s29  }
0x32: {  	_ =	swait.ge [sflag:s10], $0x2000;
	s26 =	sand.u32 @!p2 $0x380, s26;
	s28 =	sor.u32 @!p2 s29, s28  }
0x33: {  	[sflag:s10] =	ssyncset.done $0x0;
	s26 =	sor.u32 @!p2 s26, s28  }
0x34: {  	[sflag:s10] =	ssyncadd.s32 $0xFFFFE000;
	s30 =	simm.s32 @!p2 $0x2000;
	s26 =	sshrl.u32 @!p2 s26, $0x3  }
0x35: {  	s29 =	simm.s32 @!p2 $0x400;
	s28 =	simm.s32 @!p2 $0x80;
	s26 =	sadd.s32 @!p2 s1, s26  }
0x36: {  	[tilespmem:s30], [sflag:$0x1] =	stream.strided.gather @!p2 [hbm4b:s26+s28], $0x2000, s29, s28, $0x38;
	[tilespmem:$0x14800] =	vst v63  }
0x37: {  	p2 =	seq.s32 s23, $0x0  }
0x38: {  	s26 =	simm.s32 @!p2 $0x2  }
0x39: {  	_ =	swait.ge @!p2 [sflag:s26], $0x8000  }
0x3a: {  	[sflag:s26] =	ssyncset.done @!p2 $0x0  }
0x3b: {  	s31 =	simm.s32 $0x0;
	[sflag:s26] =	ssyncadd.s32 @!p2 $0xFFFF8000  }
0x3c: {  	v4 =	vld [tilespmem:s31+$0x70]  }
0x3d: {  	v5 =	vld [tilespmem:s31+$0x0]  }
0x3e: {  	v7 =	vld [tilespmem:s31+$0x50]  }
0x3f: {  	v8 =	vld [tilespmem:s31+$0x20]  }
0x40: {  	v9 =	vld [tilespmem:s31+$0x10]  }
0x41: {  	v11 =	vld [tilespmem:s31+$0x40]  }
0x42: {  	v12 =	vld [tilespmem:s31+$0x30];
	v4 =	vshll.u32 v4, $0x9  }
0x43: {  	v14 =	vld [tilespmem:s31+$0x60];
	v6 =	vshll.u32 v5, $0x9;
	v13 =	vor.u32 v0, v4  }
0x44: {  	v5 =	vshll.u32 v7, $0x9;
	v15 =	vor.u32 v0, v6  }
0x45: {  	v7 =	vshll.u32 v8, $0x9;
	v16 =	vor.u32 v0, v5  }
0x46: {  	v10 =	vshll.u32 v9, $0x9;
	v17 =	vor.u32 v0, v7  }
0x47: {  	v8 =	vshll.u32 v11, $0x9;
	v18 =	vor.u32 v0, v10  }
0x48: {  	v11 =	vshll.u32 v12, $0x9;
	v9 =	vshll.u32 v14, $0x9;
	v12 =	vor.u32 v0, v8;
	v13 =	vld.idx.msk [tilespmem:v13+s14+$0x0], $0xffff  }
0x49: {  	v19 =	vor.u32 v0, v9;
	v14 =	vld.idx.msk [tilespmem:v15+s14+$0x0], $0xffff  }
0x4a: {  	v15 =	vor.u32 v0, v11;
	v16 =	vld.idx.msk [tilespmem:v16+s14+$0x0], $0xffff  }
0x4b: {  	v17 =	vld.idx.msk [tilespmem:v17+s14+$0x0], $0xffff  }
0x4c: {  	v18 =	vld.idx.msk [tilespmem:v18+s14+$0x0], $0xffff  }
0x4d: {  	v12 =	vld.idx.msk [tilespmem:v12+s14+$0x0], $0xffff  }
0x4e: {  	s26 =	simm.s32 $0x4100;
	v19 =	vld.idx.msk [tilespmem:v19+s14+$0x0], $0xffff  }
0x4f: {  	v15 =	vld.idx.msk [tilespmem:v15+s14+$0x0], $0xffff;
	[tilespmem:s26+$0xFFFFFF70] =	vst v13  }
0x50: {  	[tilespmem:s26+$0xFFFFFF00] =	vst v14  }
0x51: {  	[tilespmem:s26+$0xFFFFFF10] =	vst v18  }
0x52: {  	[tilespmem:s26+$0xFFFFFF40] =	vst v12;
	v12 =	vor.u32 v1, v8  }
0x53: {  	[tilespmem:s26+$0xFFFFFF50] =	vst v16;
	v13 =	vor.u32 v1, v4  }
0x54: {  	[tilespmem:s26+$0xFFFFFF60] =	vst v19;
	v16 =	vor.u32 v1, v10  }
0x55: {  	[tilespmem:s26+$0xFFFFFF20] =	vst v17;
	v17 =	vor.u32 v1, v7  }
0x56: {  	v18 =	vor.u32 v1, v6;
	[tilespmem:s26+$0xFFFFFF30] =	vst v15  }
0x57: {  	v15 =	vor.u32 v1, v11;
	v14 =	vld.idx.msk [tilespmem:v12+s14+$0x0], $0xffff  }
0x58: {  	v19 =	vor.u32 v1, v5;
	v12 =	vld.idx.msk [tilespmem:v13+s14+$0x0], $0xffff  }
0x59: {  	v21 =	vor.u32 v1, v9;
	v20 =	vld.idx.msk [tilespmem:v16+s14+$0x0], $0xffff  }
0x5a: {  	v13 =	vld.idx.msk [tilespmem:v17+s14+$0x0], $0xffff  }
0x5b: {  	v18 =	vld.idx.msk [tilespmem:v18+s14+$0x0], $0xffff  }
0x5c: {  	v17 =	vld.idx.msk [tilespmem:v15+s14+$0x0], $0xffff  }
0x5d: {  	v16 =	vld.idx.msk [tilespmem:v19+s14+$0x0], $0xffff  }
0x5e: {  	s30 =	simm.s32 $0x200;
	s28 =	simm.s32 $0x4100;
	v15 =	vld.idx.msk [tilespmem:v21+s14+$0x0], $0xffff;
	[tilespmem:s26+$0xFFFFFF90] =	vst v20  }
.LBB2_4:
0x5f: {  	s29 =	smov.u32 s30  }
0x60: {  	s31 =	sshra.s32 s30, $0x2;
	[tilespmem:s26+$0xFFFFFFC0] =	vst v14;
	s28 =	sadd.s32 $0x200, s28;
	s29 =	sadd.s32 $0x200, s30  }
0x61: {  	p2 =	sne.s32 s30, $0x7E00;
	v14 =	vld [tilespmem:s31+$0x70];
	[tilespmem:s26+$0xFFFFFFB0] =	vst v17  }
0x62: {  	v17 =	vld [tilespmem:s31+$0x0];
	[tilespmem:s26+$0xFFFFFF80] =	vst v18;
	v18 =	vor.u32 v2, v6  }
0x63: {  	v19 =	vld [tilespmem:s31+$0x10];
	[tilespmem:s26+$0xFFFFFFD0] =	vst v16  }
0x64: {  	v16 =	vld [tilespmem:s31+$0x50];
	[tilespmem:s26+$0xFFFFFFE0] =	vst v15  }
0x65: {  	v15 =	vld [tilespmem:s31+$0x40];
	[tilespmem:s26+$0xFFFFFFF0] =	vst v12;
	v12 =	vor.u32 v2, v10  }
0x66: {  	v20 =	vld [tilespmem:s31+$0x20];
	[tilespmem:s26+$0xFFFFFFA0] =	vst v13;
	v13 =	vor.u32 v2, v7  }
0x67: {  	v21 =	vor.u32 v2, v11;
	v18 =	vld.idx.msk [tilespmem:v18+s14+$0x0], $0xffff  }
0x68: {  	v23 =	vor.u32 v2, v8;
	v22 =	vld [tilespmem:s31+$0x30]  }
0x69: {  	v25 =	vor.u32 v2, v5;
	v24 =	vld [tilespmem:s31+$0x60]  }
0x6a: {  	v26 =	vor.u32 v2, v9;
	v27 =	vor.u32 v2, v4;
	v12 =	vld.idx.msk [tilespmem:v12+s14+$0x0], $0xffff  }
0x6b: {  	v14 =	vshll.u32 v14, $0x9;
	v19 =	vshll.u32 v19, $0x9;
	v15 =	vshll.u32 v15, $0x9;
	v13 =	vld.idx.msk [tilespmem:v13+s14+$0x0], $0xffff  }
0x6c: {  	v17 =	vshll.u32 v17, $0x9;
	v28 =	vor.u32 v0, v19;
	v20 =	vshll.u32 v20, $0x9;
	v21 =	vld.idx.msk [tilespmem:v21+s14+$0x0], $0xffff  }
0x6d: {  	v30 =	vor.u32 v0, v14;
	v29 =	vor.u32 v0, v17;
	v16 =	vshll.u32 v16, $0x9;
	v23 =	vld.idx.msk [tilespmem:v23+s14+$0x0], $0xffff  }
0x6e: {  	v31 =	vor.u32 v0, v16;
	v22 =	vshll.u32 v22, $0x9;
	v24 =	vshll.u32 v24, $0x9;
	v25 =	vld.idx.msk [tilespmem:v25+s14+$0x0], $0xffff  }
0x6f: {  	v33 =	vor.u32 v0, v15;
	v32 =	vor.u32 v0, v20;
	v34 =	vor.u32 v0, v24;
	v26 =	vld.idx.msk [tilespmem:v26+s14+$0x0], $0xffff  }
0x70: {  	v27 =	vld.idx.msk [tilespmem:v27+s14+$0x0], $0xffff  }
0x71: {  	[tilespmem:s26+$0x20] =	vst v13  }
0x72: {  	v13 =	vld.idx.msk [tilespmem:v30+s14+$0x0], $0xffff;
	[tilespmem:s26+$0x10] =	vst v12  }
0x73: {  	v12 =	vld.idx.msk [tilespmem:v29+s14+$0x0], $0xffff;
	[tilespmem:s26+$0x40] =	vst v23  }
0x74: {  	v23 =	vor.u32 v0, v22;
	v29 =	vld.idx.msk [tilespmem:v31+s14+$0x0], $0xffff;
	[tilespmem:s26+$0x50] =	vst v25  }
0x75: {  	[tilespmem:s26+$0x60] =	vst v26  }
0x76: {  	v25 =	vld.idx.msk [tilespmem:v32+s14+$0x0], $0xffff;
	[tilespmem:s26+$0x30] =	vst v21;
	v21 =	vor.u32 v3, v6;
	v6 =	vmov v17  }
0x77: {  	v17 =	vld.idx.msk [tilespmem:v28+s14+$0x0], $0xffff;
	[tilespmem:s26+$0x0] =	vst v18;
	v18 =	vor.u32 v3, v10;
	v10 =	vmov v19  }
0x78: {  	v26 =	vor.u32 v3, v7;
	v7 =	vmov v20;
	v19 =	vld.idx.msk [tilespmem:v33+s14+$0x0], $0xffff;
	[tilespmem:s26+$0x70] =	vst v27  }
0x79: {  	v20 =	vld.idx.msk [tilespmem:v23+s14+$0x0], $0xffff;
	v23 =	vor.u32 v3, v11;
	v11 =	vmov v22  }
0x7a: {  	v27 =	vor.u32 v3, v8;
	v8 =	vmov v15;
	v22 =	vld.idx.msk [tilespmem:v34+s14+$0x0], $0xffff  }
0x7b: {  	[tilespmem:s28+$0xFFFFFF70] =	vst v13;
	v15 =	vld.idx.msk [tilespmem:v21+s14+$0x0], $0xffff;
	v13 =	vor.u32 v3, v5;
	v5 =	vmov v16  }
0x7c: {  	[tilespmem:s28+$0xFFFFFF00] =	vst v12;
	v16 =	vld.idx.msk [tilespmem:v18+s14+$0x0], $0xffff;
	v12 =	vor.u32 v3, v9;
	v9 =	vmov v24  }
0x7d: {  	v18 =	vor.u32 v3, v4;
	v4 =	vmov v14;
	[tilespmem:s28+$0xFFFFFF10] =	vst v17;
	v17 =	vld.idx.msk [tilespmem:v26+s14+$0x0], $0xffff  }
0x7e: {  	v14 =	vor.u32 v1, v8;
	[tilespmem:s28+$0xFFFFFF40] =	vst v19;
	v19 =	vld.idx.msk [tilespmem:v23+s14+$0x0], $0xffff  }
0x7f: {  	v21 =	vor.u32 v1, v6;
	v23 =	vor.u32 v1, v4;
	[tilespmem:s28+$0xFFFFFF50] =	vst v29;
	v24 =	vld.idx.msk [tilespmem:v27+s14+$0x0], $0xffff  }
0x80: {  	[tilespmem:s28+$0xFFFFFF60] =	vst v22;
	v22 =	vor.u32 v1, v10;
	v26 =	vld.idx.msk [tilespmem:v13+s14+$0x0], $0xffff  }
0x81: {  	v13 =	vor.u32 v1, v7;
	[tilespmem:s28+$0xFFFFFF20] =	vst v25;
	v25 =	vld.idx.msk [tilespmem:v12+s14+$0x0], $0xffff  }
0x82: {  	[tilespmem:s28+$0xFFFFFF30] =	vst v20;
	v20 =	vor.u32 v1, v11;
	v27 =	vld.idx.msk [tilespmem:v18+s14+$0x0], $0xffff  }
0x83: {  	v14 =	vld.idx.msk [tilespmem:v14+s14+$0x0], $0xffff;
	[tilespmem:s26+$0xA0] =	vst v17  }
0x84: {  	v28 =	vor.u32 v1, v5;
	v12 =	vld.idx.msk [tilespmem:v23+s14+$0x0], $0xffff;
	[tilespmem:s26+$0xB0] =	vst v19  }
0x85: {  	v19 =	vld.idx.msk [tilespmem:v22+s14+$0x0], $0xffff;
	v22 =	vor.u32 v1, v9;
	[tilespmem:s26+$0xC0] =	vst v24  }
0x86: {  	v13 =	vld.idx.msk [tilespmem:v13+s14+$0x0], $0xffff;
	[tilespmem:s26+$0xD0] =	vst v26  }
.Ltmp6:
0x87: {  	v17 =	vld.idx.msk [tilespmem:v20+s14+$0x0], $0xffff;
	[tilespmem:s26+$0x80] =	vst v15;
	(pc) =	sbr.rel @p2 .LBB2_4-.Ltmp6, $4  }
0x88: {  	v18 =	vld.idx.msk [tilespmem:v21+s14+$0x0], $0xffff;
	[tilespmem:s26+$0x90] =	vst v16  }
0x89: {  	v16 =	vld.idx.msk [tilespmem:v28+s14+$0x0], $0xffff;
	[tilespmem:s26+$0xE0] =	vst v25  }
0x8a: {  	v15 =	vld.idx.msk [tilespmem:v22+s14+$0x0], $0xffff;
	[tilespmem:s26+$0xF0] =	vst v27;
	s26 =	smov.u32 s28  }
0x8b: {  	s30 =	smov.u32 s29;
	[tilespmem:s28+$0xFFFFFF90] =	vst v19  }
0x8c: {  	[tilespmem:s26+$0xFFFFFFC0] =	vst v14  }
0x8d: {  	[tilespmem:s26+$0xFFFFFFB0] =	vst v17  }
0x8e: {  	v51 =	vor.u32 v2, v6;
	[tilespmem:s26+$0xFFFFFFF0] =	vst v12  }
0x8f: {  	v52 =	vor.u32 v2, v10;
	[tilespmem:s26+$0xFFFFFFA0] =	vst v13  }
0x90: {  	v53 =	vor.u32 v2, v7;
	[tilespmem:s26+$0xFFFFFF80] =	vst v18  }
0x91: {  	v54 =	vor.u32 v2, v11;
	[tilespmem:s26+$0xFFFFFFD0] =	vst v16  }
0x92: {  	v55 =	vor.u32 v2, v8;
	[tilespmem:s26+$0xFFFFFFE0] =	vst v15  }
0x93: {  	v56 =	vor.u32 v2, v5;
	v14 =	vld.idx.msk [tilespmem:v51+s14+$0x0], $0xffff  }
0x94: {  	v57 =	vor.u32 v2, v9;
	v16 =	vld.idx.msk [tilespmem:v52+s14+$0x0], $0xffff  }
0x95: {  	v19 =	vor.u32 v2, v4;
	v15 =	vld.idx.msk [tilespmem:v53+s14+$0x0], $0xffff  }
0x96: {  	v12 =	vld.idx.msk [tilespmem:v54+s14+$0x0], $0xffff  }
0x97: {  	v13 =	vld.idx.msk [tilespmem:v55+s14+$0x0], $0xffff  }
0x98: {  	v17 =	vld.idx.msk [tilespmem:v56+s14+$0x0], $0xffff  }
0x99: {  	v18 =	vld.idx.msk [tilespmem:v57+s14+$0x0], $0xffff  }
0x9a: {  	v19 =	vld.idx.msk [tilespmem:v19+s14+$0x0], $0xffff;
	[tilespmem:s26+$0x20] =	vst v15  }
0x9b: {  	[tilespmem:s26+$0x10] =	vst v16  }
0x9c: {  	[tilespmem:s26+$0x40] =	vst v13  }
0x9d: {  	v58 =	vor.u32 v3, v6;
	[tilespmem:s26+$0x50] =	vst v17  }
0x9e: {  	v59 =	vor.u32 v3, v10;
	[tilespmem:s26+$0x60] =	vst v18  }
0x9f: {  	v60 =	vor.u32 v3, v7;
	[tilespmem:s26+$0x30] =	vst v12  }
0xa0: {  	v61 =	vor.u32 v3, v11;
	[tilespmem:s26+$0x0] =	vst v14  }
0xa1: {  	v62 =	vor.u32 v3, v8;
	[tilespmem:s26+$0x70] =	vst v19  }
0xa2: {  	v5 =	vor.u32 v3, v5;
	v6 =	vld.idx.msk [tilespmem:v58+s14+$0x0], $0xffff  }
0xa3: {  	v63 =	vor.u32 v3, v9;
	v10 =	vld.idx.msk [tilespmem:v59+s14+$0x0], $0xffff  }
0xa4: {  	v4 =	vor.u32 v3, v4;
	v7 =	vld.idx.msk [tilespmem:v60+s14+$0x0], $0xffff  }
0xa5: {  	v11 =	vld.idx.msk [tilespmem:v61+s14+$0x0], $0xffff  }
0xa6: {  	v8 =	vld.idx.msk [tilespmem:v62+s14+$0x0], $0xffff  }
0xa7: {  	s28 =	sadd.s32 s6, s25;
	v5 =	vld.idx.msk [tilespmem:v5+s14+$0x0], $0xffff  }
0xa8: {  	p2 =	seq.s32 s28, $0x0;
	v9 =	vld.idx.msk [tilespmem:v63+s14+$0x0], $0xffff  }
0xa9: {  	p2 =	por !p2, !p0;
	v4 =	vld.idx.msk [tilespmem:v4+s14+$0x0], $0xffff;
	[tilespmem:s26+$0xA0] =	vst v7  }
0xaa: {  	s29 =	simm.s32 $0x1;
	p2 =	por !p2, !p2;
	[tilespmem:s26+$0xB0] =	vst v11  }
0xab: {  	s28 =	sshrl.u32 s28, $0x1;
	s29 =	simm.s32 @!p2 $0x0;
	[tilespmem:s26+$0xC0] =	vst v8  }
0xac: {  	s28 =	ssub.s32 s28, s29;
	[tilespmem:s26+$0xD0] =	vst v5  }
0xad: {  	s28 =	sshll.u32 s28, $0x10;
	[tilespmem:s26+$0x80] =	vst v6  }
0xae: {  	s28 =	sor.u32 s13, s28;
	[tilespmem:s26+$0x90] =	vst v10  }
0xaf: {  	s28 =	sshrl.u32 s28, $0x3;
	[tilespmem:s26+$0xE0] =	vst v9  }
0xb0: {  	s31 =	sadd.s32 s4, s28;
	[tilespmem:s26+$0xF0] =	vst v4  }
0xb1: {  	[hbm4b:s31+s5] =	stream.linear.scatter [tilespmem:s18], [sflag:$0x2], $0x8000, $0x38;
	[tilespmem:$0x14800] =	vst v63  }
.LBB2_6:
0xb2: {  	p2 =	sge.s32 s24, s7  }
.Ltmp7:
0xb3: {  	_ = 	snop;
	(pc) =	sbr.rel @p2 .LBB2_10-.Ltmp7, $1  }
0xb4: {  	_ =	sdelay $0x3  }
0xb5: {  	s25 =	sadd.s32 $0x2, s25  }
0xb6: {  	p2 =	sge.s32 s25, s7  }
0xb7: {  	s25 =	sadd.s32 @!p2 s6, s25  }
0xb8: {  	s26 =	sshll.u32 @!p2 s25, $0xD;
	s25 =	sshll.u32 @!p2 s25, $0x6  }
0xb9: {  	s26 =	sand.u32 @!p2 $0xFFFE0000, s26;
	s25 =	sand.u32 @!p2 $0x380, s25  }
0xba: {  	_ =	swait.ge [sflag:s10], $0x2000;
	s25 =	sor.u32 @!p2 s25, s26  }
0xbb: {  	[sflag:s10] =	ssyncset.done $0x0;
	s25 =	sor.u32 @!p2 s8, s25  }
0xbc: {  	[sflag:s10] =	ssyncadd.s32 $0xFFFFE000;
	s28 =	simm.s32 @!p2 $0x400;
	s25 =	sshrl.u32 @!p2 s25, $0x3  }
0xbd: {  	s29 =	simm.s32 @!p2 $0x0;
	s26 =	simm.s32 @!p2 $0x80;
	s25 =	sadd.s32 @!p2 s1, s25  }
0xbe: {  	[tilespmem:s29], [sflag:$0x1] =	stream.strided.gather @!p2 [hbm4b:s25+s26], $0x2000, s28, s26, $0x38;
	[tilespmem:$0x14800] =	vst v63  }
0xbf: {  	p2 =	seq.s32 s23, $0x0  }
0xc0: {  	s25 =	simm.s32 @!p2 $0x3  }
0xc1: {  	_ =	swait.ge @!p2 [sflag:s25], $0x8000  }
0xc2: {  	[sflag:s25] =	ssyncset.done @!p2 $0x0  }
0xc3: {  	s31 =	simm.s32 $0x0;
	[sflag:s25] =	ssyncadd.s32 @!p2 $0xFFFF8000  }
0xc4: {  	v4 =	vld [tilespmem:s31+$0x2070]  }
0xc5: {  	v5 =	vld [tilespmem:s31+$0x2000]  }
0xc6: {  	v7 =	vld [tilespmem:s31+$0x2050]  }
0xc7: {  	v8 =	vld [tilespmem:s31+$0x2020]  }
0xc8: {  	v9 =	vld [tilespmem:s31+$0x2010]  }
0xc9: {  	v11 =	vld [tilespmem:s31+$0x2040]  }
0xca: {  	v12 =	vld [tilespmem:s31+$0x2030];
	v4 =	vshll.u32 v4, $0x9  }
0xcb: {  	v14 =	vld [tilespmem:s31+$0x2060];
	v6 =	vshll.u32 v5, $0x9;
	v13 =	vor.u32 v0, v4  }
0xcc: {  	v5 =	vshll.u32 v7, $0x9;
	v15 =	vor.u32 v0, v6  }
0xcd: {  	v7 =	vshll.u32 v8, $0x9;
	v16 =	vor.u32 v0, v5  }
0xce: {  	v10 =	vshll.u32 v9, $0x9;
	v17 =	vor.u32 v0, v7  }
0xcf: {  	v8 =	vshll.u32 v11, $0x9;
	v18 =	vor.u32 v0, v10  }
0xd0: {  	v11 =	vshll.u32 v12, $0x9;
	v9 =	vshll.u32 v14, $0x9;
	v12 =	vor.u32 v0, v8;
	v13 =	vld.idx.msk [tilespmem:v13+s14+$0x0], $0xffff  }
0xd1: {  	v19 =	vor.u32 v0, v9;
	v14 =	vld.idx.msk [tilespmem:v15+s14+$0x0], $0xffff  }
0xd2: {  	v15 =	vor.u32 v0, v11;
	v16 =	vld.idx.msk [tilespmem:v16+s14+$0x0], $0xffff  }
0xd3: {  	v17 =	vld.idx.msk [tilespmem:v17+s14+$0x0], $0xffff  }
0xd4: {  	v18 =	vld.idx.msk [tilespmem:v18+s14+$0x0], $0xffff  }
0xd5: {  	v12 =	vld.idx.msk [tilespmem:v12+s14+$0x0], $0xffff  }
0xd6: {  	s25 =	simm.s32 $0xC100;
	v19 =	vld.idx.msk [tilespmem:v19+s14+$0x0], $0xffff  }
0xd7: {  	v15 =	vld.idx.msk [tilespmem:v15+s14+$0x0], $0xffff;
	[tilespmem:s25+$0xFFFFFF70] =	vst v13  }
0xd8: {  	[tilespmem:s25+$0xFFFFFF00] =	vst v14  }
0xd9: {  	[tilespmem:s25+$0xFFFFFF10] =	vst v18  }
0xda: {  	[tilespmem:s25+$0xFFFFFF40] =	vst v12;
	v12 =	vor.u32 v1, v8  }
0xdb: {  	[tilespmem:s25+$0xFFFFFF50] =	vst v16;
	v13 =	vor.u32 v1, v4  }
0xdc: {  	[tilespmem:s25+$0xFFFFFF60] =	vst v19;
	v16 =	vor.u32 v1, v10  }
0xdd: {  	[tilespmem:s25+$0xFFFFFF20] =	vst v17;
	v17 =	vor.u32 v1, v7  }
0xde: {  	v18 =	vor.u32 v1, v6;
	[tilespmem:s25+$0xFFFFFF30] =	vst v15  }
0xdf: {  	v15 =	vor.u32 v1, v11;
	v14 =	vld.idx.msk [tilespmem:v12+s14+$0x0], $0xffff  }
0xe0: {  	v19 =	vor.u32 v1, v5;
	v12 =	vld.idx.msk [tilespmem:v13+s14+$0x0], $0xffff  }
0xe1: {  	v21 =	vor.u32 v1, v9;
	v20 =	vld.idx.msk [tilespmem:v16+s14+$0x0], $0xffff  }
0xe2: {  	v13 =	vld.idx.msk [tilespmem:v17+s14+$0x0], $0xffff  }
0xe3: {  	v18 =	vld.idx.msk [tilespmem:v18+s14+$0x0], $0xffff  }
0xe4: {  	v17 =	vld.idx.msk [tilespmem:v15+s14+$0x0], $0xffff  }
0xe5: {  	v16 =	vld.idx.msk [tilespmem:v19+s14+$0x0], $0xffff  }
0xe6: {  	s29 =	simm.s32 $0x200;
	s26 =	simm.s32 $0xC100;
	v15 =	vld.idx.msk [tilespmem:v21+s14+$0x0], $0xffff;
	[tilespmem:s25+$0xFFFFFF90] =	vst v20  }
.LBB2_8:
0xe7: {  	s28 =	smov.u32 s29  }
0xe8: {  	s30 =	sshra.s32 s29, $0x2;
	[tilespmem:s25+$0xFFFFFFC0] =	vst v14;
	s26 =	sadd.s32 $0x200, s26;
	s28 =	sadd.s32 $0x200, s29  }
0xe9: {  	p2 =	sne.s32 s29, $0x7E00;
	v14 =	vld [tilespmem:s30+$0x2070];
	[tilespmem:s25+$0xFFFFFFB0] =	vst v17  }
0xea: {  	v17 =	vld [tilespmem:s30+$0x2000];
	[tilespmem:s25+$0xFFFFFF80] =	vst v18;
	v18 =	vor.u32 v2, v6  }
0xeb: {  	v19 =	vld [tilespmem:s30+$0x2010];
	[tilespmem:s25+$0xFFFFFFD0] =	vst v16  }
0xec: {  	v16 =	vld [tilespmem:s30+$0x2050];
	[tilespmem:s25+$0xFFFFFFE0] =	vst v15  }
0xed: {  	v15 =	vld [tilespmem:s30+$0x2040];
	[tilespmem:s25+$0xFFFFFFF0] =	vst v12;
	v12 =	vor.u32 v2, v10  }
0xee: {  	v20 =	vld [tilespmem:s30+$0x2020];
	[tilespmem:s25+$0xFFFFFFA0] =	vst v13;
	v13 =	vor.u32 v2, v7  }
0xef: {  	v21 =	vor.u32 v2, v11;
	v18 =	vld.idx.msk [tilespmem:v18+s14+$0x0], $0xffff  }
0xf0: {  	v23 =	vor.u32 v2, v8;
	v22 =	vld [tilespmem:s30+$0x2030]  }
0xf1: {  	v25 =	vor.u32 v2, v5;
	v24 =	vld [tilespmem:s30+$0x2060]  }
0xf2: {  	v26 =	vor.u32 v2, v9;
	v27 =	vor.u32 v2, v4;
	v12 =	vld.idx.msk [tilespmem:v12+s14+$0x0], $0xffff  }
0xf3: {  	v14 =	vshll.u32 v14, $0x9;
	v19 =	vshll.u32 v19, $0x9;
	v15 =	vshll.u32 v15, $0x9;
	v13 =	vld.idx.msk [tilespmem:v13+s14+$0x0], $0xffff  }
0xf4: {  	v17 =	vshll.u32 v17, $0x9;
	v28 =	vor.u32 v0, v19;
	v20 =	vshll.u32 v20, $0x9;
	v21 =	vld.idx.msk [tilespmem:v21+s14+$0x0], $0xffff  }
0xf5: {  	v30 =	vor.u32 v0, v14;
	v29 =	vor.u32 v0, v17;
	v16 =	vshll.u32 v16, $0x9;
	v23 =	vld.idx.msk [tilespmem:v23+s14+$0x0], $0xffff  }
0xf6: {  	v31 =	vor.u32 v0, v16;
	v22 =	vshll.u32 v22, $0x9;
	v24 =	vshll.u32 v24, $0x9;
	v25 =	vld.idx.msk [tilespmem:v25+s14+$0x0], $0xffff  }
0xf7: {  	v33 =	vor.u32 v0, v15;
	v32 =	vor.u32 v0, v20;
	v34 =	vor.u32 v0, v24;
	v26 =	vld.idx.msk [tilespmem:v26+s14+$0x0], $0xffff  }
0xf8: {  	v27 =	vld.idx.msk [tilespmem:v27+s14+$0x0], $0xffff  }
0xf9: {  	[tilespmem:s25+$0x20] =	vst v13  }
0xfa: {  	v13 =	vld.idx.msk [tilespmem:v30+s14+$0x0], $0xffff;
	[tilespmem:s25+$0x10] =	vst v12  }
0xfb: {  	v12 =	vld.idx.msk [tilespmem:v29+s14+$0x0], $0xffff;
	[tilespmem:s25+$0x40] =	vst v23  }
0xfc: {  	v23 =	vor.u32 v0, v22;
	v29 =	vld.idx.msk [tilespmem:v31+s14+$0x0], $0xffff;
	[tilespmem:s25+$0x50] =	vst v25  }
0xfd: {  	[tilespmem:s25+$0x60] =	vst v26  }
0xfe: {  	v25 =	vld.idx.msk [tilespmem:v32+s14+$0x0], $0xffff;
	[tilespmem:s25+$0x30] =	vst v21;
	v21 =	vor.u32 v3, v6;
	v6 =	vmov v17  }
0xff: {  	v17 =	vld.idx.msk [tilespmem:v28+s14+$0x0], $0xffff;
	[tilespmem:s25+$0x0] =	vst v18;
	v18 =	vor.u32 v3, v10;
	v10 =	vmov v19  }
0x100: {  	v26 =	vor.u32 v3, v7;
	v7 =	vmov v20;
	v19 =	vld.idx.msk [tilespmem:v33+s14+$0x0], $0xffff;
	[tilespmem:s25+$0x70] =	vst v27  }
0x101: {  	v20 =	vld.idx.msk [tilespmem:v23+s14+$0x0], $0xffff;
	v23 =	vor.u32 v3, v11;
	v11 =	vmov v22  }
0x102: {  	v27 =	vor.u32 v3, v8;
	v8 =	vmov v15;
	v22 =	vld.idx.msk [tilespmem:v34+s14+$0x0], $0xffff  }
0x103: {  	[tilespmem:s26+$0xFFFFFF70] =	vst v13;
	v15 =	vld.idx.msk [tilespmem:v21+s14+$0x0], $0xffff;
	v13 =	vor.u32 v3, v5;
	v5 =	vmov v16  }
0x104: {  	[tilespmem:s26+$0xFFFFFF00] =	vst v12;
	v16 =	vld.idx.msk [tilespmem:v18+s14+$0x0], $0xffff;
	v12 =	vor.u32 v3, v9;
	v9 =	vmov v24  }
0x105: {  	v18 =	vor.u32 v3, v4;
	v4 =	vmov v14;
	[tilespmem:s26+$0xFFFFFF10] =	vst v17;
	v17 =	vld.idx.msk [tilespmem:v26+s14+$0x0], $0xffff  }
0x106: {  	v14 =	vor.u32 v1, v8;
	[tilespmem:s26+$0xFFFFFF40] =	vst v19;
	v19 =	vld.idx.msk [tilespmem:v23+s14+$0x0], $0xffff  }
0x107: {  	v21 =	vor.u32 v1, v6;
	v23 =	vor.u32 v1, v4;
	[tilespmem:s26+$0xFFFFFF50] =	vst v29;
	v24 =	vld.idx.msk [tilespmem:v27+s14+$0x0], $0xffff  }
0x108: {  	[tilespmem:s26+$0xFFFFFF60] =	vst v22;
	v22 =	vor.u32 v1, v10;
	v26 =	vld.idx.msk [tilespmem:v13+s14+$0x0], $0xffff  }
0x109: {  	v13 =	vor.u32 v1, v7;
	[tilespmem:s26+$0xFFFFFF20] =	vst v25;
	v25 =	vld.idx.msk [tilespmem:v12+s14+$0x0], $0xffff  }
0x10a: {  	[tilespmem:s26+$0xFFFFFF30] =	vst v20;
	v20 =	vor.u32 v1, v11;
	v27 =	vld.idx.msk [tilespmem:v18+s14+$0x0], $0xffff  }
0x10b: {  	v14 =	vld.idx.msk [tilespmem:v14+s14+$0x0], $0xffff;
	[tilespmem:s25+$0xA0] =	vst v17  }
0x10c: {  	v28 =	vor.u32 v1, v5;
	v12 =	vld.idx.msk [tilespmem:v23+s14+$0x0], $0xffff;
	[tilespmem:s25+$0xB0] =	vst v19  }
0x10d: {  	v19 =	vld.idx.msk [tilespmem:v22+s14+$0x0], $0xffff;
	v22 =	vor.u32 v1, v9;
	[tilespmem:s25+$0xC0] =	vst v24  }
0x10e: {  	v13 =	vld.idx.msk [tilespmem:v13+s14+$0x0], $0xffff;
	[tilespmem:s25+$0xD0] =	vst v26  }
.Ltmp8:
0x10f: {  	v17 =	vld.idx.msk [tilespmem:v20+s14+$0x0], $0xffff;
	[tilespmem:s25+$0x80] =	vst v15;
	(pc) =	sbr.rel @p2 .LBB2_8-.Ltmp8, $4  }
0x110: {  	v18 =	vld.idx.msk [tilespmem:v21+s14+$0x0], $0xffff;
	[tilespmem:s25+$0x90] =	vst v16  }
0x111: {  	v16 =	vld.idx.msk [tilespmem:v28+s14+$0x0], $0xffff;
	[tilespmem:s25+$0xE0] =	vst v25  }
0x112: {  	v15 =	vld.idx.msk [tilespmem:v22+s14+$0x0], $0xffff;
	[tilespmem:s25+$0xF0] =	vst v27;
	s25 =	smov.u32 s26  }
0x113: {  	s29 =	smov.u32 s28;
	[tilespmem:s26+$0xFFFFFF90] =	vst v19  }
0x114: {  	[tilespmem:s25+$0xFFFFFFC0] =	vst v14  }
0x115: {  	[tilespmem:s25+$0xFFFFFFB0] =	vst v17  }
0x116: {  	v51 =	vor.u32 v2, v6;
	[tilespmem:s25+$0xFFFFFFF0] =	vst v12  }
0x117: {  	v52 =	vor.u32 v2, v10;
	[tilespmem:s25+$0xFFFFFFA0] =	vst v13  }
0x118: {  	v53 =	vor.u32 v2, v7;
	[tilespmem:s25+$0xFFFFFF80] =	vst v18  }
0x119: {  	v54 =	vor.u32 v2, v11;
	[tilespmem:s25+$0xFFFFFFD0] =	vst v16  }
0x11a: {  	v55 =	vor.u32 v2, v8;
	[tilespmem:s25+$0xFFFFFFE0] =	vst v15  }
0x11b: {  	v56 =	vor.u32 v2, v5;
	v14 =	vld.idx.msk [tilespmem:v51+s14+$0x0], $0xffff  }
0x11c: {  	v57 =	vor.u32 v2, v9;
	v16 =	vld.idx.msk [tilespmem:v52+s14+$0x0], $0xffff  }
0x11d: {  	v19 =	vor.u32 v2, v4;
	v15 =	vld.idx.msk [tilespmem:v53+s14+$0x0], $0xffff  }
0x11e: {  	v12 =	vld.idx.msk [tilespmem:v54+s14+$0x0], $0xffff  }
0x11f: {  	v13 =	vld.idx.msk [tilespmem:v55+s14+$0x0], $0xffff  }
0x120: {  	v17 =	vld.idx.msk [tilespmem:v56+s14+$0x0], $0xffff  }
0x121: {  	v18 =	vld.idx.msk [tilespmem:v57+s14+$0x0], $0xffff  }
0x122: {  	v19 =	vld.idx.msk [tilespmem:v19+s14+$0x0], $0xffff;
	[tilespmem:s25+$0x20] =	vst v15  }
0x123: {  	[tilespmem:s25+$0x10] =	vst v16  }
0x124: {  	[tilespmem:s25+$0x40] =	vst v13  }
0x125: {  	v58 =	vor.u32 v3, v6;
	[tilespmem:s25+$0x50] =	vst v17  }
0x126: {  	v59 =	vor.u32 v3, v10;
	[tilespmem:s25+$0x60] =	vst v18  }
0x127: {  	v60 =	vor.u32 v3, v7;
	[tilespmem:s25+$0x30] =	vst v12  }
0x128: {  	v61 =	vor.u32 v3, v11;
	[tilespmem:s25+$0x0] =	vst v14  }
0x129: {  	v62 =	vor.u32 v3, v8;
	[tilespmem:s25+$0x70] =	vst v19  }
0x12a: {  	v5 =	vor.u32 v3, v5;
	v6 =	vld.idx.msk [tilespmem:v58+s14+$0x0], $0xffff  }
0x12b: {  	v63 =	vor.u32 v3, v9;
	v10 =	vld.idx.msk [tilespmem:v59+s14+$0x0], $0xffff  }
0x12c: {  	v4 =	vor.u32 v3, v4;
	v7 =	vld.idx.msk [tilespmem:v60+s14+$0x0], $0xffff  }
0x12d: {  	v11 =	vld.idx.msk [tilespmem:v61+s14+$0x0], $0xffff  }
0x12e: {  	v8 =	vld.idx.msk [tilespmem:v62+s14+$0x0], $0xffff  }
0x12f: {  	v5 =	vld.idx.msk [tilespmem:v5+s14+$0x0], $0xffff  }
0x130: {  	v9 =	vld.idx.msk [tilespmem:v63+s14+$0x0], $0xffff  }
0x131: {  	v4 =	vld.idx.msk [tilespmem:v4+s14+$0x0], $0xffff;
	[tilespmem:s25+$0xA0] =	vst v7  }
0x132: {  	[tilespmem:s25+$0xB0] =	vst v11  }
0x133: {  	[tilespmem:s25+$0xC0] =	vst v8  }
0x134: {  	[tilespmem:s25+$0xD0] =	vst v5  }
.Ltmp9:
0x135: {  	s24 =	sadd.s32 s6, s24;
	[tilespmem:s25+$0x80] =	vst v6;
	(pc) =	sbr.rel .LBB2_10-.Ltmp9, $4  }
0x136: {  	s24 =	sshll.u32 s24, $0xC;
	[tilespmem:s25+$0x90] =	vst v10  }
0x137: {  	s24 =	sand.u32 $0x1FFFF000, s24;
	[tilespmem:s25+$0xE0] =	vst v9  }
0x138: {  	s24 =	sadd.s32 s4, s24;
	[tilespmem:s25+$0xF0] =	vst v4  }
0x139: {  	[hbm4b:s24+s5] =	stream.linear.scatter [tilespmem:s19], [sflag:$0x3], $0x8000, $0x38;
	[tilespmem:$0x14800] =	vst v63  }
.LBB2_12:
0x13a: {  	_ =	sfence.sel $0x180000  }
0x13b: {  	[bflag:$0x0] =	sbarrier.arrive $0xFFFF  }
0x13c: {  	p0 =	sne.s32 s0, $0x0;
	_ =	strace $0x90000047  }
0x13d: {  	s0 =	sadd.s32 @!p0 $0x100000, s2;
	[bflag:$0x2] =	sbarrier.arrive $0xFFFF  }
0x13e: {  	[sflag:s0] =	ssyncadd.tile.s32 @!p0 $0x1;
	_ =	shalt  }
.Lfunc_end2:
_tile_overlayer_lowered:
.L_overlay_start_2:
0x13f: {  	(tag) =	ssettag $0x2  }
0x140: {  	s0 =	rddreg [dreg:$0x0];
	s2 =	stileid.u32  }
0x141: {  	s1 =	rddreg [dreg:$0x1];
	p0 =	sne.s32 s2, $0x0  }
0x142: {  	s3 =	rddreg [dreg:$0x2];
	[bflag:$0x3] =	sbarrier.arrive $0xFFFF;
	s2 =	simm.s32 @!p0 $0x1C04  }
0x143: {  	[timem:s3], [sflag:s2] =	dma.local @!p0 [hbm:s0], s1  }
0x144: {  	s0 =	simm.s32 @!p0 $0x4  }
0x145: {  	_ =	swait.ge @!p0 [sflag:s0], s1  }
0x146: {  	s1 =	ssub.s32 @!p0 $0x0, s1;
	[sflag:s0] =	ssyncset.done @!p0 $0x0  }
0x147: {  	[sflag:s0] =	ssyncadd.s32 @!p0 s1  }
0x148: {  	[bflag:$0x3] =	sbarrier.arrive $0xFFFF  }
0x149: {  	_ =	shalt  }

</sc_bundles>
